<compile_context>
chip_gen: v7x
topology: tpu7x:2x2x1
jax: 0.10.2.dev20260603
libtpu: 0.0.44.dev20260713+nightly
codegen_flags: <defaults>
</compile_context>

<pallas_src>
import numpy as np
import jax
import jax.numpy as jnp
from jax import lax
from jax.experimental import pallas as pl
from jax.experimental.pallas import tpu as pltpu
from jax.experimental.pallas import tpu_sc as plsc

N = 10000
E = 320000
D = 128
H = 4
DH = D // H
NC = 2
NS = 16
C = 40
EW = E // (NC * NS)
CHUNKS = EW // C
ACC_W = D + 16
NR = N // C
NRT = -(-NR // NS)


_GATHER_DNUMS = lax.GatherDimensionNumbers(
    offset_dims=(), collapsed_slice_dims=(0,), start_index_map=(0,))


def _shuffle(v, idx):
    return lax.gather(v, idx[:, None], _GATHER_DNUMS, (1,),
                      mode=lax.GatherScatterMode.PROMISE_IN_BOUNDS)


def _sc_body(q_hbm, kv_hbm, rows_hbm, cols_hbm, out_hbm,
             rows_v, cols_v, q_v, kv_v, out_v, acc,
             sem_i, sem_g, sem_s):
    cid = lax.axis_index("c")
    sid = lax.axis_index("s")
    lane = lax.iota(jnp.int32, 16)
    zvec = jnp.zeros((16,), jnp.float32)
    perms = [jnp.bitwise_xor(lane, w) for w in (8, 4, 2, 1)]

    ebase = (cid * NS + sid) * EW

    def _issue_idx(i, rslot, cslot):
        base = ebase + i * C
        pltpu.async_copy(rows_hbm.at[pl.ds(base, C)], rows_v.at[rslot],
                         sem_i.at[rslot])
        pltpu.async_copy(cols_hbm.at[pl.ds(base, C)], cols_v.at[cslot],
                         sem_i.at[rslot])

    def _wait_idx(rslot, cslot):
        pltpu.make_async_copy(rows_hbm.at[pl.ds(0, C)], rows_v.at[rslot],
                              sem_i.at[rslot]).wait()
        pltpu.make_async_copy(cols_hbm.at[pl.ds(0, C)], cols_v.at[cslot],
                              sem_i.at[rslot]).wait()

    def _issue_gathers(rslot, cslot, gslot):
        pltpu.async_copy(q_hbm.at[rows_v.at[rslot]], q_v.at[gslot],
                         sem_g.at[gslot])
        pltpu.async_copy(kv_hbm.at[cols_v.at[cslot]], kv_v.at[gslot],
                         sem_g.at[gslot])

    def _wait_gathers(gslot):
        pltpu.make_async_copy(q_hbm.at[pl.ds(0, C)], q_v.at[gslot],
                              sem_g.at[gslot]).wait()
        pltpu.make_async_copy(kv_hbm.at[pl.ds(0, C)], kv_v.at[gslot],
                              sem_g.at[gslot]).wait()

    def _wait_scatter():
        pltpu.make_async_copy(out_hbm.at[0, pl.ds(0, C), :], out_v,
                              sem_s).wait()

    def _compute(gslot):
        @plsc.parallel_loop(0, C, step=1, unroll=4)
        def _edge(e):
            tail = zvec
            for h in range(H):
                qa, qb = plsc.unpack(q_v[gslot, e, pl.ds(DH * h, DH)],
                                     format=plsc.PackFormat.INTERLEAVED)
                ka, kb = plsc.unpack(kv_v[gslot, e, pl.ds(DH * h, DH)],
                                     format=plsc.PackFormat.INTERLEAVED)
                sv = qa * ka + qb * kb
                for p in perms:
                    sv = sv + _shuffle(sv, p)
                sv = jnp.minimum(jnp.maximum(sv, -10.0), 10.0)
                bh = jnp.exp(sv)
                tail = jnp.where(lane == h, bh, tail)
                va, vb = plsc.unpack(kv_v[gslot, e, pl.ds(D + DH * h, DH)],
                                     format=plsc.PackFormat.INTERLEAVED)
                out_v[e, pl.ds(DH * h, 16)] = va * bh
                out_v[e, pl.ds(DH * h + 16, 16)] = vb * bh
            out_v[e, pl.ds(D, 16)] = tail

    pltpu.sync_copy(rows_hbm.at[pl.ds(ebase, C)], rows_v.at[0])
    pltpu.sync_copy(cols_hbm.at[pl.ds(ebase, C)], cols_v.at[0])
    _issue_gathers(0, 0, 0)
    _issue_idx(1, 1, 1)

    def _zrow(r, carry):
        for j in range(ACC_W // 16):
            out_v[r, pl.ds(16 * j, 16)] = zvec
        return carry
    lax.fori_loop(0, C, _zrow, 0)

    def _zchunk(j, carry):
        @pl.when(sid + NS * j < NR)
        def _():
            pltpu.async_copy(out_v, acc.at[pl.ds((sid + NS * j) * C, C), :],
                             sem_s)
        return carry
    lax.fori_loop(0, NRT, _zchunk, 0)

    def _zdrain(j, carry):
        @pl.when(sid + NS * j < NR)
        def _():
            pltpu.make_async_copy(out_v, acc.at[pl.ds(0, C), :],
                                  sem_s).wait()
        return carry
    lax.fori_loop(0, NRT, _zdrain, 0)
    plsc.subcore_barrier()

    def _chunk(j, carry):
        gslot = lax.rem(j, 2)
        ngslot = 1 - gslot
        rslot = lax.rem(j, 3)
        nrslot = lax.rem(j + 1, 3)
        _wait_gathers(gslot)

        @pl.when(j + 1 < CHUNKS)
        def _():
            _wait_idx(nrslot, ngslot)
            _issue_gathers(nrslot, ngslot, ngslot)

        @pl.when(j > 0)
        def _():
            _wait_scatter()

        @pl.when(j + 2 < CHUNKS)
        def _():
            _issue_idx(j + 2, lax.rem(j + 2, 3), gslot)

        _compute(gslot)
        pltpu.async_copy(out_v, acc.at[rows_v.at[rslot]], sem_s, add=True)
        return carry
    lax.fori_loop(0, CHUNKS, _chunk, 0)
    _wait_scatter()
    plsc.subcore_barrier()

    def _wchunk(j, carry):
        idx = sid + NS * j
        @pl.when(idx < NR)
        def _():
            pltpu.async_copy(acc.at[pl.ds(idx * C, C), :],
                             out_hbm.at[cid, pl.ds(idx * C, C), :], sem_s)
        return carry
    lax.fori_loop(0, NRT, _wchunk, 0)

    def _wdrain(j, carry):
        @pl.when(sid + NS * j < NR)
        def _():
            pltpu.make_async_copy(acc.at[pl.ds(0, C), :],
                                  out_hbm.at[cid, pl.ds(0, C), :],
                                  sem_s).wait()
        return carry
    lax.fori_loop(0, NRT, _wdrain, 0)


_edge_call = pl.kernel(
    _sc_body,
    out_type=jax.ShapeDtypeStruct((NC, N, ACC_W), jnp.float32),
    mesh=plsc.VectorSubcoreMesh(core_axis_name="c", subcore_axis_name="s",
                                num_cores=NC, num_subcores=NS),
    compiler_params=pltpu.CompilerParams(use_tc_tiling_on_sc=False,
                                         needs_layout_passes=False),
    scratch_types=[
        pltpu.VMEM((3, C), jnp.int32),
        pltpu.VMEM((2, C), jnp.int32),
        pltpu.VMEM((2, C, D), jnp.bfloat16),
        pltpu.VMEM((2, C, 2 * D), jnp.bfloat16),
        pltpu.VMEM((C, ACC_W), jnp.float32),
        pltpu.VMEM_SHARED((N, ACC_W), jnp.float32),
        pltpu.SemaphoreType.DMA((3,)),
        pltpu.SemaphoreType.DMA((2,)),
        pltpu.SemaphoreType.DMA,
    ],
)


def _proj(x, qT, kT, vT):
    BR = 2000

    def body(x_ref, q_ref, k_ref, v_ref, qo, kvo):
        xb = x_ref[...]
        qo[...] = jnp.dot(
            xb, q_ref[...],
            preferred_element_type=jnp.float32).astype(jnp.bfloat16)
        kvo[...] = jnp.concatenate(
            [jnp.dot(xb, k_ref[...], preferred_element_type=jnp.float32),
             jnp.dot(xb, v_ref[...], preferred_element_type=jnp.float32)],
            axis=1).astype(jnp.bfloat16)

    return pl.pallas_call(
        body,
        grid=(N // BR,),
        in_specs=[pl.BlockSpec((BR, D), lambda i: (i, 0)),
                  pl.BlockSpec((D, D), lambda i: (0, 0)),
                  pl.BlockSpec((D, D), lambda i: (0, 0)),
                  pl.BlockSpec((D, D), lambda i: (0, 0))],
        out_specs=[pl.BlockSpec((BR, D), lambda i: (i, 0)),
                   pl.BlockSpec((BR, 2 * D), lambda i: (i, 0))],
        out_shape=[jax.ShapeDtypeStruct((N, D), jnp.bfloat16),
                   jax.ShapeDtypeStruct((N, 2 * D), jnp.bfloat16)],
    )(x, qT, kT, vT)


_S = np.zeros((16, D), dtype=np.float32)
for _h in range(H):
    _S[_h, DH * _h:DH * (_h + 1)] = 1.0

_M = np.zeros((D, D), dtype=np.float32)
for _h in range(H):
    for _j in range(16):
        _M[DH * _h + _j, DH * _h + 2 * _j] = 1.0
        _M[DH * _h + 16 + _j, DH * _h + 2 * _j + 1] = 1.0


def _finalize(partial, s_mat, m_mat):
    BR = 1000

    def body(p_ref, s_ref, m_ref, o_ref):
        num = p_ref[0, :, 0:D] + p_ref[1, :, 0:D]
        dvec = p_ref[0, :, D:ACC_W] + p_ref[1, :, D:ACC_W]
        den = jnp.dot(dvec, s_ref[...], preferred_element_type=jnp.float32)
        o_ref[...] = jnp.dot(num / (den + 1e-8), m_ref[...],
                             preferred_element_type=jnp.float32)

    return pl.pallas_call(
        body,
        grid=(N // BR,),
        in_specs=[pl.BlockSpec((NC, BR, ACC_W), lambda i: (0, i, 0)),
                  pl.BlockSpec((16, D), lambda i: (0, 0)),
                  pl.BlockSpec((D, D), lambda i: (0, 0))],
        out_specs=pl.BlockSpec((BR, D), lambda i: (i, 0)),
        out_shape=jax.ShapeDtypeStruct((N, D), jnp.float32),
    )(partial, s_mat, m_mat)


def kernel(x, edge_index, qTrans, kTrans, vTrans):
    q, kv = _proj(x, qTrans, kTrans, vTrans)
    rows = edge_index[0]
    cols = edge_index[1]
    partial = _edge_call(q, kv, rows, cols)
    return _finalize(partial, jnp.asarray(_S), jnp.asarray(_M))

# --- scband reference (transcript-rebuilt; emitter-appended) ---
"""Pipeline reference for scband-lrmrec-encoder-4355096839070 (READ-ONLY COPY).

The authoritative reference and input builder live on the scoring server;
editing this copy changes nothing except your own understanding.
"""

import jax, jax.numpy as jnp
import numpy as np

N = 10000
E = 320000
D = 128
H = 4

def _xavier_uniform(key, shape):
    fan_in, fan_out = shape[0], shape[1]
    limit = float(np.sqrt(6.0 / (fan_in + fan_out)))
    return jax.random.uniform(key, shape, minval=-limit, maxval=limit, dtype=jnp.float32)

def setup_inputs(seed: int = 0) -> dict:
    key = jax.random.key(seed)
    k1, k2, k3, k4, k5 = jax.random.split(key, 5)
    x = jax.random.normal(k1, (N, D), dtype=jnp.float32)
    edge_index = jax.random.randint(k2, (2, E), 0, N, dtype=jnp.int32)
    qTrans = _xavier_uniform(k3, (D, D))
    kTrans = _xavier_uniform(k4, (D, D))
    vTrans = _xavier_uniform(k5, (D, D))
    return {"x": x, "edge_index": edge_index, "qTrans": qTrans, "kTrans": kTrans, "vTrans": vTrans}

def reference(x, edge_index, qTrans, kTrans, vTrans):
    # GTLayer forward (core message passing of LRMRec_Encoder)
    rows = edge_index[0]
    cols = edge_index[1]
    rowEmbeds = jnp.take(x, rows, axis=0)          # gather [E, D]
    colEmbeds = jnp.take(x, cols, axis=0)          # gather [E, D]
    qEmbeds = (rowEmbeds @ qTrans).reshape(E, H, D // H)
    kEmbeds = (colEmbeds @ kTrans).reshape(E, H, D // H)
    vEmbeds = (colEmbeds @ vTrans).reshape(E, H, D // H)
    att = jnp.einsum('ehd,ehd->eh', qEmbeds, kEmbeds)   # [E, H]
    att = jnp.clip(att, -10.0, 10.0)
    expAtt = jnp.exp(att)
    # scatter-add per destination node, then gather back (edge-softmax denominator)
    attNormNode = jax.ops.segment_sum(expAtt, rows, num_segments=N)  # [N, H]
    attNorm = jnp.take(attNormNode, rows, axis=0)                    # [E, H]
    attW = expAtt / (attNorm + 1e-08)
    resEdges = (attW[..., None] * vEmbeds).reshape(E, D)             # [E, D]
    resEmbeds = jax.ops.segment_sum(resEdges, rows, num_segments=N)  # scatter-add [N, D]
    return resEmbeds

if __name__ == "__main__":
    import jax
    _d = setup_inputs()
    print(jax.jit(kernel)(*tuple(_d.values())))

</pallas_src>

<mosaic_0001>
#map = affine_map<(d0, d1) -> (0, 0)>
#map1 = affine_map<(d0, d1) -> (0)>
#map2 = affine_map<(d0, d1) -> (0, 0, 0)>
module attributes {stable_mosaic.version = 14 : i64} {
  func.func @_sc_body(%arg0: i32, %arg1: i32, %arg2: memref<10000x128xbf16, #tpu.memory_space<hbm>>, %arg3: memref<10000x256xbf16, #tpu.memory_space<hbm>>, %arg4: memref<320000xi32, #tpu.memory_space<hbm>>, %arg5: memref<320000xi32, #tpu.memory_space<hbm>>, %arg6: memref<2x10000x144xf32, #tpu.memory_space<hbm>>, %arg7: memref<3x40xi32, #tpu.memory_space<vmem>>, %arg8: memref<2x40xi32, #tpu.memory_space<vmem>>, %arg9: memref<2x40x128xbf16, #tpu.memory_space<vmem>>, %arg10: memref<2x40x256xbf16, #tpu.memory_space<vmem>>, %arg11: memref<40x144xf32, #tpu.memory_space<vmem>>, %arg12: memref<10000x144xf32, #tpu.memory_space<vmem_shared>>, %arg13: memref<3x!tpu.dma_semaphore, #tpu.memory_space<semaphore_mem>>, %arg14: memref<2x!tpu.dma_semaphore, #tpu.memory_space<semaphore_mem>>, %arg15: memref<!tpu.dma_semaphore, #tpu.memory_space<semaphore_mem>>) attributes {dimension_semantics = [#tpu.dimension_semantics<core_parallel>, #tpu.dimension_semantics<subcore_parallel>], iteration_bounds = array<i64: 2, 16>, scalar_prefetch = 0 : i64, scratch_operands = 9 : i64, tpu.core_type = #tpu.core_type<sc_vector_subcore>, window_params = [{transform_indices = #map}, {transform_indices = #map}, {transform_indices = #map1}, {transform_indices = #map1}, {transform_indices = #map2}]} {
    %iota3A = tpu.iota {dimensions = array<i32: 0>} : vector<16xi32>
    %broadcast_in_dim3A = arith.constant 0.000000e+00 : f32
    %broadcast_in_dim3A_0 = vector.broadcast %broadcast_in_dim3A : f32 to vector<16xf32>
    %xor3A = arith.constant 8 : i32
    %xor3A_1 = vector.broadcast %xor3A : i32 to vector<16xi32>
    %xor3A_2 = arith.xori %iota3A, %xor3A_1 : vector<16xi32>
    %xor3A_3 = arith.constant 4 : i32
    %xor3A_4 = vector.broadcast %xor3A_3 : i32 to vector<16xi32>
    %xor3A_5 = arith.xori %iota3A, %xor3A_4 : vector<16xi32>
    %xor3A_6 = arith.constant 2 : i32
    %xor3A_7 = vector.broadcast %xor3A_6 : i32 to vector<16xi32>
    %xor3A_8 = arith.xori %iota3A, %xor3A_7 : vector<16xi32>
    %xor3A_9 = arith.constant 1 : i32
    %xor3A_10 = vector.broadcast %xor3A_9 : i32 to vector<16xi32>
    %xor3A_11 = arith.xori %iota3A, %xor3A_10 : vector<16xi32>
    %mul3A = arith.constant 16 : i32
    %mul3A_12 = arith.muli %arg0, %mul3A : i32
    %add3A = arith.addi %mul3A_12, %arg1 : i32
    %mul3A_13 = arith.constant 10000 : i32
    %mul3A_14 = arith.muli %add3A, %mul3A_13 : i32
    %run_scoped3A = arith.constant 0 : i32
    "tpu.region"() ({
      %run_scoped3A_115 = tpu.sem_alloc : memref<!tpu.dma_semaphore, #tpu.memory_space<semaphore_mem>>
      %dma_start3A_116 = arith.constant 0 : i32
      %dma_start3A_117 = tpu.memref_slice %arg7[%run_scoped3A, %dma_start3A_116] : memref<3x40xi32, #tpu.memory_space<vmem>> -> memref<1x40xi32, #tpu.memory_space<vmem>>
      %dma_start3A_118 = tpu.memref_squeeze %dma_start3A_117 : memref<1x40xi32, #tpu.memory_space<vmem>> -> memref<40xi32, #tpu.memory_space<vmem>>
      %dma_start3A_119 = tpu.memref_slice %arg4[%mul3A_14] : memref<320000xi32, #tpu.memory_space<hbm>> -> memref<40xi32, #tpu.memory_space<hbm>>
      %dma_start3A_120 = arith.constant 0 : i32
      %dma_start3A_121 = tpu.memref_slice %arg7[%run_scoped3A, %dma_start3A_120] : memref<3x40xi32, #tpu.memory_space<vmem>> -> memref<1x40xi32, #tpu.memory_space<vmem>>
      %dma_start3A_122 = tpu.memref_squeeze %dma_start3A_121 : memref<1x40xi32, #tpu.memory_space<vmem>> -> memref<40xi32, #tpu.memory_space<vmem>>
      %dma_start3A_123 = tpu.memref_slice %arg4[%mul3A_14] : memref<320000xi32, #tpu.memory_space<hbm>> -> memref<40xi32, #tpu.memory_space<hbm>>
      tpu.enqueue_dma source(%dma_start3A_123 : memref<40xi32, #tpu.memory_space<hbm>>) target(%dma_start3A_122 : memref<40xi32, #tpu.memory_space<vmem>>) target_semaphore(%run_scoped3A_115 : memref<!tpu.dma_semaphore, #tpu.memory_space<semaphore_mem>>)
      %dma_wait3A_124 = arith.constant 0 : i32
      %dma_wait3A_125 = tpu.memref_slice %arg7[%run_scoped3A, %dma_wait3A_124] : memref<3x40xi32, #tpu.memory_space<vmem>> -> memref<1x40xi32, #tpu.memory_space<vmem>>
      %dma_wait3A_126 = tpu.memref_squeeze %dma_wait3A_125 : memref<1x40xi32, #tpu.memory_space<vmem>> -> memref<40xi32, #tpu.memory_space<vmem>>
      %dma_wait3A_127 = tpu.memref_slice %arg4[%mul3A_14] : memref<320000xi32, #tpu.memory_space<hbm>> -> memref<40xi32, #tpu.memory_space<hbm>>
      %dma_wait3A_128 = arith.constant 0 : i32
      %dma_wait3A_129 = tpu.memref_slice %arg7[%run_scoped3A, %dma_wait3A_128] : memref<3x40xi32, #tpu.memory_space<vmem>> -> memref<1x40xi32, #tpu.memory_space<vmem>>
      %dma_wait3A_130 = tpu.memref_squeeze %dma_wait3A_129 : memref<1x40xi32, #tpu.memory_space<vmem>> -> memref<40xi32, #tpu.memory_space<vmem>>
      %dma_wait3A_131 = tpu.memref_slice %arg4[%mul3A_14] : memref<320000xi32, #tpu.memory_space<hbm>> -> memref<40xi32, #tpu.memory_space<hbm>>
      tpu.wait_dma2 semaphore(%run_scoped3A_115 : memref<!tpu.dma_semaphore, #tpu.memory_space<semaphore_mem>>) src(%dma_wait3A_131 : memref<40xi32, #tpu.memory_space<hbm>>) dst(%dma_wait3A_130 : memref<40xi32, #tpu.memory_space<vmem>>)
      tpu.yield
    }) : () -> ()
    %run_scoped3A_15 = arith.constant 0 : i32
    "tpu.region"() ({
      %run_scoped3A_115 = tpu.sem_alloc : memref<!tpu.dma_semaphore, #tpu.memory_space<semaphore_mem>>
      %dma_start3A_116 = arith.constant 0 : i32
      %dma_start3A_117 = tpu.memref_slice %arg8[%run_scoped3A_15, %dma_start3A_116] : memref<2x40xi32, #tpu.memory_space<vmem>> -> memref<1x40xi32, #tpu.memory_space<vmem>>
      %dma_start3A_118 = tpu.memref_squeeze %dma_start3A_117 : memref<1x40xi32, #tpu.memory_space<vmem>> -> memref<40xi32, #tpu.memory_space<vmem>>
      %dma_start3A_119 = tpu.memref_slice %arg5[%mul3A_14] : memref<320000xi32, #tpu.memory_space<hbm>> -> memref<40xi32, #tpu.memory_space<hbm>>
      %dma_start3A_120 = arith.constant 0 : i32
      %dma_start3A_121 = tpu.memref_slice %arg8[%run_scoped3A_15, %dma_start3A_120] : memref<2x40xi32, #tpu.memory_space<vmem>> -> memref<1x40xi32, #tpu.memory_space<vmem>>
      %dma_start3A_122 = tpu.memref_squeeze %dma_start3A_121 : memref<1x40xi32, #tpu.memory_space<vmem>> -> memref<40xi32, #tpu.memory_space<vmem>>
      %dma_start3A_123 = tpu.memref_slice %arg5[%mul3A_14] : memref<320000xi32, #tpu.memory_space<hbm>> -> memref<40xi32, #tpu.memory_space<hbm>>
      tpu.enqueue_dma source(%dma_start3A_123 : memref<40xi32, #tpu.memory_space<hbm>>) target(%dma_start3A_122 : memref<40xi32, #tpu.memory_space<vmem>>) target_semaphore(%run_scoped3A_115 : memref<!tpu.dma_semaphore, #tpu.memory_space<semaphore_mem>>)
      %dma_wait3A_124 = arith.constant 0 : i32
      %dma_wait3A_125 = tpu.memref_slice %arg8[%run_scoped3A_15, %dma_wait3A_124] : memref<2x40xi32, #tpu.memory_space<vmem>> -> memref<1x40xi32, #tpu.memory_space<vmem>>
      %dma_wait3A_126 = tpu.memref_squeeze %dma_wait3A_125 : memref<1x40xi32, #tpu.memory_space<vmem>> -> memref<40xi32, #tpu.memory_space<vmem>>
      %dma_wait3A_127 = tpu.memref_slice %arg5[%mul3A_14] : memref<320000xi32, #tpu.memory_space<hbm>> -> memref<40xi32, #tpu.memory_space<hbm>>
      %dma_wait3A_128 = arith.constant 0 : i32
      %dma_wait3A_129 = tpu.memref_slice %arg8[%run_scoped3A_15, %dma_wait3A_128] : memref<2x40xi32, #tpu.memory_space<vmem>> -> memref<1x40xi32, #tpu.memory_space<vmem>>
      %dma_wait3A_130 = tpu.memref_squeeze %dma_wait3A_129 : memref<1x40xi32, #tpu.memory_space<vmem>> -> memref<40xi32, #tpu.memory_space<vmem>>
      %dma_wait3A_131 = tpu.memref_slice %arg5[%mul3A_14] : memref<320000xi32, #tpu.memory_space<hbm>> -> memref<40xi32, #tpu.memory_space<hbm>>
      tpu.wait_dma2 semaphore(%run_scoped3A_115 : memref<!tpu.dma_semaphore, #tpu.memory_space<semaphore_mem>>) src(%dma_wait3A_131 : memref<40xi32, #tpu.memory_space<hbm>>) dst(%dma_wait3A_130 : memref<40xi32, #tpu.memory_space<vmem>>)
      tpu.yield
    }) : () -> ()
    %dma_start3A = arith.constant 0 : i32
    %dma_start3A_16 = arith.constant 0 : i32
    %dma_start3A_17 = arith.constant 0 : i32
    %dma_start3A_18 = arith.constant 0 : i32
    %dma_start3A_19 = arith.constant 0 : i32
    %dma_start3A_20 = tpu.memref_slice %arg9[%dma_start3A_16, %dma_start3A_18, %dma_start3A_19] : memref<2x40x128xbf16, #tpu.memory_space<vmem>> -> memref<1x40x128xbf16, #tpu.memory_space<vmem>>
    %dma_start3A_21 = tpu.memref_squeeze %dma_start3A_20 : memref<1x40x128xbf16, #tpu.memory_space<vmem>> -> memref<40x128xbf16, #tpu.memory_space<vmem>>
    %dma_start3A_22 = arith.constant 0 : i32
    %dma_start3A_23 = tpu.memref_slice %arg7[%dma_start3A, %dma_start3A_22] : memref<3x40xi32, #tpu.memory_space<vmem>> -> memref<1x40xi32, #tpu.memory_space<vmem>>
    %dma_start3A_24 = tpu.memref_squeeze %dma_start3A_23 : memref<1x40xi32, #tpu.memory_space<vmem>> -> memref<40xi32, #tpu.memory_space<vmem>>
    %dma_start3A_25 = arith.constant 0 : i32
    %dma_start3A_26 = arith.constant 0 : i32
    %dma_start3A_27 = tpu.memref_slice %arg2[%dma_start3A_25, %dma_start3A_26] : memref<10000x128xbf16, #tpu.memory_space<hbm>> -> memref<10000x128xbf16, #tpu.memory_space<hbm>>
    %dma_start3A_28 = tpu.memref_slice %arg14[%dma_start3A_17] : memref<2x!tpu.dma_semaphore, #tpu.memory_space<semaphore_mem>> -> memref<1x!tpu.dma_semaphore, #tpu.memory_space<semaphore_mem>>
    %dma_start3A_29 = tpu.memref_squeeze %dma_start3A_28 : memref<1x!tpu.dma_semaphore, #tpu.memory_space<semaphore_mem>> -> memref<!tpu.dma_semaphore, #tpu.memory_space<semaphore_mem>>
    tpu.enqueue_indirect_dma source(%dma_start3A_27 : memref<10000x128xbf16, #tpu.memory_space<hbm>>) target(%dma_start3A_21 : memref<40x128xbf16, #tpu.memory_space<vmem>>) offsets(%dma_start3A_24 : memref<40xi32, #tpu.memory_space<vmem>>) semaphore(%dma_start3A_29 : memref<!tpu.dma_semaphore, #tpu.memory_space<semaphore_mem>>)
    %dma_start3A_30 = arith.constant 0 : i32
    %dma_start3A_31 = arith.constant 0 : i32
    %dma_start3A_32 = arith.constant 0 : i32
    %dma_start3A_33 = arith.constant 0 : i32
    %dma_start3A_34 = arith.constant 0 : i32
    %dma_start3A_35 = tpu.memref_slice %arg10[%dma_start3A_31, %dma_start3A_33, %dma_start3A_34] : memref<2x40x256xbf16, #tpu.memory_space<vmem>> -> memref<1x40x256xbf16, #tpu.memory_space<vmem>>
    %dma_start3A_36 = tpu.memref_squeeze %dma_start3A_35 : memref<1x40x256xbf16, #tpu.memory_space<vmem>> -> memref<40x256xbf16, #tpu.memory_space<vmem>>
    %dma_start3A_37 = arith.constant 0 : i32
    %dma_start3A_38 = tpu.memref_slice %arg8[%dma_start3A_30, %dma_start3A_37] : memref<2x40xi32, #tpu.memory_space<vmem>> -> memref<1x40xi32, #tpu.memory_space<vmem>>
    %dma_start3A_39 = tpu.memref_squeeze %dma_start3A_38 : memref<1x40xi32, #tpu.memory_space<vmem>> -> memref<40xi32, #tpu.memory_space<vmem>>
    %dma_start3A_40 = arith.constant 0 : i32
    %dma_start3A_41 = arith.constant 0 : i32
    %dma_start3A_42 = tpu.memref_slice %arg3[%dma_start3A_40, %dma_start3A_41] : memref<10000x256xbf16, #tpu.memory_space<hbm>> -> memref<10000x256xbf16, #tpu.memory_space<hbm>>
    %dma_start3A_43 = tpu.memref_slice %arg14[%dma_start3A_32] : memref<2x!tpu.dma_semaphore, #tpu.memory_space<semaphore_mem>> -> memref<1x!tpu.dma_semaphore, #tpu.memory_space<semaphore_mem>>
    %dma_start3A_44 = tpu.memref_squeeze %dma_start3A_43 : memref<1x!tpu.dma_semaphore, #tpu.memory_space<semaphore_mem>> -> memref<!tpu.dma_semaphore, #tpu.memory_space<semaphore_mem>>
    tpu.enqueue_indirect_dma source(%dma_start3A_42 : memref<10000x256xbf16, #tpu.memory_space<hbm>>) target(%dma_start3A_36 : memref<40x256xbf16, #tpu.memory_space<vmem>>) offsets(%dma_start3A_39 : memref<40xi32, #tpu.memory_space<vmem>>) semaphore(%dma_start3A_44 : memref<!tpu.dma_semaphore, #tpu.memory_space<semaphore_mem>>)
    %add3A_45 = arith.constant 40 : i32
    %add3A_46 = arith.addi %mul3A_14, %add3A_45 : i32
    %dma_start3A_47 = arith.constant 1 : i32
    %dma_start3A_48 = arith.constant 1 : i32
    %dma_start3A_49 = arith.constant 0 : i32
    %dma_start3A_50 = tpu.memref_slice %arg7[%dma_start3A_47, %dma_start3A_49] : memref<3x40xi32, #tpu.memory_space<vmem>> -> memref<1x40xi32, #tpu.memory_space<vmem>>
    %dma_start3A_51 = tpu.memref_squeeze %dma_start3A_50 : memref<1x40xi32, #tpu.memory_space<vmem>> -> memref<40xi32, #tpu.memory_space<vmem>>
    %dma_start3A_52 = tpu.memref_slice %arg4[%add3A_46] : memref<320000xi32, #tpu.memory_space<hbm>> -> memref<40xi32, #tpu.memory_space<hbm>>
    %dma_start3A_53 = tpu.memref_slice %arg13[%dma_start3A_48] : memref<3x!tpu.dma_semaphore, #tpu.memory_space<semaphore_mem>> -> memref<1x!tpu.dma_semaphore, #tpu.memory_space<semaphore_mem>>
    %dma_start3A_54 = tpu.memref_squeeze %dma_start3A_53 : memref<1x!tpu.dma_semaphore, #tpu.memory_space<semaphore_mem>> -> memref<!tpu.dma_semaphore, #tpu.memory_space<semaphore_mem>>
    %dma_start3A_55 = arith.constant 0 : i32
    %dma_start3A_56 = tpu.memref_slice %arg7[%dma_start3A_47, %dma_start3A_55] : memref<3x40xi32, #tpu.memory_space<vmem>> -> memref<1x40xi32, #tpu.memory_space<vmem>>
    %dma_start3A_57 = tpu.memref_squeeze %dma_start3A_56 : memref<1x40xi32, #tpu.memory_space<vmem>> -> memref<40xi32, #tpu.memory_space<vmem>>
    %dma_start3A_58 = tpu.memref_slice %arg4[%add3A_46] : memref<320000xi32, #tpu.memory_space<hbm>> -> memref<40xi32, #tpu.memory_space<hbm>>
    tpu.enqueue_dma source(%dma_start3A_58 : memref<40xi32, #tpu.memory_space<hbm>>) target(%dma_start3A_57 : memref<40xi32, #tpu.memory_space<vmem>>) target_semaphore(%dma_start3A_54 : memref<!tpu.dma_semaphore, #tpu.memory_space<semaphore_mem>>)
    %dma_start3A_59 = arith.constant 1 : i32
    %dma_start3A_60 = arith.constant 1 : i32
    %dma_start3A_61 = arith.constant 0 : i32
    %dma_start3A_62 = tpu.memref_slice %arg8[%dma_start3A_59, %dma_start3A_61] : memref<2x40xi32, #tpu.memory_space<vmem>> -> memref<1x40xi32, #tpu.memory_space<vmem>>
    %dma_start3A_63 = tpu.memref_squeeze %dma_start3A_62 : memref<1x40xi32, #tpu.memory_space<vmem>> -> memref<40xi32, #tpu.memory_space<vmem>>
    %dma_start3A_64 = tpu.memref_slice %arg5[%add3A_46] : memref<320000xi32, #tpu.memory_space<hbm>> -> memref<40xi32, #tpu.memory_space<hbm>>
    %dma_start3A_65 = tpu.memref_slice %arg13[%dma_start3A_60] : memref<3x!tpu.dma_semaphore, #tpu.memory_space<semaphore_mem>> -> memref<1x!tpu.dma_semaphore, #tpu.memory_space<semaphore_mem>>
    %dma_start3A_66 = tpu.memref_squeeze %dma_start3A_65 : memref<1x!tpu.dma_semaphore, #tpu.memory_space<semaphore_mem>> -> memref<!tpu.dma_semaphore, #tpu.memory_space<semaphore_mem>>
    %dma_start3A_67 = arith.constant 0 : i32
    %dma_start3A_68 = tpu.memref_slice %arg8[%dma_start3A_59, %dma_start3A_67] : memref<2x40xi32, #tpu.memory_space<vmem>> -> memref<1x40xi32, #tpu.memory_space<vmem>>
    %dma_start3A_69 = tpu.memref_squeeze %dma_start3A_68 : memref<1x40xi32, #tpu.memory_space<vmem>> -> memref<40xi32, #tpu.memory_space<vmem>>
    %dma_start3A_70 = tpu.memref_slice %arg5[%add3A_46] : memref<320000xi32, #tpu.memory_space<hbm>> -> memref<40xi32, #tpu.memory_space<hbm>>
    tpu.enqueue_dma source(%dma_start3A_70 : memref<40xi32, #tpu.memory_space<hbm>>) target(%dma_start3A_69 : memref<40xi32, #tpu.memory_space<vmem>>) target_semaphore(%dma_start3A_66 : memref<!tpu.dma_semaphore, #tpu.memory_space<semaphore_mem>>)
    %scan3A = arith.constant 0 : i32
    %scan3A_71 = arith.constant 0 : i32
    %scan3A_72 = arith.constant 40 : i32
    %scan3A_73 = arith.addi %scan3A_71, %scan3A_72 : i32
    %scan3A_74 = arith.constant 1 : i32
    scf.for %scan3A_115 = %scan3A_71 to %scan3A_73 step %scan3A_74  : i32 {
      %swap3A = arith.index_cast %scan3A_115 : i32 to index
      %swap3A_116 = arith.constant 0 : index
      %swap3A_117 = tpu.vector_load %arg11[%swap3A, %swap3A_116] {strides = array<i32>} : memref<40x144xf32, #tpu.memory_space<vmem>>, vector<16xf32>,
      tpu.vector_store %arg11[%swap3A, %swap3A_116], %broadcast_in_dim3A_0 {strides = array<i32>} : memref<40x144xf32, #tpu.memory_space<vmem>>, vector<16xf32>,
      %swap3A_118 = arith.index_cast %scan3A_115 : i32 to index
      %swap3A_119 = arith.constant 16 : index
      %swap3A_120 = tpu.vector_load %arg11[%swap3A_118, %swap3A_119] {strides = array<i32>} : memref<40x144xf32, #tpu.memory_space<vmem>>, vector<16xf32>,
      tpu.vector_store %arg11[%swap3A_118, %swap3A_119], %broadcast_in_dim3A_0 {strides = array<i32>} : memref<40x144xf32, #tpu.memory_space<vmem>>, vector<16xf32>,
      %swap3A_121 = arith.index_cast %scan3A_115 : i32 to index
      %swap3A_122 = arith.constant 32 : index
      %swap3A_123 = tpu.vector_load %arg11[%swap3A_121, %swap3A_122] {strides = array<i32>} : memref<40x144xf32, #tpu.memory_space<vmem>>, vector<16xf32>,
      tpu.vector_store %arg11[%swap3A_121, %swap3A_122], %broadcast_in_dim3A_0 {strides = array<i32>} : memref<40x144xf32, #tpu.memory_space<vmem>>, vector<16xf32>,
      %swap3A_124 = arith.index_cast %scan3A_115 : i32 to index
      %swap3A_125 = arith.constant 48 : index
      %swap3A_126 = tpu.vector_load %arg11[%swap3A_124, %swap3A_125] {strides = array<i32>} : memref<40x144xf32, #tpu.memory_space<vmem>>, vector<16xf32>,
      tpu.vector_store %arg11[%swap3A_124, %swap3A_125], %broadcast_in_dim3A_0 {strides = array<i32>} : memref<40x144xf32, #tpu.memory_space<vmem>>, vector<16xf32>,
      %swap3A_127 = arith.index_cast %scan3A_115 : i32 to index
      %swap3A_128 = arith.constant 64 : index
      %swap3A_129 = tpu.vector_load %arg11[%swap3A_127, %swap3A_128] {strides = array<i32>} : memref<40x144xf32, #tpu.memory_space<vmem>>, vector<16xf32>,
      tpu.vector_store %arg11[%swap3A_127, %swap3A_128], %broadcast_in_dim3A_0 {strides = array<i32>} : memref<40x144xf32, #tpu.memory_space<vmem>>, vector<16xf32>,
      %swap3A_130 = arith.index_cast %scan3A_115 : i32 to index
      %swap3A_131 = arith.constant 80 : index
      %swap3A_132 = tpu.vector_load %arg11[%swap3A_130, %swap3A_131] {strides = array<i32>} : memref<40x144xf32, #tpu.memory_space<vmem>>, vector<16xf32>,
      tpu.vector_store %arg11[%swap3A_130, %swap3A_131], %broadcast_in_dim3A_0 {strides = array<i32>} : memref<40x144xf32, #tpu.memory_space<vmem>>, vector<16xf32>,
      %swap3A_133 = arith.index_cast %scan3A_115 : i32 to index
      %swap3A_134 = arith.constant 96 : index
      %swap3A_135 = tpu.vector_load %arg11[%swap3A_133, %swap3A_134] {strides = array<i32>} : memref<40x144xf32, #tpu.memory_space<vmem>>, vector<16xf32>,
      tpu.vector_store %arg11[%swap3A_133, %swap3A_134], %broadcast_in_dim3A_0 {strides = array<i32>} : memref<40x144xf32, #tpu.memory_space<vmem>>, vector<16xf32>,
      %swap3A_136 = arith.index_cast %scan3A_115 : i32 to index
      %swap3A_137 = arith.constant 112 : index
      %swap3A_138 = tpu.vector_load %arg11[%swap3A_136, %swap3A_137] {strides = array<i32>} : memref<40x144xf32, #tpu.memory_space<vmem>>, vector<16xf32>,
      tpu.vector_store %arg11[%swap3A_136, %swap3A_137], %broadcast_in_dim3A_0 {strides = array<i32>} : memref<40x144xf32, #tpu.memory_space<vmem>>, vector<16xf32>,
      %swap3A_139 = arith.index_cast %scan3A_115 : i32 to index
      %swap3A_140 = arith.constant 128 : index
      %swap3A_141 = tpu.vector_load %arg11[%swap3A_139, %swap3A_140] {strides = array<i32>} : memref<40x144xf32, #tpu.memory_space<vmem>>, vector<16xf32>,
      tpu.vector_store %arg11[%swap3A_139, %swap3A_140], %broadcast_in_dim3A_0 {strides = array<i32>} : memref<40x144xf32, #tpu.memory_space<vmem>>, vector<16xf32>,
    }
    %scan3A_75 = arith.constant 40 : i32
    %scan3A_76 = arith.constant 0 : i32
    %scan3A_77 = arith.constant 0 : i32
    %scan3A_78 = arith.constant 16 : i32
    %scan3A_79 = arith.addi %scan3A_77, %scan3A_78 : i32
    %scan3A_80 = arith.constant 1 : i32
    scf.for %scan3A_115 = %scan3A_77 to %scan3A_79 step %scan3A_80  : i32 {
      %mul3A_116 = arith.constant 16 : i32
      %mul3A_117 = arith.muli %mul3A_116, %scan3A_115 : i32
      %add3A_118 = arith.addi %arg1, %mul3A_117 : i32
      %lt3A = arith.constant 250 : i32
      %lt3A_119 = arith.cmpi slt, %add3A_118, %lt3A : i32
      %convert_element_type3A = arith.extui %lt3A_119 : i1 to i32
      %cond3A = arith.constant 0 : i32
      %cond3A_120 = arith.cmpi ne, %convert_element_type3A, %cond3A : i32
      scf.if %cond3A_120 {
        %mul3A_121 = arith.constant 16 : i32
        %mul3A_122 = arith.muli %mul3A_121, %scan3A_115 : i32
        %add3A_123 = arith.addi %arg1, %mul3A_122 : i32
        %mul3A_124 = arith.constant 40 : i32
        %mul3A_125 = arith.muli %add3A_123, %mul3A_124 : i32
        %dma_start3A_126 = arith.constant 0 : i32
        %dma_start3A_127 = tpu.memref_slice %arg12[%mul3A_125, %dma_start3A_126] : memref<10000x144xf32, #tpu.memory_space<vmem_shared>> -> memref<40x144xf32, #tpu.memory_space<vmem_shared>>
        %dma_start3A_128 = arith.constant 0 : i32
        %dma_start3A_129 = tpu.memref_slice %arg12[%mul3A_125, %dma_start3A_128] : memref<10000x144xf32, #tpu.memory_space<vmem_shared>> -> memref<40x144xf32, #tpu.memory_space<vmem_shared>>
        tpu.enqueue_dma source(%arg11 : memref<40x144xf32, #tpu.memory_space<vmem>>) target(%dma_start3A_129 : memref<40x144xf32, #tpu.memory_space<vmem_shared>>) target_semaphore(%arg15 : memref<!tpu.dma_semaphore, #tpu.memory_space<semaphore_mem>>)
      } else {
      }
    }
    %scan3A_81 = arith.constant 16 : i32
    %scan3A_82 = arith.constant 0 : i32
    %scan3A_83 = arith.constant 0 : i32
    %scan3A_84 = arith.constant 16 : i32
    %scan3A_85 = arith.addi %scan3A_83, %scan3A_84 : i32
    %scan3A_86 = arith.constant 1 : i32
    scf.for %scan3A_115 = %scan3A_83 to %scan3A_85 step %scan3A_86  : i32 {
      %mul3A_116 = arith.constant 16 : i32
      %mul3A_117 = arith.muli %mul3A_116, %scan3A_115 : i32
      %add3A_118 = arith.addi %arg1, %mul3A_117 : i32
      %lt3A = arith.constant 250 : i32
      %lt3A_119 = arith.cmpi slt, %add3A_118, %lt3A : i32
      %convert_element_type3A = arith.extui %lt3A_119 : i1 to i32
      %cond3A = arith.constant 0 : i32
      %cond3A_120 = arith.cmpi ne, %convert_element_type3A, %cond3A : i32
      scf.if %cond3A_120 {
        %dma_wait3A_121 = arith.constant 0 : i32
        %dma_wait3A_122 = arith.constant 0 : i32
        %dma_wait3A_123 = tpu.memref_slice %arg12[%dma_wait3A_121, %dma_wait3A_122] : memref<10000x144xf32, #tpu.memory_space<vmem_shared>> -> memref<40x144xf32, #tpu.memory_space<vmem_shared>>
        %dma_wait3A_124 = arith.constant 0 : i32
        %dma_wait3A_125 = arith.constant 0 : i32
        %dma_wait3A_126 = tpu.memref_slice %arg12[%dma_wait3A_124, %dma_wait3A_125] : memref<10000x144xf32, #tpu.memory_space<vmem_shared>> -> memref<40x144xf32, #tpu.memory_space<vmem_shared>>
        tpu.wait_dma2 semaphore(%arg15 : memref<!tpu.dma_semaphore, #tpu.memory_space<semaphore_mem>>) src(%arg11 : memref<40x144xf32, #tpu.memory_space<vmem>>) dst(%dma_wait3A_126 : memref<40x144xf32, #tpu.memory_space<vmem_shared>>)
      } else {
      }
    }
    %scan3A_87 = arith.constant 16 : i32
    %barrier3A = arith.constant 0 : index
    tpu.barrier barrier_id(%barrier3A)
    %scan3A_88 = arith.constant 0 : i32
    %scan3A_89 = arith.constant 0 : i32
    %scan3A_90 = arith.constant 250 : i32
    %scan3A_91 = arith.addi %scan3A_89, %scan3A_90 : i32
    %scan3A_92 = arith.constant 1 : i32
    scf.for %scan3A_115 = %scan3A_89 to %scan3A_91 step %scan3A_92  : i32 {
      %rem3A = arith.constant 2 : i32
      %rem3A_116 = arith.remsi %scan3A_115, %rem3A : i32
      %sub3A = arith.constant 1 : i32
      %sub3A_117 = arith.subi %sub3A, %rem3A_116 : i32
      %rem3A_118 = arith.constant 3 : i32
      %rem3A_119 = arith.remsi %scan3A_115, %rem3A_118 : i32
      %add3A_120 = arith.constant 1 : i32
      %add3A_121 = arith.addi %scan3A_115, %add3A_120 : i32
      %rem3A_122 = arith.constant 3 : i32
      %rem3A_123 = arith.remsi %add3A_121, %rem3A_122 : i32
      %dma_wait3A_124 = arith.constant 0 : i32
      %dma_wait3A_125 = arith.constant 0 : i32
      %dma_wait3A_126 = tpu.memref_slice %arg9[%rem3A_116, %dma_wait3A_124, %dma_wait3A_125] : memref<2x40x128xbf16, #tpu.memory_space<vmem>> -> memref<1x40x128xbf16, #tpu.memory_space<vmem>>
      %dma_wait3A_127 = tpu.memref_squeeze %dma_wait3A_126 : memref<1x40x128xbf16, #tpu.memory_space<vmem>> -> memref<40x128xbf16, #tpu.memory_space<vmem>>
      %dma_wait3A_128 = arith.constant 0 : i32
      %dma_wait3A_129 = arith.constant 0 : i32
      %dma_wait3A_130 = tpu.memref_slice %arg2[%dma_wait3A_128, %dma_wait3A_129] : memref<10000x128xbf16, #tpu.memory_space<hbm>> -> memref<40x128xbf16, #tpu.memory_space<hbm>>
      %dma_wait3A_131 = tpu.memref_slice %arg14[%rem3A_116] : memref<2x!tpu.dma_semaphore, #tpu.memory_space<semaphore_mem>> -> memref<1x!tpu.dma_semaphore, #tpu.memory_space<semaphore_mem>>
      %dma_wait3A_132 = tpu.memref_squeeze %dma_wait3A_131 : memref<1x!tpu.dma_semaphore, #tpu.memory_space<semaphore_mem>> -> memref<!tpu.dma_semaphore, #tpu.memory_space<semaphore_mem>>
      %dma_wait3A_133 = arith.constant 0 : i32
      %dma_wait3A_134 = arith.constant 0 : i32
      %dma_wait3A_135 = tpu.memref_slice %arg9[%rem3A_116, %dma_wait3A_133, %dma_wait3A_134] : memref<2x40x128xbf16, #tpu.memory_space<vmem>> -> memref<1x40x128xbf16, #tpu.memory_space<vmem>>
      %dma_wait3A_136 = tpu.memref_squeeze %dma_wait3A_135 : memref<1x40x128xbf16, #tpu.memory_space<vmem>> -> memref<40x128xbf16, #tpu.memory_space<vmem>>
      %dma_wait3A_137 = arith.constant 0 : i32
      %dma_wait3A_138 = arith.constant 0 : i32
      %dma_wait3A_139 = tpu.memref_slice %arg2[%dma_wait3A_137, %dma_wait3A_138] : memref<10000x128xbf16, #tpu.memory_space<hbm>> -> memref<40x128xbf16, #tpu.memory_space<hbm>>
      tpu.wait_dma2 semaphore(%dma_wait3A_132 : memref<!tpu.dma_semaphore, #tpu.memory_space<semaphore_mem>>) src(%dma_wait3A_139 : memref<40x128xbf16, #tpu.memory_space<hbm>>) dst(%dma_wait3A_136 : memref<40x128xbf16, #tpu.memory_space<vmem>>)
      %dma_wait3A_140 = arith.constant 0 : i32
      %dma_wait3A_141 = arith.constant 0 : i32
      %dma_wait3A_142 = tpu.memref_slice %arg10[%rem3A_116, %dma_wait3A_140, %dma_wait3A_141] : memref<2x40x256xbf16, #tpu.memory_space<vmem>> -> memref<1x40x256xbf16, #tpu.memory_space<vmem>>
      %dma_wait3A_143 = tpu.memref_squeeze %dma_wait3A_142 : memref<1x40x256xbf16, #tpu.memory_space<vmem>> -> memref<40x256xbf16, #tpu.memory_space<vmem>>
      %dma_wait3A_144 = arith.constant 0 : i32
      %dma_wait3A_145 = arith.constant 0 : i32
      %dma_wait3A_146 = tpu.memref_slice %arg3[%dma_wait3A_144, %dma_wait3A_145] : memref<10000x256xbf16, #tpu.memory_space<hbm>> -> memref<40x256xbf16, #tpu.memory_space<hbm>>
      %dma_wait3A_147 = tpu.memref_slice %arg14[%rem3A_116] : memref<2x!tpu.dma_semaphore, #tpu.memory_space<semaphore_mem>> -> memref<1x!tpu.dma_semaphore, #tpu.memory_space<semaphore_mem>>
      %dma_wait3A_148 = tpu.memref_squeeze %dma_wait3A_147 : memref<1x!tpu.dma_semaphore, #tpu.memory_space<semaphore_mem>> -> memref<!tpu.dma_semaphore, #tpu.memory_space<semaphore_mem>>
      %dma_wait3A_149 = arith.constant 0 : i32
      %dma_wait3A_150 = arith.constant 0 : i32
      %dma_wait3A_151 = tpu.memref_slice %arg10[%rem3A_116, %dma_wait3A_149, %dma_wait3A_150] : memref<2x40x256xbf16, #tpu.memory_space<vmem>> -> memref<1x40x256xbf16, #tpu.memory_space<vmem>>
      %dma_wait3A_152 = tpu.memref_squeeze %dma_wait3A_151 : memref<1x40x256xbf16, #tpu.memory_space<vmem>> -> memref<40x256xbf16, #tpu.memory_space<vmem>>
      %dma_wait3A_153 = arith.constant 0 : i32
      %dma_wait3A_154 = arith.constant 0 : i32
      %dma_wait3A_155 = tpu.memref_slice %arg3[%dma_wait3A_153, %dma_wait3A_154] : memref<10000x256xbf16, #tpu.memory_space<hbm>> -> memref<40x256xbf16, #tpu.memory_space<hbm>>
      tpu.wait_dma2 semaphore(%dma_wait3A_148 : memref<!tpu.dma_semaphore, #tpu.memory_space<semaphore_mem>>) src(%dma_wait3A_155 : memref<40x256xbf16, #tpu.memory_space<hbm>>) dst(%dma_wait3A_152 : memref<40x256xbf16, #tpu.memory_space<vmem>>)
      %add3A_156 = arith.constant 1 : i32
      %add3A_157 = arith.addi %scan3A_115, %add3A_156 : i32
      %lt3A = arith.constant 250 : i32
      %lt3A_158 = arith.cmpi slt, %add3A_157, %lt3A : i32
      %convert_element_type3A = arith.extui %lt3A_158 : i1 to i32
      %cond3A = arith.constant 0 : i32
      %cond3A_159 = arith.cmpi ne, %convert_element_type3A, %cond3A : i32
      scf.if %cond3A_159 {
        %dma_wait3A_179 = arith.constant 0 : i32
        %dma_wait3A_180 = tpu.memref_slice %arg7[%rem3A_123, %dma_wait3A_179] : memref<3x40xi32, #tpu.memory_space<vmem>> -> memref<1x40xi32, #tpu.memory_space<vmem>>
        %dma_wait3A_181 = tpu.memref_squeeze %dma_wait3A_180 : memref<1x40xi32, #tpu.memory_space<vmem>> -> memref<40xi32, #tpu.memory_space<vmem>>
        %dma_wait3A_182 = arith.constant 0 : i32
        %dma_wait3A_183 = tpu.memref_slice %arg4[%dma_wait3A_182] : memref<320000xi32, #tpu.memory_space<hbm>> -> memref<40xi32, #tpu.memory_space<hbm>>
        %dma_wait3A_184 = tpu.memref_slice %arg13[%rem3A_123] : memref<3x!tpu.dma_semaphore, #tpu.memory_space<semaphore_mem>> -> memref<1x!tpu.dma_semaphore, #tpu.memory_space<semaphore_mem>>
        %dma_wait3A_185 = tpu.memref_squeeze %dma_wait3A_184 : memref<1x!tpu.dma_semaphore, #tpu.memory_space<semaphore_mem>> -> memref<!tpu.dma_semaphore, #tpu.memory_space<semaphore_mem>>
        %dma_wait3A_186 = arith.constant 0 : i32
        %dma_wait3A_187 = tpu.memref_slice %arg7[%rem3A_123, %dma_wait3A_186] : memref<3x40xi32, #tpu.memory_space<vmem>> -> memref<1x40xi32, #tpu.memory_space<vmem>>
        %dma_wait3A_188 = tpu.memref_squeeze %dma_wait3A_187 : memref<1x40xi32, #tpu.memory_space<vmem>> -> memref<40xi32, #tpu.memory_space<vmem>>
        %dma_wait3A_189 = arith.constant 0 : i32
        %dma_wait3A_190 = tpu.memref_slice %arg4[%dma_wait3A_189] : memref<320000xi32, #tpu.memory_space<hbm>> -> memref<40xi32, #tpu.memory_space<hbm>>
        tpu.wait_dma2 semaphore(%dma_wait3A_185 : memref<!tpu.dma_semaphore, #tpu.memory_space<semaphore_mem>>) src(%dma_wait3A_190 : memref<40xi32, #tpu.memory_space<hbm>>) dst(%dma_wait3A_188 : memref<40xi32, #tpu.memory_space<vmem>>)
        %dma_wait3A_191 = arith.constant 0 : i32
        %dma_wait3A_192 = tpu.memref_slice %arg8[%sub3A_117, %dma_wait3A_191] : memref<2x40xi32, #tpu.memory_space<vmem>> -> memref<1x40xi32, #tpu.memory_space<vmem>>
        %dma_wait3A_193 = tpu.memref_squeeze %dma_wait3A_192 : memref<1x40xi32, #tpu.memory_space<vmem>> -> memref<40xi32, #tpu.memory_space<vmem>>
        %dma_wait3A_194 = arith.constant 0 : i32
        %dma_wait3A_195 = tpu.memref_slice %arg5[%dma_wait3A_194] : memref<320000xi32, #tpu.memory_space<hbm>> -> memref<40xi32, #tpu.memory_space<hbm>>
        %dma_wait3A_196 = tpu.memref_slice %arg13[%rem3A_123] : memref<3x!tpu.dma_semaphore, #tpu.memory_space<semaphore_mem>> -> memref<1x!tpu.dma_semaphore, #tpu.memory_space<semaphore_mem>>
        %dma_wait3A_197 = tpu.memref_squeeze %dma_wait3A_196 : memref<1x!tpu.dma_semaphore, #tpu.memory_space<semaphore_mem>> -> memref<!tpu.dma_semaphore, #tpu.memory_space<semaphore_mem>>
        %dma_wait3A_198 = arith.constant 0 : i32
        %dma_wait3A_199 = tpu.memref_slice %arg8[%sub3A_117, %dma_wait3A_198] : memref<2x40xi32, #tpu.memory_space<vmem>> -> memref<1x40xi32, #tpu.memory_space<vmem>>
        %dma_wait3A_200 = tpu.memref_squeeze %dma_wait3A_199 : memref<1x40xi32, #tpu.memory_space<vmem>> -> memref<40xi32, #tpu.memory_space<vmem>>
        %dma_wait3A_201 = arith.constant 0 : i32
        %dma_wait3A_202 = tpu.memref_slice %arg5[%dma_wait3A_201] : memref<320000xi32, #tpu.memory_space<hbm>> -> memref<40xi32, #tpu.memory_space<hbm>>
        tpu.wait_dma2 semaphore(%dma_wait3A_197 : memref<!tpu.dma_semaphore, #tpu.memory_space<semaphore_mem>>) src(%dma_wait3A_202 : memref<40xi32, #tpu.memory_space<hbm>>) dst(%dma_wait3A_200 : memref<40xi32, #tpu.memory_space<vmem>>)
        %dma_start3A_203 = arith.constant 0 : i32
        %dma_start3A_204 = arith.constant 0 : i32
        %dma_start3A_205 = tpu.memref_slice %arg9[%sub3A_117, %dma_start3A_203, %dma_start3A_204] : memref<2x40x128xbf16, #tpu.memory_space<vmem>> -> memref<1x40x128xbf16, #tpu.memory_space<vmem>>
        %dma_start3A_206 = tpu.memref_squeeze %dma_start3A_205 : memref<1x40x128xbf16, #tpu.memory_space<vmem>> -> memref<40x128xbf16, #tpu.memory_space<vmem>>
        %dma_start3A_207 = arith.constant 0 : i32
        %dma_start3A_208 = tpu.memref_slice %arg7[%rem3A_123, %dma_start3A_207] : memref<3x40xi32, #tpu.memory_space<vmem>> -> memref<1x40xi32, #tpu.memory_space<vmem>>
        %dma_start3A_209 = tpu.memref_squeeze %dma_start3A_208 : memref<1x40xi32, #tpu.memory_space<vmem>> -> memref<40xi32, #tpu.memory_space<vmem>>
        %dma_start3A_210 = arith.constant 0 : i32
        %dma_start3A_211 = arith.constant 0 : i32
        %dma_start3A_212 = tpu.memref_slice %arg2[%dma_start3A_210, %dma_start3A_211] : memref<10000x128xbf16, #tpu.memory_space<hbm>> -> memref<10000x128xbf16, #tpu.memory_space<hbm>>
        %dma_start3A_213 = tpu.memref_slice %arg14[%sub3A_117] : memref<2x!tpu.dma_semaphore, #tpu.memory_space<semaphore_mem>> -> memref<1x!tpu.dma_semaphore, #tpu.memory_space<semaphore_mem>>
        %dma_start3A_214 = tpu.memref_squeeze %dma_start3A_213 : memref<1x!tpu.dma_semaphore, #tpu.memory_space<semaphore_mem>> -> memref<!tpu.dma_semaphore, #tpu.memory_space<semaphore_mem>>
        tpu.enqueue_indirect_dma source(%dma_start3A_212 : memref<10000x128xbf16, #tpu.memory_space<hbm>>) target(%dma_start3A_206 : memref<40x128xbf16, #tpu.memory_space<vmem>>) offsets(%dma_start3A_209 : memref<40xi32, #tpu.memory_space<vmem>>) semaphore(%dma_start3A_214 : memref<!tpu.dma_semaphore, #tpu.memory_space<semaphore_mem>>)
        %dma_start3A_215 = arith.constant 0 : i32
        %dma_start3A_216 = arith.constant 0 : i32
        %dma_start3A_217 = tpu.memref_slice %arg10[%sub3A_117, %dma_start3A_215, %dma_start3A_216] : memref<2x40x256xbf16, #tpu.memory_space<vmem>> -> memref<1x40x256xbf16, #tpu.memory_space<vmem>>
        %dma_start3A_218 = tpu.memref_squeeze %dma_start3A_217 : memref<1x40x256xbf16, #tpu.memory_space<vmem>> -> memref<40x256xbf16, #tpu.memory_space<vmem>>
        %dma_start3A_219 = arith.constant 0 : i32
        %dma_start3A_220 = tpu.memref_slice %arg8[%sub3A_117, %dma_start3A_219] : memref<2x40xi32, #tpu.memory_space<vmem>> -> memref<1x40xi32, #tpu.memory_space<vmem>>
        %dma_start3A_221 = tpu.memref_squeeze %dma_start3A_220 : memref<1x40xi32, #tpu.memory_space<vmem>> -> memref<40xi32, #tpu.memory_space<vmem>>
        %dma_start3A_222 = arith.constant 0 : i32
        %dma_start3A_223 = arith.constant 0 : i32
        %dma_start3A_224 = tpu.memref_slice %arg3[%dma_start3A_222, %dma_start3A_223] : memref<10000x256xbf16, #tpu.memory_space<hbm>> -> memref<10000x256xbf16, #tpu.memory_space<hbm>>
        %dma_start3A_225 = tpu.memref_slice %arg14[%sub3A_117] : memref<2x!tpu.dma_semaphore, #tpu.memory_space<semaphore_mem>> -> memref<1x!tpu.dma_semaphore, #tpu.memory_space<semaphore_mem>>
        %dma_start3A_226 = tpu.memref_squeeze %dma_start3A_225 : memref<1x!tpu.dma_semaphore, #tpu.memory_space<semaphore_mem>> -> memref<!tpu.dma_semaphore, #tpu.memory_space<semaphore_mem>>
        tpu.enqueue_indirect_dma source(%dma_start3A_224 : memref<10000x256xbf16, #tpu.memory_space<hbm>>) target(%dma_start3A_218 : memref<40x256xbf16, #tpu.memory_space<vmem>>) offsets(%dma_start3A_221 : memref<40xi32, #tpu.memory_space<vmem>>) semaphore(%dma_start3A_226 : memref<!tpu.dma_semaphore, #tpu.memory_space<semaphore_mem>>)
      } else {
      }
      %gt3A = arith.constant 0 : i32
      %gt3A_160 = arith.cmpi sgt, %scan3A_115, %gt3A : i32
      %convert_element_type3A_161 = arith.extui %gt3A_160 : i1 to i32
      %cond3A_162 = arith.constant 0 : i32
      %cond3A_163 = arith.cmpi ne, %convert_element_type3A_161, %cond3A_162 : i32
      scf.if %cond3A_163 {
        %dma_wait3A_179 = arith.constant 0 : i32
        %dma_wait3A_180 = arith.constant 0 : i32
        %dma_wait3A_181 = arith.constant 0 : i32
        %dma_wait3A_182 = tpu.memref_slice %arg6[%dma_wait3A_179, %dma_wait3A_180, %dma_wait3A_181] : memref<2x10000x144xf32, #tpu.memory_space<hbm>> -> memref<1x40x144xf32, #tpu.memory_space<hbm>>
        %dma_wait3A_183 = tpu.memref_squeeze %dma_wait3A_182 : memref<1x40x144xf32, #tpu.memory_space<hbm>> -> memref<40x144xf32, #tpu.memory_space<hbm>>
        %dma_wait3A_184 = arith.constant 0 : i32
        %dma_wait3A_185 = arith.constant 0 : i32
        %dma_wait3A_186 = tpu.memref_slice %arg6[%dma_wait3A_179, %dma_wait3A_184, %dma_wait3A_185] : memref<2x10000x144xf32, #tpu.memory_space<hbm>> -> memref<1x40x144xf32, #tpu.memory_space<hbm>>
        %dma_wait3A_187 = tpu.memref_squeeze %dma_wait3A_186 : memref<1x40x144xf32, #tpu.memory_space<hbm>> -> memref<40x144xf32, #tpu.memory_space<hbm>>
        tpu.wait_dma2 semaphore(%arg15 : memref<!tpu.dma_semaphore, #tpu.memory_space<semaphore_mem>>) src(%dma_wait3A_187 : memref<40x144xf32, #tpu.memory_space<hbm>>) dst(%arg11 : memref<40x144xf32, #tpu.memory_space<vmem>>)
      } else {
      }
      %add3A_164 = arith.constant 2 : i32
      %add3A_165 = arith.addi %scan3A_115, %add3A_164 : i32
      %lt3A_166 = arith.constant 250 : i32
      %lt3A_167 = arith.cmpi slt, %add3A_165, %lt3A_166 : i32
      %convert_element_type3A_168 = arith.extui %lt3A_167 : i1 to i32
      %cond3A_169 = arith.constant 0 : i32
      %cond3A_170 = arith.cmpi ne, %convert_element_type3A_168, %cond3A_169 : i32
      scf.if %cond3A_170 {
        %add3A_179 = arith.constant 2 : i32
        %add3A_180 = arith.addi %scan3A_115, %add3A_179 : i32
        %add3A_181 = arith.constant 2 : i32
        %add3A_182 = arith.addi %scan3A_115, %add3A_181 : i32
        %rem3A_183 = arith.constant 3 : i32
        %rem3A_184 = arith.remsi %add3A_182, %rem3A_183 : i32
        %mul3A_185 = arith.constant 40 : i32
        %mul3A_186 = arith.muli %add3A_180, %mul3A_185 : i32
        %add3A_187 = arith.addi %mul3A_14, %mul3A_186 : i32
        %dma_start3A_188 = arith.constant 0 : i32
        %dma_start3A_189 = tpu.memref_slice %arg7[%rem3A_184, %dma_start3A_188] : memref<3x40xi32, #tpu.memory_space<vmem>> -> memref<1x40xi32, #tpu.memory_space<vmem>>
        %dma_start3A_190 = tpu.memref_squeeze %dma_start3A_189 : memref<1x40xi32, #tpu.memory_space<vmem>> -> memref<40xi32, #tpu.memory_space<vmem>>
        %dma_start3A_191 = tpu.memref_slice %arg4[%add3A_187] : memref<320000xi32, #tpu.memory_space<hbm>> -> memref<40xi32, #tpu.memory_space<hbm>>
        %dma_start3A_192 = tpu.memref_slice %arg13[%rem3A_184] : memref<3x!tpu.dma_semaphore, #tpu.memory_space<semaphore_mem>> -> memref<1x!tpu.dma_semaphore, #tpu.memory_space<semaphore_mem>>
        %dma_start3A_193 = tpu.memref_squeeze %dma_start3A_192 : memref<1x!tpu.dma_semaphore, #tpu.memory_space<semaphore_mem>> -> memref<!tpu.dma_semaphore, #tpu.memory_space<semaphore_mem>>
        %dma_start3A_194 = arith.constant 0 : i32
        %dma_start3A_195 = tpu.memref_slice %arg7[%rem3A_184, %dma_start3A_194] : memref<3x40xi32, #tpu.memory_space<vmem>> -> memref<1x40xi32, #tpu.memory_space<vmem>>
        %dma_start3A_196 = tpu.memref_squeeze %dma_start3A_195 : memref<1x40xi32, #tpu.memory_space<vmem>> -> memref<40xi32, #tpu.memory_space<vmem>>
        %dma_start3A_197 = tpu.memref_slice %arg4[%add3A_187] : memref<320000xi32, #tpu.memory_space<hbm>> -> memref<40xi32, #tpu.memory_space<hbm>>
        tpu.enqueue_dma source(%dma_start3A_197 : memref<40xi32, #tpu.memory_space<hbm>>) target(%dma_start3A_196 : memref<40xi32, #tpu.memory_space<vmem>>) target_semaphore(%dma_start3A_193 : memref<!tpu.dma_semaphore, #tpu.memory_space<semaphore_mem>>)
        %dma_start3A_198 = arith.constant 0 : i32
        %dma_start3A_199 = tpu.memref_slice %arg8[%rem3A_116, %dma_start3A_198] : memref<2x40xi32, #tpu.memory_space<vmem>> -> memref<1x40xi32, #tpu.memory_space<vmem>>
        %dma_start3A_200 = tpu.memref_squeeze %dma_start3A_199 : memref<1x40xi32, #tpu.memory_space<vmem>> -> memref<40xi32, #tpu.memory_space<vmem>>
        %dma_start3A_201 = tpu.memref_slice %arg5[%add3A_187] : memref<320000xi32, #tpu.memory_space<hbm>> -> memref<40xi32, #tpu.memory_space<hbm>>
        %dma_start3A_202 = tpu.memref_slice %arg13[%rem3A_184] : memref<3x!tpu.dma_semaphore, #tpu.memory_space<semaphore_mem>> -> memref<1x!tpu.dma_semaphore, #tpu.memory_space<semaphore_mem>>
        %dma_start3A_203 = tpu.memref_squeeze %dma_start3A_202 : memref<1x!tpu.dma_semaphore, #tpu.memory_space<semaphore_mem>> -> memref<!tpu.dma_semaphore, #tpu.memory_space<semaphore_mem>>
        %dma_start3A_204 = arith.constant 0 : i32
        %dma_start3A_205 = tpu.memref_slice %arg8[%rem3A_116, %dma_start3A_204] : memref<2x40xi32, #tpu.memory_space<vmem>> -> memref<1x40xi32, #tpu.memory_space<vmem>>
        %dma_start3A_206 = tpu.memref_squeeze %dma_start3A_205 : memref<1x40xi32, #tpu.memory_space<vmem>> -> memref<40xi32, #tpu.memory_space<vmem>>
        %dma_start3A_207 = tpu.memref_slice %arg5[%add3A_187] : memref<320000xi32, #tpu.memory_space<hbm>> -> memref<40xi32, #tpu.memory_space<hbm>>
        tpu.enqueue_dma source(%dma_start3A_207 : memref<40xi32, #tpu.memory_space<hbm>>) target(%dma_start3A_206 : memref<40xi32, #tpu.memory_space<vmem>>) target_semaphore(%dma_start3A_203 : memref<!tpu.dma_semaphore, #tpu.memory_space<semaphore_mem>>)
      } else {
      }
      %parallel_loop3A = arith.constant 0 : i32
      %parallel_loop3A_171 = arith.constant 40 : i32
      %parallel_loop3A_172 = arith.constant 1 : i32
      scf.for %parallel_loop3A_179 = %parallel_loop3A to %parallel_loop3A_171 step %parallel_loop3A_172  : i32 {
        %parallel_loop3A_180 = arith.index_cast %rem3A_116 : i32 to index
        %parallel_loop3A_181 = arith.index_cast %parallel_loop3A_179 : i32 to index
        %parallel_loop3A_182 = arith.constant 0 : index
        %parallel_loop3A_183 = tpu.vector_load %arg9[%parallel_loop3A_180, %parallel_loop3A_181, %parallel_loop3A_182] {strides = array<i32>} : memref<2x40x128xbf16, #tpu.memory_space<vmem>>, vector<32xbf16>,
        %parallel_loop3A_184 = tpu.unpack_subelements %parallel_loop3A_183, 0 {pack_format = #tpu.pack_format<interleaved>} : vector<32xbf16> -> vector<16xf32>
        %parallel_loop3A_185 = tpu.unpack_subelements %parallel_loop3A_183, 1 {pack_format = #tpu.pack_format<interleaved>} : vector<32xbf16> -> vector<16xf32>
        %parallel_loop3A_186 = arith.index_cast %rem3A_116 : i32 to index
        %parallel_loop3A_187 = arith.index_cast %parallel_loop3A_179 : i32 to index
        %parallel_loop3A_188 = arith.constant 0 : index
        %parallel_loop3A_189 = tpu.vector_load %arg10[%parallel_loop3A_186, %parallel_loop3A_187, %parallel_loop3A_188] {strides = array<i32>} : memref<2x40x256xbf16, #tpu.memory_space<vmem>>, vector<32xbf16>,
        %parallel_loop3A_190 = tpu.unpack_subelements %parallel_loop3A_189, 0 {pack_format = #tpu.pack_format<interleaved>} : vector<32xbf16> -> vector<16xf32>
        %parallel_loop3A_191 = tpu.unpack_subelements %parallel_loop3A_189, 1 {pack_format = #tpu.pack_format<interleaved>} : vector<32xbf16> -> vector<16xf32>
        %parallel_loop3A_192 = arith.mulf %parallel_loop3A_184, %parallel_loop3A_190 : vector<16xf32>
        %parallel_loop3A_193 = arith.mulf %parallel_loop3A_185, %parallel_loop3A_191 : vector<16xf32>
        %parallel_loop3A_194 = arith.addf %parallel_loop3A_192, %parallel_loop3A_193 : vector<16xf32>
        %parallel_loop3A_195 = vector.shape_cast %xor3A_2 : vector<16xi32> to vector<16x1xi32>
        %parallel_loop3A_196 = vector.shape_cast %parallel_loop3A_195 : vector<16x1xi32> to vector<16xi32>
        %parallel_loop3A_197 = tpu.dynamic_gather %parallel_loop3A_194[%parallel_loop3A_196] in [0] : vector<16xf32>, vector<16xi32> -> vector<16xf32>
        %parallel_loop3A_198 = arith.addf %parallel_loop3A_194, %parallel_loop3A_197 : vector<16xf32>
        %parallel_loop3A_199 = vector.shape_cast %xor3A_5 : vector<16xi32> to vector<16x1xi32>
        %parallel_loop3A_200 = vector.shape_cast %parallel_loop3A_199 : vector<16x1xi32> to vector<16xi32>
        %parallel_loop3A_201 = tpu.dynamic_gather %parallel_loop3A_198[%parallel_loop3A_200] in [0] : vector<16xf32>, vector<16xi32> -> vector<16xf32>
        %parallel_loop3A_202 = arith.addf %parallel_loop3A_198, %parallel_loop3A_201 : vector<16xf32>
        %parallel_loop3A_203 = vector.shape_cast %xor3A_8 : vector<16xi32> to vector<16x1xi32>
        %parallel_loop3A_204 = vector.shape_cast %parallel_loop3A_203 : vector<16x1xi32> to vector<16xi32>
        %parallel_loop3A_205 = tpu.dynamic_gather %parallel_loop3A_202[%parallel_loop3A_204] in [0] : vector<16xf32>, vector<16xi32> -> vector<16xf32>
        %parallel_loop3A_206 = arith.addf %parallel_loop3A_202, %parallel_loop3A_205 : vector<16xf32>
        %parallel_loop3A_207 = vector.shape_cast %xor3A_11 : vector<16xi32> to vector<16x1xi32>
        %parallel_loop3A_208 = vector.shape_cast %parallel_loop3A_207 : vector<16x1xi32> to vector<16xi32>
        %parallel_loop3A_209 = tpu.dynamic_gather %parallel_loop3A_206[%parallel_loop3A_208] in [0] : vector<16xf32>, vector<16xi32> -> vector<16xf32>
        %parallel_loop3A_210 = arith.addf %parallel_loop3A_206, %parallel_loop3A_209 : vector<16xf32>
        %parallel_loop3A_211 = arith.constant -1.000000e+01 : f32
        %parallel_loop3A_212 = vector.broadcast %parallel_loop3A_211 : f32 to vector<16xf32>
        %parallel_loop3A_213 = arith.maximumf %parallel_loop3A_210, %parallel_loop3A_212 : vector<16xf32>
        %parallel_loop3A_214 = arith.constant 1.000000e+01 : f32
        %parallel_loop3A_215 = vector.broadcast %parallel_loop3A_214 : f32 to vector<16xf32>
        %parallel_loop3A_216 = arith.minimumf %parallel_loop3A_213, %parallel_loop3A_215 : vector<16xf32>
        %parallel_loop3A_217 = math.exp %parallel_loop3A_216 : vector<16xf32>
        %parallel_loop3A_218 = arith.constant 0 : i32
        %parallel_loop3A_219 = vector.broadcast %parallel_loop3A_218 : i32 to vector<16xi32>
        %parallel_loop3A_220 = arith.cmpi eq, %iota3A, %parallel_loop3A_219 : vector<16xi32>
        %parallel_loop3A_221 = arith.select %parallel_loop3A_220, %parallel_loop3A_217, %broadcast_in_dim3A_0 : vector<16xi1>, vector<16xf32>
        %parallel_loop3A_222 = arith.index_cast %rem3A_116 : i32 to index
        %parallel_loop3A_223 = arith.index_cast %parallel_loop3A_179 : i32 to index
        %parallel_loop3A_224 = arith.constant 128 : index
        %parallel_loop3A_225 = tpu.vector_load %arg10[%parallel_loop3A_222, %parallel_loop3A_223, %parallel_loop3A_224] {strides = array<i32>} : memref<2x40x256xbf16, #tpu.memory_space<vmem>>, vector<32xbf16>,
        %parallel_loop3A_226 = tpu.unpack_subelements %parallel_loop3A_225, 0 {pack_format = #tpu.pack_format<interleaved>} : vector<32xbf16> -> vector<16xf32>
        %parallel_loop3A_227 = tpu.unpack_subelements %parallel_loop3A_225, 1 {pack_format = #tpu.pack_format<interleaved>} : vector<32xbf16> -> vector<16xf32>
        %parallel_loop3A_228 = arith.mulf %parallel_loop3A_226, %parallel_loop3A_217 : vector<16xf32>
        %parallel_loop3A_229 = arith.index_cast %parallel_loop3A_179 : i32 to index
        %parallel_loop3A_230 = arith.constant 0 : index
        %parallel_loop3A_231 = tpu.vector_load %arg11[%parallel_loop3A_229, %parallel_loop3A_230] {strides = array<i32>} : memref<40x144xf32, #tpu.memory_space<vmem>>, vector<16xf32>,
        tpu.vector_store %arg11[%parallel_loop3A_229, %parallel_loop3A_230], %parallel_loop3A_228 {strides = array<i32>} : memref<40x144xf32, #tpu.memory_space<vmem>>, vector<16xf32>,
        %parallel_loop3A_232 = arith.mulf %parallel_loop3A_227, %parallel_loop3A_217 : vector<16xf32>
        %parallel_loop3A_233 = arith.index_cast %parallel_loop3A_179 : i32 to index
        %parallel_loop3A_234 = arith.constant 16 : index
        %parallel_loop3A_235 = tpu.vector_load %arg11[%parallel_loop3A_233, %parallel_loop3A_234] {strides = array<i32>} : memref<40x144xf32, #tpu.memory_space<vmem>>, vector<16xf32>,
        tpu.vector_store %arg11[%parallel_loop3A_233, %parallel_loop3A_234], %parallel_loop3A_232 {strides = array<i32>} : memref<40x144xf32, #tpu.memory_space<vmem>>, vector<16xf32>,
        %parallel_loop3A_236 = arith.index_cast %rem3A_116 : i32 to index
        %parallel_loop3A_237 = arith.index_cast %parallel_loop3A_179 : i32 to index
        %parallel_loop3A_238 = arith.constant 32 : index
        %parallel_loop3A_239 = tpu.vector_load %arg9[%parallel_loop3A_236, %parallel_loop3A_237, %parallel_loop3A_238] {strides = array<i32>} : memref<2x40x128xbf16, #tpu.memory_space<vmem>>, vector<32xbf16>,
        %parallel_loop3A_240 = tpu.unpack_subelements %parallel_loop3A_239, 0 {pack_format = #tpu.pack_format<interleaved>} : vector<32xbf16> -> vector<16xf32>
        %parallel_loop3A_241 = tpu.unpack_subelements %parallel_loop3A_239, 1 {pack_format = #tpu.pack_format<interleaved>} : vector<32xbf16> -> vector<16xf32>
        %parallel_loop3A_242 = arith.index_cast %rem3A_116 : i32 to index
        %parallel_loop3A_243 = arith.index_cast %parallel_loop3A_179 : i32 to index
        %parallel_loop3A_244 = arith.constant 32 : index
        %parallel_loop3A_245 = tpu.vector_load %arg10[%parallel_loop3A_242, %parallel_loop3A_243, %parallel_loop3A_244] {strides = array<i32>} : memref<2x40x256xbf16, #tpu.memory_space<vmem>>, vector<32xbf16>,
        %parallel_loop3A_246 = tpu.unpack_subelements %parallel_loop3A_245, 0 {pack_format = #tpu.pack_format<interleaved>} : vector<32xbf16> -> vector<16xf32>
        %parallel_loop3A_247 = tpu.unpack_subelements %parallel_loop3A_245, 1 {pack_format = #tpu.pack_format<interleaved>} : vector<32xbf16> -> vector<16xf32>
        %parallel_loop3A_248 = arith.mulf %parallel_loop3A_240, %parallel_loop3A_246 : vector<16xf32>
        %parallel_loop3A_249 = arith.mulf %parallel_loop3A_241, %parallel_loop3A_247 : vector<16xf32>
        %parallel_loop3A_250 = arith.addf %parallel_loop3A_248, %parallel_loop3A_249 : vector<16xf32>
        %parallel_loop3A_251 = vector.shape_cast %xor3A_2 : vector<16xi32> to vector<16x1xi32>
        %parallel_loop3A_252 = vector.shape_cast %parallel_loop3A_251 : vector<16x1xi32> to vector<16xi32>
        %parallel_loop3A_253 = tpu.dynamic_gather %parallel_loop3A_250[%parallel_loop3A_252] in [0] : vector<16xf32>, vector<16xi32> -> vector<16xf32>
        %parallel_loop3A_254 = arith.addf %parallel_loop3A_250, %parallel_loop3A_253 : vector<16xf32>
        %parallel_loop3A_255 = vector.shape_cast %xor3A_5 : vector<16xi32> to vector<16x1xi32>
        %parallel_loop3A_256 = vector.shape_cast %parallel_loop3A_255 : vector<16x1xi32> to vector<16xi32>
        %parallel_loop3A_257 = tpu.dynamic_gather %parallel_loop3A_254[%parallel_loop3A_256] in [0] : vector<16xf32>, vector<16xi32> -> vector<16xf32>
        %parallel_loop3A_258 = arith.addf %parallel_loop3A_254, %parallel_loop3A_257 : vector<16xf32>
        %parallel_loop3A_259 = vector.shape_cast %xor3A_8 : vector<16xi32> to vector<16x1xi32>
        %parallel_loop3A_260 = vector.shape_cast %parallel_loop3A_259 : vector<16x1xi32> to vector<16xi32>
        %parallel_loop3A_261 = tpu.dynamic_gather %parallel_loop3A_258[%parallel_loop3A_260] in [0] : vector<16xf32>, vector<16xi32> -> vector<16xf32>
        %parallel_loop3A_262 = arith.addf %parallel_loop3A_258, %parallel_loop3A_261 : vector<16xf32>
        %parallel_loop3A_263 = vector.shape_cast %xor3A_11 : vector<16xi32> to vector<16x1xi32>
        %parallel_loop3A_264 = vector.shape_cast %parallel_loop3A_263 : vector<16x1xi32> to vector<16xi32>
        %parallel_loop3A_265 = tpu.dynamic_gather %parallel_loop3A_262[%parallel_loop3A_264] in [0] : vector<16xf32>, vector<16xi32> -> vector<16xf32>
        %parallel_loop3A_266 = arith.addf %parallel_loop3A_262, %parallel_loop3A_265 : vector<16xf32>
        %parallel_loop3A_267 = arith.constant -1.000000e+01 : f32
        %parallel_loop3A_268 = vector.broadcast %parallel_loop3A_267 : f32 to vector<16xf32>
        %parallel_loop3A_269 = arith.maximumf %parallel_loop3A_266, %parallel_loop3A_268 : vector<16xf32>
        %parallel_loop3A_270 = arith.constant 1.000000e+01 : f32
        %parallel_loop3A_271 = vector.broadcast %parallel_loop3A_270 : f32 to vector<16xf32>
        %parallel_loop3A_272 = arith.minimumf %parallel_loop3A_269, %parallel_loop3A_271 : vector<16xf32>
        %parallel_loop3A_273 = math.exp %parallel_loop3A_272 : vector<16xf32>
        %parallel_loop3A_274 = arith.constant 1 : i32
        %parallel_loop3A_275 = vector.broadcast %parallel_loop3A_274 : i32 to vector<16xi32>
        %parallel_loop3A_276 = arith.cmpi eq, %iota3A, %parallel_loop3A_275 : vector<16xi32>
        %parallel_loop3A_277 = arith.select %parallel_loop3A_276, %parallel_loop3A_273, %parallel_loop3A_221 : vector<16xi1>, vector<16xf32>
        %parallel_loop3A_278 = arith.index_cast %rem3A_116 : i32 to index
        %parallel_loop3A_279 = arith.index_cast %parallel_loop3A_179 : i32 to index
        %parallel_loop3A_280 = arith.constant 160 : index
        %parallel_loop3A_281 = tpu.vector_load %arg10[%parallel_loop3A_278, %parallel_loop3A_279, %parallel_loop3A_280] {strides = array<i32>} : memref<2x40x256xbf16, #tpu.memory_space<vmem>>, vector<32xbf16>,
        %parallel_loop3A_282 = tpu.unpack_subelements %parallel_loop3A_281, 0 {pack_format = #tpu.pack_format<interleaved>} : vector<32xbf16> -> vector<16xf32>
        %parallel_loop3A_283 = tpu.unpack_subelements %parallel_loop3A_281, 1 {pack_format = #tpu.pack_format<interleaved>} : vector<32xbf16> -> vector<16xf32>
        %parallel_loop3A_284 = arith.mulf %parallel_loop3A_282, %parallel_loop3A_273 : vector<16xf32>
        %parallel_loop3A_285 = arith.index_cast %parallel_loop3A_179 : i32 to index
        %parallel_loop3A_286 = arith.constant 32 : index
        %parallel_loop3A_287 = tpu.vector_load %arg11[%parallel_loop3A_285, %parallel_loop3A_286] {strides = array<i32>} : memref<40x144xf32, #tpu.memory_space<vmem>>, vector<16xf32>,
        tpu.vector_store %arg11[%parallel_loop3A_285, %parallel_loop3A_286], %parallel_loop3A_284 {strides = array<i32>} : memref<40x144xf32, #tpu.memory_space<vmem>>, vector<16xf32>,
        %parallel_loop3A_288 = arith.mulf %parallel_loop3A_283, %parallel_loop3A_273 : vector<16xf32>
        %parallel_loop3A_289 = arith.index_cast %parallel_loop3A_179 : i32 to index
        %parallel_loop3A_290 = arith.constant 48 : index
        %parallel_loop3A_291 = tpu.vector_load %arg11[%parallel_loop3A_289, %parallel_loop3A_290] {strides = array<i32>} : memref<40x144xf32, #tpu.memory_space<vmem>>, vector<16xf32>,
        tpu.vector_store %arg11[%parallel_loop3A_289, %parallel_loop3A_290], %parallel_loop3A_288 {strides = array<i32>} : memref<40x144xf32, #tpu.memory_space<vmem>>, vector<16xf32>,
        %parallel_loop3A_292 = arith.index_cast %rem3A_116 : i32 to index
        %parallel_loop3A_293 = arith.index_cast %parallel_loop3A_179 : i32 to index
        %parallel_loop3A_294 = arith.constant 64 : index
        %parallel_loop3A_295 = tpu.vector_load %arg9[%parallel_loop3A_292, %parallel_loop3A_293, %parallel_loop3A_294] {strides = array<i32>} : memref<2x40x128xbf16, #tpu.memory_space<vmem>>, vector<32xbf16>,
        %parallel_loop3A_296 = tpu.unpack_subelements %parallel_loop3A_295, 0 {pack_format = #tpu.pack_format<interleaved>} : vector<32xbf16> -> vector<16xf32>
        %parallel_loop3A_297 = tpu.unpack_subelements %parallel_loop3A_295, 1 {pack_format = #tpu.pack_format<interleaved>} : vector<32xbf16> -> vector<16xf32>
        %parallel_loop3A_298 = arith.index_cast %rem3A_116 : i32 to index
        %parallel_loop3A_299 = arith.index_cast %parallel_loop3A_179 : i32 to index
        %parallel_loop3A_300 = arith.constant 64 : index
        %parallel_loop3A_301 = tpu.vector_load %arg10[%parallel_loop3A_298, %parallel_loop3A_299, %parallel_loop3A_300] {strides = array<i32>} : memref<2x40x256xbf16, #tpu.memory_space<vmem>>, vector<32xbf16>,
        %parallel_loop3A_302 = tpu.unpack_subelements %parallel_loop3A_301, 0 {pack_format = #tpu.pack_format<interleaved>} : vector<32xbf16> -> vector<16xf32>
        %parallel_loop3A_303 = tpu.unpack_subelements %parallel_loop3A_301, 1 {pack_format = #tpu.pack_format<interleaved>} : vector<32xbf16> -> vector<16xf32>
        %parallel_loop3A_304 = arith.mulf %parallel_loop3A_296, %parallel_loop3A_302 : vector<16xf32>
        %parallel_loop3A_305 = arith.mulf %parallel_loop3A_297, %parallel_loop3A_303 : vector<16xf32>
        %parallel_loop3A_306 = arith.addf %parallel_loop3A_304, %parallel_loop3A_305 : vector<16xf32>
        %parallel_loop3A_307 = vector.shape_cast %xor3A_2 : vector<16xi32> to vector<16x1xi32>
        %parallel_loop3A_308 = vector.shape_cast %parallel_loop3A_307 : vector<16x1xi32> to vector<16xi32>
        %parallel_loop3A_309 = tpu.dynamic_gather %parallel_loop3A_306[%parallel_loop3A_308] in [0] : vector<16xf32>, vector<16xi32> -> vector<16xf32>
        %parallel_loop3A_310 = arith.addf %parallel_loop3A_306, %parallel_loop3A_309 : vector<16xf32>
        %parallel_loop3A_311 = vector.shape_cast %xor3A_5 : vector<16xi32> to vector<16x1xi32>
        %parallel_loop3A_312 = vector.shape_cast %parallel_loop3A_311 : vector<16x1xi32> to vector<16xi32>
        %parallel_loop3A_313 = tpu.dynamic_gather %parallel_loop3A_310[%parallel_loop3A_312] in [0] : vector<16xf32>, vector<16xi32> -> vector<16xf32>
        %parallel_loop3A_314 = arith.addf %parallel_loop3A_310, %parallel_loop3A_313 : vector<16xf32>
        %parallel_loop3A_315 = vector.shape_cast %xor3A_8 : vector<16xi32> to vector<16x1xi32>
        %parallel_loop3A_316 = vector.shape_cast %parallel_loop3A_315 : vector<16x1xi32> to vector<16xi32>
        %parallel_loop3A_317 = tpu.dynamic_gather %parallel_loop3A_314[%parallel_loop3A_316] in [0] : vector<16xf32>, vector<16xi32> -> vector<16xf32>
        %parallel_loop3A_318 = arith.addf %parallel_loop3A_314, %parallel_loop3A_317 : vector<16xf32>
        %parallel_loop3A_319 = vector.shape_cast %xor3A_11 : vector<16xi32> to vector<16x1xi32>
        %parallel_loop3A_320 = vector.shape_cast %parallel_loop3A_319 : vector<16x1xi32> to vector<16xi32>
        %parallel_loop3A_321 = tpu.dynamic_gather %parallel_loop3A_318[%parallel_loop3A_320] in [0] : vector<16xf32>, vector<16xi32> -> vector<16xf32>
        %parallel_loop3A_322 = arith.addf %parallel_loop3A_318, %parallel_loop3A_321 : vector<16xf32>
        %parallel_loop3A_323 = arith.constant -1.000000e+01 : f32
        %parallel_loop3A_324 = vector.broadcast %parallel_loop3A_323 : f32 to vector<16xf32>
        %parallel_loop3A_325 = arith.maximumf %parallel_loop3A_322, %parallel_loop3A_324 : vector<16xf32>
        %parallel_loop3A_326 = arith.constant 1.000000e+01 : f32
        %parallel_loop3A_327 = vector.broadcast %parallel_loop3A_326 : f32 to vector<16xf32>
        %parallel_loop3A_328 = arith.minimumf %parallel_loop3A_325, %parallel_loop3A_327 : vector<16xf32>
        %parallel_loop3A_329 = math.exp %parallel_loop3A_328 : vector<16xf32>
        %parallel_loop3A_330 = arith.constant 2 : i32
        %parallel_loop3A_331 = vector.broadcast %parallel_loop3A_330 : i32 to vector<16xi32>
        %parallel_loop3A_332 = arith.cmpi eq, %iota3A, %parallel_loop3A_331 : vector<16xi32>
        %parallel_loop3A_333 = arith.select %parallel_loop3A_332, %parallel_loop3A_329, %parallel_loop3A_277 : vector<16xi1>, vector<16xf32>
        %parallel_loop3A_334 = arith.index_cast %rem3A_116 : i32 to index
        %parallel_loop3A_335 = arith.index_cast %parallel_loop3A_179 : i32 to index
        %parallel_loop3A_336 = arith.constant 192 : index
        %parallel_loop3A_337 = tpu.vector_load %arg10[%parallel_loop3A_334, %parallel_loop3A_335, %parallel_loop3A_336] {strides = array<i32>} : memref<2x40x256xbf16, #tpu.memory_space<vmem>>, vector<32xbf16>,
        %parallel_loop3A_338 = tpu.unpack_subelements %parallel_loop3A_337, 0 {pack_format = #tpu.pack_format<interleaved>} : vector<32xbf16> -> vector<16xf32>
        %parallel_loop3A_339 = tpu.unpack_subelements %parallel_loop3A_337, 1 {pack_format = #tpu.pack_format<interleaved>} : vector<32xbf16> -> vector<16xf32>
        %parallel_loop3A_340 = arith.mulf %parallel_loop3A_338, %parallel_loop3A_329 : vector<16xf32>
        %parallel_loop3A_341 = arith.index_cast %parallel_loop3A_179 : i32 to index
        %parallel_loop3A_342 = arith.constant 64 : index
        %parallel_loop3A_343 = tpu.vector_load %arg11[%parallel_loop3A_341, %parallel_loop3A_342] {strides = array<i32>} : memref<40x144xf32, #tpu.memory_space<vmem>>, vector<16xf32>,
        tpu.vector_store %arg11[%parallel_loop3A_341, %parallel_loop3A_342], %parallel_loop3A_340 {strides = array<i32>} : memref<40x144xf32, #tpu.memory_space<vmem>>, vector<16xf32>,
        %parallel_loop3A_344 = arith.mulf %parallel_loop3A_339, %parallel_loop3A_329 : vector<16xf32>
        %parallel_loop3A_345 = arith.index_cast %parallel_loop3A_179 : i32 to index
        %parallel_loop3A_346 = arith.constant 80 : index
        %parallel_loop3A_347 = tpu.vector_load %arg11[%parallel_loop3A_345, %parallel_loop3A_346] {strides = array<i32>} : memref<40x144xf32, #tpu.memory_space<vmem>>, vector<16xf32>,
        tpu.vector_store %arg11[%parallel_loop3A_345, %parallel_loop3A_346], %parallel_loop3A_344 {strides = array<i32>} : memref<40x144xf32, #tpu.memory_space<vmem>>, vector<16xf32>,
        %parallel_loop3A_348 = arith.index_cast %rem3A_116 : i32 to index
        %parallel_loop3A_349 = arith.index_cast %parallel_loop3A_179 : i32 to index
        %parallel_loop3A_350 = arith.constant 96 : index
        %parallel_loop3A_351 = tpu.vector_load %arg9[%parallel_loop3A_348, %parallel_loop3A_349, %parallel_loop3A_350] {strides = array<i32>} : memref<2x40x128xbf16, #tpu.memory_space<vmem>>, vector<32xbf16>,
        %parallel_loop3A_352 = tpu.unpack_subelements %parallel_loop3A_351, 0 {pack_format = #tpu.pack_format<interleaved>} : vector<32xbf16> -> vector<16xf32>
        %parallel_loop3A_353 = tpu.unpack_subelements %parallel_loop3A_351, 1 {pack_format = #tpu.pack_format<interleaved>} : vector<32xbf16> -> vector<16xf32>
        %parallel_loop3A_354 = arith.index_cast %rem3A_116 : i32 to index
        %parallel_loop3A_355 = arith.index_cast %parallel_loop3A_179 : i32 to index
        %parallel_loop3A_356 = arith.constant 96 : index
        %parallel_loop3A_357 = tpu.vector_load %arg10[%parallel_loop3A_354, %parallel_loop3A_355, %parallel_loop3A_356] {strides = array<i32>} : memref<2x40x256xbf16, #tpu.memory_space<vmem>>, vector<32xbf16>,
        %parallel_loop3A_358 = tpu.unpack_subelements %parallel_loop3A_357, 0 {pack_format = #tpu.pack_format<interleaved>} : vector<32xbf16> -> vector<16xf32>
        %parallel_loop3A_359 = tpu.unpack_subelements %parallel_loop3A_357, 1 {pack_format = #tpu.pack_format<interleaved>} : vector<32xbf16> -> vector<16xf32>
        %parallel_loop3A_360 = arith.mulf %parallel_loop3A_352, %parallel_loop3A_358 : vector<16xf32>
        %parallel_loop3A_361 = arith.mulf %parallel_loop3A_353, %parallel_loop3A_359 : vector<16xf32>
        %parallel_loop3A_362 = arith.addf %parallel_loop3A_360, %parallel_loop3A_361 : vector<16xf32>
        %parallel_loop3A_363 = vector.shape_cast %xor3A_2 : vector<16xi32> to vector<16x1xi32>
        %parallel_loop3A_364 = vector.shape_cast %parallel_loop3A_363 : vector<16x1xi32> to vector<16xi32>
        %parallel_loop3A_365 = tpu.dynamic_gather %parallel_loop3A_362[%parallel_loop3A_364] in [0] : vector<16xf32>, vector<16xi32> -> vector<16xf32>
        %parallel_loop3A_366 = arith.addf %parallel_loop3A_362, %parallel_loop3A_365 : vector<16xf32>
        %parallel_loop3A_367 = vector.shape_cast %xor3A_5 : vector<16xi32> to vector<16x1xi32>
        %parallel_loop3A_368 = vector.shape_cast %parallel_loop3A_367 : vector<16x1xi32> to vector<16xi32>
        %parallel_loop3A_369 = tpu.dynamic_gather %parallel_loop3A_366[%parallel_loop3A_368] in [0] : vector<16xf32>, vector<16xi32> -> vector<16xf32>
        %parallel_loop3A_370 = arith.addf %parallel_loop3A_366, %parallel_loop3A_369 : vector<16xf32>
        %parallel_loop3A_371 = vector.shape_cast %xor3A_8 : vector<16xi32> to vector<16x1xi32>
        %parallel_loop3A_372 = vector.shape_cast %parallel_loop3A_371 : vector<16x1xi32> to vector<16xi32>
        %parallel_loop3A_373 = tpu.dynamic_gather %parallel_loop3A_370[%parallel_loop3A_372] in [0] : vector<16xf32>, vector<16xi32> -> vector<16xf32>
        %parallel_loop3A_374 = arith.addf %parallel_loop3A_370, %parallel_loop3A_373 : vector<16xf32>
        %parallel_loop3A_375 = vector.shape_cast %xor3A_11 : vector<16xi32> to vector<16x1xi32>
        %parallel_loop3A_376 = vector.shape_cast %parallel_loop3A_375 : vector<16x1xi32> to vector<16xi32>
        %parallel_loop3A_377 = tpu.dynamic_gather %parallel_loop3A_374[%parallel_loop3A_376] in [0] : vector<16xf32>, vector<16xi32> -> vector<16xf32>
        %parallel_loop3A_378 = arith.addf %parallel_loop3A_374, %parallel_loop3A_377 : vector<16xf32>
        %parallel_loop3A_379 = arith.constant -1.000000e+01 : f32
        %parallel_loop3A_380 = vector.broadcast %parallel_loop3A_379 : f32 to vector<16xf32>
        %parallel_loop3A_381 = arith.maximumf %parallel_loop3A_378, %parallel_loop3A_380 : vector<16xf32>
        %parallel_loop3A_382 = arith.constant 1.000000e+01 : f32
        %parallel_loop3A_383 = vector.broadcast %parallel_loop3A_382 : f32 to vector<16xf32>
        %parallel_loop3A_384 = arith.minimumf %parallel_loop3A_381, %parallel_loop3A_383 : vector<16xf32>
        %parallel_loop3A_385 = math.exp %parallel_loop3A_384 : vector<16xf32>
        %parallel_loop3A_386 = arith.constant 3 : i32
        %parallel_loop3A_387 = vector.broadcast %parallel_loop3A_386 : i32 to vector<16xi32>
        %parallel_loop3A_388 = arith.cmpi eq, %iota3A, %parallel_loop3A_387 : vector<16xi32>
        %parallel_loop3A_389 = arith.select %parallel_loop3A_388, %parallel_loop3A_385, %parallel_loop3A_333 : vector<16xi1>, vector<16xf32>
        %parallel_loop3A_390 = arith.index_cast %rem3A_116 : i32 to index
        %parallel_loop3A_391 = arith.index_cast %parallel_loop3A_179 : i32 to index
        %parallel_loop3A_392 = arith.constant 224 : index
        %parallel_loop3A_393 = tpu.vector_load %arg10[%parallel_loop3A_390, %parallel_loop3A_391, %parallel_loop3A_392] {strides = array<i32>} : memref<2x40x256xbf16, #tpu.memory_space<vmem>>, vector<32xbf16>,
        %parallel_loop3A_394 = tpu.unpack_subelements %parallel_loop3A_393, 0 {pack_format = #tpu.pack_format<interleaved>} : vector<32xbf16> -> vector<16xf32>
        %parallel_loop3A_395 = tpu.unpack_subelements %parallel_loop3A_393, 1 {pack_format = #tpu.pack_format<interleaved>} : vector<32xbf16> -> vector<16xf32>
        %parallel_loop3A_396 = arith.mulf %parallel_loop3A_394, %parallel_loop3A_385 : vector<16xf32>
        %parallel_loop3A_397 = arith.index_cast %parallel_loop3A_179 : i32 to index
        %parallel_loop3A_398 = arith.constant 96 : index
        %parallel_loop3A_399 = tpu.vector_load %arg11[%parallel_loop3A_397, %parallel_loop3A_398] {strides = array<i32>} : memref<40x144xf32, #tpu.memory_space<vmem>>, vector<16xf32>,
        tpu.vector_store %arg11[%parallel_loop3A_397, %parallel_loop3A_398], %parallel_loop3A_396 {strides = array<i32>} : memref<40x144xf32, #tpu.memory_space<vmem>>, vector<16xf32>,
        %parallel_loop3A_400 = arith.mulf %parallel_loop3A_395, %parallel_loop3A_385 : vector<16xf32>
        %parallel_loop3A_401 = arith.index_cast %parallel_loop3A_179 : i32 to index
        %parallel_loop3A_402 = arith.constant 112 : index
        %parallel_loop3A_403 = tpu.vector_load %arg11[%parallel_loop3A_401, %parallel_loop3A_402] {strides = array<i32>} : memref<40x144xf32, #tpu.memory_space<vmem>>, vector<16xf32>,
        tpu.vector_store %arg11[%parallel_loop3A_401, %parallel_loop3A_402], %parallel_loop3A_400 {strides = array<i32>} : memref<40x144xf32, #tpu.memory_space<vmem>>, vector<16xf32>,
        %parallel_loop3A_404 = arith.index_cast %parallel_loop3A_179 : i32 to index
        %parallel_loop3A_405 = arith.constant 128 : index
        %parallel_loop3A_406 = tpu.vector_load %arg11[%parallel_loop3A_404, %parallel_loop3A_405] {strides = array<i32>} : memref<40x144xf32, #tpu.memory_space<vmem>>, vector<16xf32>,
        tpu.vector_store %arg11[%parallel_loop3A_404, %parallel_loop3A_405], %parallel_loop3A_389 {strides = array<i32>} : memref<40x144xf32, #tpu.memory_space<vmem>>, vector<16xf32>,
      } {sc.loop_unroll_factor = 4 : i64, sc.parallel_access}
      %dma_start3A_173 = arith.constant 0 : i32
      %dma_start3A_174 = tpu.memref_slice %arg7[%rem3A_119, %dma_start3A_173] : memref<3x40xi32, #tpu.memory_space<vmem>> -> memref<1x40xi32, #tpu.memory_space<vmem>>
      %dma_start3A_175 = tpu.memref_squeeze %dma_start3A_174 : memref<1x40xi32, #tpu.memory_space<vmem>> -> memref<40xi32, #tpu.memory_space<vmem>>
      %dma_start3A_176 = arith.constant 0 : i32
      %dma_start3A_177 = arith.constant 0 : i32
      %dma_start3A_178 = tpu.memref_slice %arg12[%dma_start3A_176, %dma_start3A_177] : memref<10000x144xf32, #tpu.memory_space<vmem_shared>> -> memref<10000x144xf32, #tpu.memory_space<vmem_shared>>
      tpu.enqueue_indirect_dma source(%arg11 : memref<40x144xf32, #tpu.memory_space<vmem>>) target(%dma_start3A_178 : memref<10000x144xf32, #tpu.memory_space<vmem_shared>>) offsets(%dma_start3A_175 : memref<40xi32, #tpu.memory_space<vmem>>) semaphore(%arg15 : memref<!tpu.dma_semaphore, #tpu.memory_space<semaphore_mem>>) {add = true}
    }
    %scan3A_93 = arith.constant 250 : i32
    %dma_wait3A = arith.constant 0 : i32
    %dma_wait3A_94 = arith.constant 0 : i32
    %dma_wait3A_95 = arith.constant 0 : i32
    %dma_wait3A_96 = tpu.memref_slice %arg6[%dma_wait3A, %dma_wait3A_94, %dma_wait3A_95] : memref<2x10000x144xf32, #tpu.memory_space<hbm>> -> memref<1x40x144xf32, #tpu.memory_space<hbm>>
    %dma_wait3A_97 = tpu.memref_squeeze %dma_wait3A_96 : memref<1x40x144xf32, #tpu.memory_space<hbm>> -> memref<40x144xf32, #tpu.memory_space<hbm>>
    %dma_wait3A_98 = arith.constant 0 : i32
    %dma_wait3A_99 = arith.constant 0 : i32
    %dma_wait3A_100 = tpu.memref_slice %arg6[%dma_wait3A, %dma_wait3A_98, %dma_wait3A_99] : memref<2x10000x144xf32, #tpu.memory_space<hbm>> -> memref<1x40x144xf32, #tpu.memory_space<hbm>>
    %dma_wait3A_101 = tpu.memref_squeeze %dma_wait3A_100 : memref<1x40x144xf32, #tpu.memory_space<hbm>> -> memref<40x144xf32, #tpu.memory_space<hbm>>
    tpu.wait_dma2 semaphore(%arg15 : memref<!tpu.dma_semaphore, #tpu.memory_space<semaphore_mem>>) src(%dma_wait3A_101 : memref<40x144xf32, #tpu.memory_space<hbm>>) dst(%arg11 : memref<40x144xf32, #tpu.memory_space<vmem>>)
    %barrier3A_102 = arith.constant 0 : index
    tpu.barrier barrier_id(%barrier3A_102)
    %scan3A_103 = arith.constant 0 : i32
    %scan3A_104 = arith.constant 0 : i32
    %scan3A_105 = arith.constant 16 : i32
    %scan3A_106 = arith.addi %scan3A_104, %scan3A_105 : i32
    %scan3A_107 = arith.constant 1 : i32
    scf.for %scan3A_115 = %scan3A_104 to %scan3A_106 step %scan3A_107  : i32 {
      %mul3A_116 = arith.constant 16 : i32
      %mul3A_117 = arith.muli %mul3A_116, %scan3A_115 : i32
      %add3A_118 = arith.addi %arg1, %mul3A_117 : i32
      %lt3A = arith.constant 250 : i32
      %lt3A_119 = arith.cmpi slt, %add3A_118, %lt3A : i32
      %convert_element_type3A = arith.extui %lt3A_119 : i1 to i32
      %cond3A = arith.constant 0 : i32
      %cond3A_120 = arith.cmpi ne, %convert_element_type3A, %cond3A : i32
      scf.if %cond3A_120 {
        %mul3A_121 = arith.constant 40 : i32
        %mul3A_122 = arith.muli %add3A_118, %mul3A_121 : i32
        %mul3A_123 = arith.constant 40 : i32
        %mul3A_124 = arith.muli %add3A_118, %mul3A_123 : i32
        %dma_start3A_125 = arith.constant 0 : i32
        %dma_start3A_126 = tpu.memref_slice %arg6[%arg0, %mul3A_124, %dma_start3A_125] : memref<2x10000x144xf32, #tpu.memory_space<hbm>> -> memref<1x40x144xf32, #tpu.memory_space<hbm>>
        %dma_start3A_127 = tpu.memref_squeeze %dma_start3A_126 : memref<1x40x144xf32, #tpu.memory_space<hbm>> -> memref<40x144xf32, #tpu.memory_space<hbm>>
        %dma_start3A_128 = arith.constant 0 : i32
        %dma_start3A_129 = tpu.memref_slice %arg12[%mul3A_122, %dma_start3A_128] : memref<10000x144xf32, #tpu.memory_space<vmem_shared>> -> memref<40x144xf32, #tpu.memory_space<vmem_shared>>
        tpu.enqueue_dma source(%dma_start3A_129 : memref<40x144xf32, #tpu.memory_space<vmem_shared>>) target(%dma_start3A_127 : memref<40x144xf32, #tpu.memory_space<hbm>>) target_semaphore(%arg15 : memref<!tpu.dma_semaphore, #tpu.memory_space<semaphore_mem>>)
      } else {
      }
    }
    %scan3A_108 = arith.constant 16 : i32
    %scan3A_109 = arith.constant 0 : i32
    %scan3A_110 = arith.constant 0 : i32
    %scan3A_111 = arith.constant 16 : i32
    %scan3A_112 = arith.addi %scan3A_110, %scan3A_111 : i32
    %scan3A_113 = arith.constant 1 : i32
    scf.for %scan3A_115 = %scan3A_110 to %scan3A_112 step %scan3A_113  : i32 {
      %mul3A_116 = arith.constant 16 : i32
      %mul3A_117 = arith.muli %mul3A_116, %scan3A_115 : i32
      %add3A_118 = arith.addi %arg1, %mul3A_117 : i32
      %lt3A = arith.constant 250 : i32
      %lt3A_119 = arith.cmpi slt, %add3A_118, %lt3A : i32
      %convert_element_type3A = arith.extui %lt3A_119 : i1 to i32
      %cond3A = arith.constant 0 : i32
      %cond3A_120 = arith.cmpi ne, %convert_element_type3A, %cond3A : i32
      scf.if %cond3A_120 {
        %dma_wait3A_121 = arith.constant 0 : i32
        %dma_wait3A_122 = arith.constant 0 : i32
        %dma_wait3A_123 = tpu.memref_slice %arg6[%arg0, %dma_wait3A_121, %dma_wait3A_122] : memref<2x10000x144xf32, #tpu.memory_space<hbm>> -> memref<1x40x144xf32, #tpu.memory_space<hbm>>
        %dma_wait3A_124 = tpu.memref_squeeze %dma_wait3A_123 : memref<1x40x144xf32, #tpu.memory_space<hbm>> -> memref<40x144xf32, #tpu.memory_space<hbm>>
        %dma_wait3A_125 = arith.constant 0 : i32
        %dma_wait3A_126 = arith.constant 0 : i32
        %dma_wait3A_127 = tpu.memref_slice %arg12[%dma_wait3A_125, %dma_wait3A_126] : memref<10000x144xf32, #tpu.memory_space<vmem_shared>> -> memref<40x144xf32, #tpu.memory_space<vmem_shared>>
        tpu.wait_dma2 semaphore(%arg15 : memref<!tpu.dma_semaphore, #tpu.memory_space<semaphore_mem>>) src(%dma_wait3A_127 : memref<40x144xf32, #tpu.memory_space<vmem_shared>>) dst(%dma_wait3A_124 : memref<40x144xf32, #tpu.memory_space<hbm>>)
      } else {
      }
    }
    %scan3A_114 = arith.constant 16 : i32
    return
  }
}

module attributes {stable_mosaic.version = 14 : i64} {
  func.func @body(%arg0: i32, %arg1: memref<2000x128xf32, #tpu.memory_space<vmem>>, %arg2: memref<128x128xf32, #tpu.memory_space<vmem>>, %arg3: memref<128x128xf32, #tpu.memory_space<vmem>>, %arg4: memref<128x128xf32, #tpu.memory_space<vmem>>, %arg5: memref<2000x128xbf16, #tpu.memory_space<vmem>>, %arg6: memref<2000x256xbf16, #tpu.memory_space<vmem>>) attributes {dimension_semantics = [#tpu.dimension_semantics<arbitrary>], iteration_bounds = array<i64: 5>, scalar_prefetch = 0 : i64, scratch_operands = 0 : i64, tpu.core_type = #tpu.core_type<tc>, window_params = [{transform_indices = @transform_0, window_bounds = array<i64: 2000, 128>}, {pipeline_mode = #tpu.pipeline_mode<synchronous>, transform_indices = @transform_1, window_bounds = array<i64: 128, 128>}, {pipeline_mode = #tpu.pipeline_mode<synchronous>, transform_indices = @transform_2, window_bounds = array<i64: 128, 128>}, {pipeline_mode = #tpu.pipeline_mode<synchronous>, transform_indices = @transform_3, window_bounds = array<i64: 128, 128>}, {transform_indices = @transform_4, window_bounds = array<i64: 2000, 128>}, {transform_indices = @transform_5, window_bounds = array<i64: 2000, 256>}]} {
    %get3A = arith.constant 0 : index
    %get3A_0 = arith.constant 0 : index
    %get3A_1 = vector.load %arg1[%get3A, %get3A_0] : memref<2000x128xf32, #tpu.memory_space<vmem>>, vector<2000x128xf32>
    %get3A_2 = arith.constant 0 : index
    %get3A_3 = arith.constant 0 : index
    %get3A_4 = vector.load %arg2[%get3A_2, %get3A_3] : memref<128x128xf32, #tpu.memory_space<vmem>>, vector<128x128xf32>
    %dot_general3A = arith.constant dense<0.000000e+00> : vector<2000x128xf32>
    %dot_general3A_5 = tpu.matmul %get3A_1, %get3A_4, %dot_general3A {dimension_numbers = #tpu.dot_dimension_numbers<[1], [0], [0], [1], [0, 0, 1, 1], [], []>, transpose_lhs_hint = false} : vector<2000x128xf32>, vector<128x128xf32>, vector<2000x128xf32> -> vector<2000x128xf32>
    %convert_element_type3A = arith.truncf %dot_general3A_5 : vector<2000x128xf32> to vector<2000x128xbf16>
    %swap3A = arith.constant 0 : index
    %swap3A_6 = arith.constant 0 : index
    %swap3A_7 = vector.load %arg5[%swap3A, %swap3A_6] : memref<2000x128xbf16, #tpu.memory_space<vmem>>, vector<2000x128xbf16>
    tpu.vector_store %arg5[%swap3A, %swap3A_6], %convert_element_type3A {strides = array<i32>} : memref<2000x128xbf16, #tpu.memory_space<vmem>>, vector<2000x128xbf16>,
    %get3A_8 = arith.constant 0 : index
    %get3A_9 = arith.constant 0 : index
    %get3A_10 = vector.load %arg3[%get3A_8, %get3A_9] : memref<128x128xf32, #tpu.memory_space<vmem>>, vector<128x128xf32>
    %dot_general3A_11 = arith.constant dense<0.000000e+00> : vector<2000x128xf32>
    %dot_general3A_12 = tpu.matmul %get3A_1, %get3A_10, %dot_general3A_11 {dimension_numbers = #tpu.dot_dimension_numbers<[1], [0], [0], [1], [0, 0, 1, 1], [], []>, transpose_lhs_hint = false} : vector<2000x128xf32>, vector<128x128xf32>, vector<2000x128xf32> -> vector<2000x128xf32>
    %get3A_13 = arith.constant 0 : index
    %get3A_14 = arith.constant 0 : index
    %get3A_15 = vector.load %arg4[%get3A_13, %get3A_14] : memref<128x128xf32, #tpu.memory_space<vmem>>, vector<128x128xf32>
    %dot_general3A_16 = arith.constant dense<0.000000e+00> : vector<2000x128xf32>
    %dot_general3A_17 = tpu.matmul %get3A_1, %get3A_15, %dot_general3A_16 {dimension_numbers = #tpu.dot_dimension_numbers<[1], [0], [0], [1], [0, 0, 1, 1], [], []>, transpose_lhs_hint = false} : vector<2000x128xf32>, vector<128x128xf32>, vector<2000x128xf32> -> vector<2000x128xf32>
    %concatenate3A = tpu.concatenate %dot_general3A_12, %dot_general3A_17 in 1 : vector<2000x128xf32>, vector<2000x128xf32> -> vector<2000x256xf32>
    %convert_element_type3A_18 = arith.truncf %concatenate3A : vector<2000x256xf32> to vector<2000x256xbf16>
    %swap3A_19 = arith.constant 0 : index
    %swap3A_20 = arith.constant 0 : index
    %swap3A_21 = vector.load %arg6[%swap3A_19, %swap3A_20] : memref<2000x256xbf16, #tpu.memory_space<vmem>>, vector<2000x256xbf16>
    tpu.vector_store %arg6[%swap3A_19, %swap3A_20], %convert_element_type3A_18 {strides = array<i32>} : memref<2000x256xbf16, #tpu.memory_space<vmem>>, vector<2000x256xbf16>,
    return
  }
  func.func @transform_0(%arg0: i32) -> (i32, i32) {
    %c0_i32 = arith.constant 0 : i32
    %c0_i32_0 = arith.constant 0 : i32
    return %arg0, %c0_i32 : i32, i32
  }
  func.func @transform_1(%arg0: i32) -> (i32, i32) {
    %c0_i32 = arith.constant 0 : i32
    %c0_i32_0 = arith.constant 0 : i32
    %c0_i32_1 = arith.constant 0 : i32
    return %c0_i32, %c0_i32_0 : i32, i32
  }
  func.func @transform_2(%arg0: i32) -> (i32, i32) {
    %c0_i32 = arith.constant 0 : i32
    %c0_i32_0 = arith.constant 0 : i32
    %c0_i32_1 = arith.constant 0 : i32
    return %c0_i32, %c0_i32_0 : i32, i32
  }
  func.func @transform_3(%arg0: i32) -> (i32, i32) {
    %c0_i32 = arith.constant 0 : i32
    %c0_i32_0 = arith.constant 0 : i32
    %c0_i32_1 = arith.constant 0 : i32
    return %c0_i32, %c0_i32_0 : i32, i32
  }
  func.func @transform_4(%arg0: i32) -> (i32, i32) {
    %c0_i32 = arith.constant 0 : i32
    %c0_i32_0 = arith.constant 0 : i32
    return %arg0, %c0_i32 : i32, i32
  }
  func.func @transform_5(%arg0: i32) -> (i32, i32) {
    %c0_i32 = arith.constant 0 : i32
    %c0_i32_0 = arith.constant 0 : i32
    return %arg0, %c0_i32 : i32, i32
  }
}

module attributes {stable_mosaic.version = 14 : i64} {
  func.func @body(%arg0: i32, %arg1: memref<2x1000x144xf32, #tpu.memory_space<vmem>>, %arg2: memref<16x128xf32, #tpu.memory_space<vmem>>, %arg3: memref<128x128xf32, #tpu.memory_space<vmem>>, %arg4: memref<1000x128xf32, #tpu.memory_space<vmem>>) attributes {dimension_semantics = [#tpu.dimension_semantics<arbitrary>], iteration_bounds = array<i64: 10>, scalar_prefetch = 0 : i64, scratch_operands = 0 : i64, tpu.core_type = #tpu.core_type<tc>, window_params = [{transform_indices = @transform_0, window_bounds = array<i64: 2, 1000, 144>}, {pipeline_mode = #tpu.pipeline_mode<synchronous>, transform_indices = @transform_1, window_bounds = array<i64: 16, 128>}, {pipeline_mode = #tpu.pipeline_mode<synchronous>, transform_indices = @transform_2, window_bounds = array<i64: 128, 128>}, {transform_indices = @transform_3, window_bounds = array<i64: 1000, 128>}]} {
    %get3A = arith.constant 0 : index
    %get3A_0 = arith.constant 0 : index
    %get3A_1 = arith.constant 0 : index
    %get3A_2 = vector.load %arg1[%get3A, %get3A_0, %get3A_1] : memref<2x1000x144xf32, #tpu.memory_space<vmem>>, vector<1x1000x128xf32>
    %get3A_3 = vector.shape_cast %get3A_2 : vector<1x1000x128xf32> to vector<1000x128xf32>
    %get3A_4 = arith.constant 1 : index
    %get3A_5 = arith.constant 0 : index
    %get3A_6 = arith.constant 0 : index
    %get3A_7 = vector.load %arg1[%get3A_4, %get3A_5, %get3A_6] : memref<2x1000x144xf32, #tpu.memory_space<vmem>>, vector<1x1000x128xf32>
    %get3A_8 = vector.shape_cast %get3A_7 : vector<1x1000x128xf32> to vector<1000x128xf32>
    %add3A = arith.addf %get3A_3, %get3A_8 : vector<1000x128xf32>
    %get3A_9 = arith.constant 0 : index
    %get3A_10 = arith.constant 0 : index
    %get3A_11 = arith.constant 128 : index
    %get3A_12 = vector.load %arg1[%get3A_9, %get3A_10, %get3A_11] : memref<2x1000x144xf32, #tpu.memory_space<vmem>>, vector<1x1000x16xf32>
    %get3A_13 = vector.shape_cast %get3A_12 : vector<1x1000x16xf32> to vector<1000x16xf32>
    %get3A_14 = arith.constant 1 : index
    %get3A_15 = arith.constant 0 : index
    %get3A_16 = arith.constant 128 : index
    %get3A_17 = vector.load %arg1[%get3A_14, %get3A_15, %get3A_16] : memref<2x1000x144xf32, #tpu.memory_space<vmem>>, vector<1x1000x16xf32>
    %get3A_18 = vector.shape_cast %get3A_17 : vector<1x1000x16xf32> to vector<1000x16xf32>
    %add3A_19 = arith.addf %get3A_13, %get3A_18 : vector<1000x16xf32>
    %get3A_20 = arith.constant 0 : index
    %get3A_21 = arith.constant 0 : index
    %get3A_22 = vector.load %arg2[%get3A_20, %get3A_21] : memref<16x128xf32, #tpu.memory_space<vmem>>, vector<16x128xf32>
    %dot_general3A = arith.constant dense<0.000000e+00> : vector<1000x128xf32>
    %dot_general3A_23 = tpu.matmul %add3A_19, %get3A_22, %dot_general3A {dimension_numbers = #tpu.dot_dimension_numbers<[1], [0], [0], [1], [0, 0, 1, 1], [], []>, transpose_lhs_hint = false} : vector<1000x16xf32>, vector<16x128xf32>, vector<1000x128xf32> -> vector<1000x128xf32>
    %add3A_24 = arith.constant 9.99999993E-9 : f32
    %add3A_25 = vector.broadcast %add3A_24 : f32 to vector<1000x128xf32>
    %add3A_26 = arith.addf %dot_general3A_23, %add3A_25 : vector<1000x128xf32>
    %div3A = arith.divf %add3A, %add3A_26 : vector<1000x128xf32>
    %get3A_27 = arith.constant 0 : index
    %get3A_28 = arith.constant 0 : index
    %get3A_29 = vector.load %arg3[%get3A_27, %get3A_28] : memref<128x128xf32, #tpu.memory_space<vmem>>, vector<128x128xf32>
    %dot_general3A_30 = arith.constant dense<0.000000e+00> : vector<1000x128xf32>
    %dot_general3A_31 = tpu.matmul %div3A, %get3A_29, %dot_general3A_30 {dimension_numbers = #tpu.dot_dimension_numbers<[1], [0], [0], [1], [0, 0, 1, 1], [], []>, transpose_lhs_hint = false} : vector<1000x128xf32>, vector<128x128xf32>, vector<1000x128xf32> -> vector<1000x128xf32>
    %swap3A = arith.constant 0 : index
    %swap3A_32 = arith.constant 0 : index
    %swap3A_33 = vector.load %arg4[%swap3A, %swap3A_32] : memref<1000x128xf32, #tpu.memory_space<vmem>>, vector<1000x128xf32>
    tpu.vector_store %arg4[%swap3A, %swap3A_32], %dot_general3A_31 {strides = array<i32>} : memref<1000x128xf32, #tpu.memory_space<vmem>>, vector<1000x128xf32>,
    return
  }
  func.func @transform_0(%arg0: i32) -> (i32, i32, i32) {
    %c0_i32 = arith.constant 0 : i32
    %c0_i32_0 = arith.constant 0 : i32
    %c0_i32_1 = arith.constant 0 : i32
    return %c0_i32, %arg0, %c0_i32_0 : i32, i32, i32
  }
  func.func @transform_1(%arg0: i32) -> (i32, i32) {
    %c0_i32 = arith.constant 0 : i32
    %c0_i32_0 = arith.constant 0 : i32
    %c0_i32_1 = arith.constant 0 : i32
    return %c0_i32, %c0_i32_0 : i32, i32
  }
  func.func @transform_2(%arg0: i32) -> (i32, i32) {
    %c0_i32 = arith.constant 0 : i32
    %c0_i32_0 = arith.constant 0 : i32
    %c0_i32_1 = arith.constant 0 : i32
    return %c0_i32, %c0_i32_0 : i32, i32
  }
  func.func @transform_3(%arg0: i32) -> (i32, i32) {
    %c0_i32 = arith.constant 0 : i32
    %c0_i32_0 = arith.constant 0 : i32
    return %arg0, %c0_i32 : i32, i32
  }
}

</mosaic_0001>

<sc_bundles>
// kernel: kernel.5.cloned.1.call-start
scs
__scs_entry_jumppad:
0x0: {  	(pc) =	sbr.rel $0x88, $3  }
0x1: {  	(tag) =	ssettag $0x0;
	lr =	simm.s32 $0x1  }
0x2: {  	[smem:$0x3F9C] =	sst lr;
	_ =	strace $0xD0000000  }
0x3: {  	_ = 	snop  }
0x4: {  	_ = 	snop  }
0x5: {  	_ = 	snop  }
0x6: {  	_ = 	snop  }
0x7: {  	_ = 	snop  }
__scs_overlays_trampoline_lowered:
0x8: {  	[smem:$0x3FAB] =	sst s0  }
0x9: {  	[smem:$0x3FAC] =	sst s1  }
0xa: {  	[smem:$0x3FAD] =	sst s2  }
0xb: {  	[smem:$0x3FAE] =	sst s3  }
0xc: {  	[smem:$0x3FAF] =	sst s4  }
0xd: {  	[smem:$0x3FB0] =	sst s5  }
0xe: {  	[smem:$0x3FB1] =	sst s6  }
0xf: {  	[smem:$0x3FB2] =	sst s7  }
0x10: {  	[smem:$0x3FB3] =	sst s8  }
0x11: {  	[smem:$0x3FB4] =	sst s9;
	s0 =	simm.s32 @!p0 $0x0  }
0x12: {  	s1 =	sld [smem:$0x3F9A];
	s0 =	simm.s32 @p0 $0x1  }
0x13: {  	[smem:$0x3FB5] =	sst s0;
	s0 =	simm.s32 @!p1 $0x0  }
0x14: {  	s2 =	sld [smem:$0x3F99];
	s0 =	simm.s32 @p1 $0x1  }
0x15: {  	[smem:$0x3FB6] =	sst s0;
	s0 =	simm.s32 @!p2 $0x0  }
0x16: {  	s3 =	sld [smem:$0x3FDB];
	s0 =	simm.s32 @p2 $0x1  }
0x17: {  	s4 =	simm.s32 $0x1BF5;
	[smem:$0x3FB8] =	sst s0  }
0x18: {  	s0 =	sld [smem:$0x3F9B];
	_ =	swait.ge [sflag:s4], $0x0  }
0x19: {  	s7 =	sld [smem:$0x3F9C]  }
0x1a: {  	s8 =	sadd.s32 $0xFFFFE003, lr  }
0x1b: {  	s9 =	sadd.s32 $0xFFFFFEF7, lr;
	s5 =	simm.s32 $0xFFFFFFFF;
	p2 =	slt.u32 s8, $0xFFFFF086  }
0x1c: {  	p1 =	slt.u32 s9, $0xF7A;
	s5 =	simm.s32 @!p2 $0x0  }
0x1d: {  	s5 =	simm.s32 @p1 $0x1;
	p0 =	seq.s32 s7, s2  }
0x1e: {  	s7 =	smul.u32 @!p0 $0xF7A, s2;
	p2 =	seq.s32 @!p0 s5, $0x0  }
0x1f: {  	s9 =	smul.u32 $0xF7A, s1;
	s8 =	simm.s32 @!p0 $0x1BF5;
	p2 =	por !p2, p0  }
0x20: {  	[sflag:s8] =	ssyncset.s32 @!p0 $0xFFFFF086;
	s6 =	sadd.s32 @!p0 s3, s7;
	s7 =	simm.s32 @!p0 $0x108  }
0x21: {  	s3 =	sadd.s32 s3, s9;
	s6 =	sadd.s32 @!p0 $0x88, s6;
	s7 =	simm.s32 @p2 $0x1082  }
0x22: {  	[simem:s7], [sflag:s8] =	dma.local @!p0 [hbm:s6], $0xF7A  }
0x23: {  	s9 =	sor.u32 $0xD0000000, s2;
	s6 =	simm.s32 $0x108;
	_ =	swait.ge @!p0 [sflag:s8], $0x0  }
0x24: {  	s3 =	sadd.s32 $0x88, s3;
	s6 =	simm.s32 @!p1 $0x1082;
	[sflag:s4] =	ssyncset.s32 $0xFFFFF086  }
0x25: {  	[simem:s6], [sflag:s4] =	dma.local [hbm:s3], $0xF7A  }
0x26: {  	[smem:$0x3F9C] =	sst s1;
	(tag) =	ssettag s2;
	_ =	strace s9  }
0x27: {  	s1 =	sld [smem:$0x3FAC]  }
0x28: {  	s2 =	sld [smem:$0x3FAD]  }
0x29: {  	s4 =	sld [smem:$0x3FAF]  }
0x2a: {  	p0 =	seq.s32 s5, $0x0;
	s5 =	sld [smem:$0x3FB0]  }
0x2b: {  	s6 =	sld [smem:$0x3FB1]  }
0x2c: {  	s7 =	sld [smem:$0x3FB2]  }
0x2d: {  	s3 =	simm.s32 $0x108;
	s8 =	sld [smem:$0x3FB3]  }
0x2e: {  	s3 =	simm.s32 @!p0 $0x1082;
	s9 =	sld [smem:$0x3FB4]  }
0x2f: {  	lr =	sadd.s32 s0, s3;
	s0 =	sld [smem:$0x3FAB]  }
0x30: {  	s3 =	sld [smem:$0x3FAE]  }
0x31: {  	[smem:$0x3FB7] =	sst s10  }
0x32: {  	s10 =	sld [smem:$0x3FB5];
	_ =	sdelay $0x3  }
0x33: {  	p0 =	seq.s32 s10, $0x1;
	s10 =	sld [smem:$0x3FB7];
	_ =	sdelay $0x3  }
0x34: {  	[smem:$0x3FB7] =	sst s10  }
0x35: {  	s10 =	sld [smem:$0x3FB6];
	_ =	sdelay $0x3  }
0x36: {  	p1 =	seq.s32 s10, $0x1;
	s10 =	sld [smem:$0x3FB7];
	_ =	sdelay $0x3  }
0x37: {  	[smem:$0x3FB7] =	sst s10  }
0x38: {  	s10 =	sld [smem:$0x3FB8]  }
0x39: {  	_ = 	snop;
	(pc) =	sbr.ind lr, $3  }
0x3a: {  	_ = 	snop  }
0x3b: {  	_ = 	snop  }
0x3c: {  	p2 =	seq.s32 s10, $0x1;
	s10 =	sld [smem:$0x3FB7]  }
0x3d: {  	_ =	shalt  }
0x3e: {  	_ =	shalt  }
0x3f: {  	_ =	shalt  }
0x40: {  	_ =	shalt  }
0x41: {  	_ =	shalt  }
0x42: {  	_ =	shalt  }
0x43: {  	_ =	shalt  }
0x44: {  	_ =	shalt  }
0x45: {  	_ =	shalt  }
0x46: {  	_ =	shalt  }
0x47: {  	_ =	shalt  }
0x48: {  	_ =	shalt  }
0x49: {  	_ =	shalt  }
0x4a: {  	_ =	shalt  }
0x4b: {  	_ =	shalt  }
0x4c: {  	_ =	shalt  }
0x4d: {  	_ =	shalt  }
0x4e: {  	_ =	shalt  }
0x4f: {  	_ =	shalt  }
0x50: {  	_ =	shalt  }
0x51: {  	_ =	shalt  }
0x52: {  	_ =	shalt  }
0x53: {  	_ =	shalt  }
0x54: {  	_ =	shalt  }
0x55: {  	_ =	shalt  }
0x56: {  	_ =	shalt  }
0x57: {  	_ =	shalt  }
0x58: {  	_ =	shalt  }
0x59: {  	_ =	shalt  }
0x5a: {  	_ =	shalt  }
0x5b: {  	_ =	shalt  }
0x5c: {  	_ =	shalt  }
0x5d: {  	_ =	shalt  }
0x5e: {  	_ =	shalt  }
0x5f: {  	_ =	shalt  }
0x60: {  	_ =	shalt  }
0x61: {  	_ =	shalt  }
0x62: {  	_ =	shalt  }
0x63: {  	_ =	shalt  }
0x64: {  	_ =	shalt  }
0x65: {  	_ =	shalt  }
0x66: {  	_ =	shalt  }
0x67: {  	_ =	shalt  }
0x68: {  	_ =	shalt  }
0x69: {  	_ =	shalt  }
0x6a: {  	_ =	shalt  }
0x6b: {  	_ =	shalt  }
0x6c: {  	_ =	shalt  }
0x6d: {  	_ =	shalt  }
0x6e: {  	_ =	shalt  }
0x6f: {  	_ =	shalt  }
0x70: {  	_ =	shalt  }
0x71: {  	_ =	shalt  }
0x72: {  	_ =	shalt  }
0x73: {  	_ =	shalt  }
0x74: {  	_ =	shalt  }
0x75: {  	_ =	shalt  }
0x76: {  	_ =	shalt  }
0x77: {  	_ =	shalt  }
0x78: {  	_ =	shalt  }
0x79: {  	_ =	shalt  }
0x7a: {  	_ =	shalt  }
0x7b: {  	_ =	shalt  }
0x7c: {  	_ =	shalt  }
0x7d: {  	_ =	shalt  }
0x7e: {  	_ =	shalt  }
0x7f: {  	_ =	shalt  }
0x80: {  	_ =	shalt  }
0x81: {  	_ =	shalt  }
0x82: {  	_ =	shalt  }
0x83: {  	_ =	shalt  }
0x84: {  	_ =	shalt  }
0x85: {  	_ =	shalt  }
0x86: {  	_ =	shalt  }
0x87: {  	_ =	shalt  }
.Lfunc_end0:
.L_simem_size_0:
called_computation_lowered:
.L_overlay_start_0:
0x88: {  	s2 =	sld [smem:$0x3FD9]  }
0x89: {  	s3 =	sld [smem:$0x3FFE];
	_ =	sdelay $0x1  }
0x8a: {  	s1 =	srdreg.scid  }
0x8b: {  	s0 =	sand.u32 $0x1, s1  }
0x8c: {  	s17 =	sshll.u32 s0, $0xA;
	s2 =	sadd.s32 s3, s2  }
0x8d: {  	s2 =	sadd.s32 s2, s17  }
0x8e: {  	[smem:$0x3FC3] =	sst s2  }
0x8f: {  	_ = 	snop  }
0x90: {  	s2 =	sld [smem:$0x3FD0];
	(tm) =	ssettm $0x1  }
0x91: {  	s18 =	sld [smem:$0x3FFB];
	_ =	sdelay $0x3  }
0x92: {  	_ =	strace s18  }
0x93: {  	s3 =	sld [smem:$0x3FFC];
	_ =	sdelay $0x3  }
0x94: {  	_ =	strace s3  }
0x95: {  	s3 =	sld [smem:$0x3FFD];
	_ =	sdelay $0x3  }
0x96: {  	_ =	strace s3  }
0x97: {  	_ =	strace $0x8FFFFFFF  }
0x98: {  	s19 =	sld [smem:$0x3FDB];
	_ =	sdelay $0x1  }
0x99: {  	s4 =	simm.s32 $_scs_section_size  }
0x9a: {  	s5 =	simm.s32 $_size__tile_overlayer_lowered;
	s6 =	simm.s32 $_tile_overlayer_lowered  }
0x9b: {  	s22 =	simm.s32 $0x1BFF;
	s21 =	sshll.u32 s6, $0x1;
	s3 =	sadd.s32 s4, s19  }
0x9c: {  	s7 =	simm.s32 $0x0;
	s20 =	sshll.u32 s5, $0x1;
	s5 =	sadd.s32 s21, s3  }
0x9d: {  	[timem:s7], [sflag:s22] =	dma.local [hbm:s5], s20  }
0x9e: {  	_ =	swait.ge [sflag:s22], s20  }
0x9f: {  	s4 =	ssub.s32 $0x0, s20;
	[sflag:s22] =	ssyncset.done $0x0  }
0xa0: {  	[sflag:s22] =	ssyncadd.s32 s4;
	_ =	sdelay $0x1  }
0xa1: {  	s23 =	simm.s32 $0x1B8B  }
0xa2: {  	_ =	swait.ge [sflag:s23], $0x1  }
0xa3: {  	[sflag:s23] =	ssyncset.done $0x0  }
0xa4: {  	s25 =	simm.s32 $0x1B8E;
	s24 =	sld [smem:$0x3FFE];
	[sflag:s23] =	ssyncadd.s32 $0xFFFFFFFF  }
0xa5: {  	s26 =	simm.s32 $execute0_lowered;
	[smem:$0x3FD2] =	sst s25  }
0xa6: {  	s5 =	sshll.u32 s26, $0x1;
	_ =	strace $0x80000046;
	[dreg:$0x1] =	wrdreg $0xFFFFFFFF  }
0xa7: {  	s28 =	simm.s32 $_size_execute0_lowered;
	s3 =	sadd.s32 s3, s5;
	[dreg:$0x0] =	wrdreg $0x0  }
0xa8: {  	s5 =	sshll.u32 s28, $0x1;
	[dreg:$0x2] =	wrdreg s3  }
0xa9: {  	[dreg:$0x3] =	wrdreg s5  }
0xaa: {  	[dreg:$0x4] =	wrdreg $0xC0  }
0xab: {  	_ =	task [dreg:s7], $0x5FFFF  }
0xac: {  	[dreg:$0x1] =	wrdreg $0xFFFFFFFF  }
0xad: {  	[dreg:$0x0] =	wrdreg $0x60  }
0xae: {  	[dreg:$0x2] =	wrdreg s24  }
0xaf: {  	[dreg:$0x3] =	wrdreg s2  }
0xb0: {  	[dreg:$0x4] =	wrdreg $0x53480  }
0xb1: {  	[dreg:$0x5] =	wrdreg $0x9  }
0xb2: {  	_ =	task.clear_ibuf [dreg:s7], $0x6FFFF;
	_ =	strace $0x90000046  }
0xb3: {  	s29 =	simm.s32 $0x9;
	_ =	strace $0x80000048  }
0xb4: {  	_ =	swait.ge [sflag:s29], $0x1  }
0xb5: {  	[sflag:s29] =	ssyncadd.s32 $0xFFFFFFFF  }
0xb6: {  	_ =	strace $0x90000048  }
0xb7: {  	_ =	sfence  }
0xb8: {  	s30 =	sld [smem:$0x0];
	_ =	sdelay $0x2  }
0xb9: {  	s31 =	sshll.u32 s1, $0xD;
	s1 =	sshrl.u32 s1, $0x2  }
0xba: {  	s3 =	sand.u32 $0x4000, s31;
	s1 =	sadd.s32 s1, s30  }
0xbb: {  	s0 =	sor.u32 s3, s0;
	s1 =	sshll.u32 s1, $0x11  }
0xbc: {  	s0 =	sor.u32 s1, s0  }
0xbd: {  	s0 =	sadd.s32 $0x8F2B, s0  }
0xbe: {  	[sflag:s0] =	ssyncadd.remote.s32 $0x1  }
0xbf: {  	_ =	sfence.sel $0xFFFF  }
0xc0: {  	[dreg:$0x0] =	wrdreg $0xFFFFFFFF;
	(pc) =	sbr.abs _section_cstart, $3  }
0xc1: {  	[dreg:$0x1] =	wrdreg $0xFFFFFFFF  }
0xc2: {  	_ =	task.clear_ibuf [dreg:s7], $0x2FFFF;
	_ =	strace $0x9FFFFFFF  }
0xc3: {  	(tm) =	ssettm $0x7FFFFFFF  }
tec
execute0_lowered:
.L_overlay_start_1:
0x0: {  	(tag) =	ssettag $0x1  }
0x1: {  	s0 =	rddreg [dreg:$0x0]  }
0x2: {  	s1 =	rddreg [dreg:$0x1];
	s3 =	srdreg.scid  }
0x3: {  	s2 =	rddreg [dreg:$0x2];
	s4 =	simm.s32 $0x0;
	s8 =	sand.u32 $0x1, s3  }
0x4: {  	s3 =	stileid.u32;
	[smem:$0x7FF] =	sst s4;
	s5 =	sadd.s32 $0x14600, s0  }
0x5: {  	s6 =	sadd.s32 $0xA800, s0;
	s7 =	sadd.s32 $0xA00, s0;
	s9 =	smul.u32 $0x15F900, s8  }
0x6: {  	s10 =	smul.u32 $0x1680, s3;
	_ =	strace $0x80000047;
	s20 =	sshll.u32 s8, $0x4  }
0x7: {  	s11 =	ssub.s32 $0x2, s8;
	s22 =	smul.u32 $0x5A00, s3;
	s25 =	sor.u32 $0xF0, s3  }
0x8: {  	p1 =	sgt.u32 s3, $0x9;
	s21 =	sor.u32 s3, s20;
	s18 =	smul.u32 $0x5A00, s25  }
0x9: {  	s12 =	sshrl.u32 s11, $0x1;
	s9 =	sadd.s32 s10, s9;
	s8 =	smul.u32 $0x2710, s21  }
0xa: {  	s11 =	ssub.s32 s11, s12;
	s23 =	sshrl.u32 s22, $0x2;
	s9 =	sshrl.u32 s9, $0x3  }
0xb: {  	s11 =	smax.u32 s11, $0x1;
	s0 =	sadd.s32 s9, s0;
	s9 =	sadd.s32 s23, s2  }
0xc: {  	s24 =	sshrl.u32 s8, $0x3;
	[dreg:$0xb] =	wrdreg s11;
	s14 =	sadd.s32 $0x2D000, s9  }
0xd: {  	v0 =	vimm.s32 $0xFEDCBA98;
	p0 =	sgt.u32 s25, $0xF9;
	s15 =	sadd.s32 s6, s24;
	[dreg:$0x4] =	wrdreg s14  }
0xe: {  	v1 =	vimm.s32 $0x76543210;
	v2 =	vimm.s32 $0xBA98FEDC;
	s13 =	sadd.s32 $0x28, s8;
	s12 =	sadd.s32 s7, s24;
	[dreg:$0x5] =	wrdreg s15  }
0xf: {  	v3 =	vimm.s32 $0x32107654;
	v4 =	vimm.s32 $0xDCFE98BA;
	s10 =	sadd.s32 $0x16800, s9;
	s16 =	sadd.s32 $0x43800, s9;
	[dreg:$0x6] =	wrdreg s12  }
0x10: {  	v5 =	vimm.s32 $0x54761032;
	v6 =	vimm.s32 $0xEFCDAB89;
	s26 =	sshrl.u32 s13, $0x3;
	s17 =	sadd.s32 $0x5A000, s9;
	[dreg:$0x7] =	wrdreg s16  }
0x11: {  	v7 =	vimm.s32 $0x67452301;
	vm0 =	vmmov $0x1;
	vm1 =	vcmask $0x310;
	s20 =	sadd.s32 $0x70800, s9;
	s21 =	sadd.s32 $0x87000, s9;
	[dreg:$0x8] =	wrdreg s17  }
0x12: {  	v0 =	vunpack.c.l.s4.s8 v0;
	v1 =	vunpack.c.l.s4.s8 v1;
	v2 =	vunpack.c.l.s4.s8 v2;
	s22 =	sadd.s32 $0x9D800, s9;
	s23 =	sadd.s32 $0xB4000, s9;
	[dreg:$0xc] =	wrdreg s20  }
0x13: {  	v3 =	vunpack.c.l.s4.s8 v3;
	v4 =	vunpack.c.l.s4.s8 v4;
	v5 =	vunpack.c.l.s4.s8 v5;
	s24 =	sshrl.u32 s18, $0x2;
	s25 =	sadd.s32 $0xCA800, s9;
	[dreg:$0xd] =	wrdreg s21  }
0x14: {  	v6 =	vunpack.c.l.s4.s8 v6;
	v7 =	vunpack.c.l.s4.s8 v7;
	v0 =	vunpack.c.0.s8.s32 v0;
	s28 =	sadd.s32 $0xF7800, s9;
	s29 =	sadd.s32 $0x10E000, s9;
	[dreg:$0xe] =	wrdreg s22  }
0x15: {  	v2 =	vunpack.c.0.s8.s32 v2;
	v3 =	vunpack.c.0.s8.s32 v3;
	v4 =	vunpack.c.0.s8.s32 v4;
	s30 =	sadd.s32 $0x124800, s9;
	s31 =	sadd.s32 $0x13B000, s9;
	[dreg:$0xf] =	wrdreg s23  }
0x16: {  	v5 =	vunpack.c.0.s8.s32 v5;
	v6 =	vunpack.c.0.s8.s32 v6;
	v7 =	vunpack.c.0.s8.s32 v7;
	s13 =	simm.s32 $0x3CC8;
	s19 =	sadd.s32 s6, s26;
	[dreg:$0x10] =	wrdreg s25  }
0x17: {  	vm2 =	vcmask $0x710;
	v1 =	vunpack.c.0.s8.s32 v1;
	v2 =	vcombine.low v3, v2;
	s12 =	sadd.s32 s7, s26;
	s11 =	sadd.s32 s24, s2;
	[dreg:$0x9] =	wrdreg s19  }
0x18: {  	v3 =	vcombine.low v5, v4;
	v4 =	vand.u32 $0xF, v0;
	v5 =	vcombine.low v7, v6;
	s25 =	sadd.s32 $0x28000, s0;
	s26 =	sadd.s32 $0xE1000, s9;
	[dreg:$0xa] =	wrdreg s12  }
0x19: {  	vm3 =	vcmask $0xB10;
	v0 =	vimm.f32 $0.0e+00;
	v1 =	vcombine.low v4, v1;
	s0 =	simm.s32 $0x7;
	s14 =	simm.s32 $0x6;
	[dreg:$0x11] =	wrdreg s11  }
0x1a: {  	v2 =	vand.u32 $0xF, v2;
	v3 =	vand.u32 $0xF, v3;
	v4 =	vand.u32 $0xF, v5;
	s15 =	simm.s32 $0x0;
	[dreg:$0x12] =	wrdreg s26;
	s12 =	simm.s32 $0x28  }
.LBB2_1:
0x1b: {  	s11 =	rddreg [dreg:$0x5]  }
0x1c: {  	[tilespmem:s4], [sflag:$0x7] =	stream.linear.gather [hbm4b:s11+s4], $0x28, $0x38;
	[tilespmem:$0x1B2D8] =	vst v63  }
0x1d: {  	_ =	swait.ge [sflag:s0], $0x28  }
0x1e: {  	[sflag:s0] =	ssyncset.done $0x0  }
0x1f: {  	s16 =	simm.s32 $0x78;
	s20 =	rddreg [dreg:$0x6];
	[sflag:s0] =	ssyncadd.s32 $0xFFFFFFD8  }
0x20: {  	[tilespmem:s16], [sflag:$0x7] =	stream.linear.gather [hbm4b:s20+s4], $0x28, $0x38;
	[tilespmem:$0x1B2D8] =	vst v63  }
0x21: {  	_ =	swait.ge [sflag:s0], $0x28  }
0x22: {  	[sflag:s0] =	ssyncset.done $0x0  }
0x23: {  	s21 =	simm.s32 $0xC8;
	[sflag:s0] =	ssyncadd.s32 $0xFFFFFFD8  }
0x24: {  	[tilespmem:s21], [sflag:$0x4] =	stream.indirect.gather [hbm4b:s5+s12], $0x40, s4, s12, $0xb8;
	[tilespmem:$0x1B2D8] =	vst v63  }
0x25: {  	s22 =	simm.s32 $0x14C8  }
0x26: {  	[tilespmem:s22], [sflag:$0x4] =	stream.indirect.gather [hbm4b:s1+s12], $0x80, s16, s12, $0xb8;
	[tilespmem:$0x1B2D8] =	vst v63  }
0x27: {  	s26 =	simm.s32 $0xA0;
	s23 =	rddreg [dreg:$0x9]  }
0x28: {  	[tilespmem:s12], [sflag:$0x2] =	stream.linear.gather [hbm4b:s23+s4], $0x28, $0x38;
	[tilespmem:$0x1B2D8] =	vst v63  }
0x29: {  	s11 =	simm.s32 $0x0;
	s24 =	rddreg [dreg:$0xa];
	s16 =	simm.s32 $0x240  }
0x2a: {  	[tilespmem:s26], [sflag:$0x2] =	stream.linear.gather [hbm4b:s24+s4], $0x28, $0x38;
	[tilespmem:$0x1B2D8] =	vst v63  }
.LBB2_2:
0x2b: {  	p2 =	sne.s32 s16, $0x57C0;
	[tilespmem:s11+$0x3D48] =	vst v0  }
0x2c: {  	[tilespmem:s11+$0x3CC8] =	vst v0  }
0x2d: {  	[tilespmem:s11+$0x3CD8] =	vst v0  }
0x2e: {  	[tilespmem:s11+$0x3CE8] =	vst v0  }
.Ltmp0:
0x2f: {  	[tilespmem:s11+$0x3CF8] =	vst v0;
	(pc) =	sbr.rel @p2 .LBB2_2-.Ltmp0, $4  }
0x30: {  	[tilespmem:s11+$0x3D08] =	vst v0  }
0x31: {  	[tilespmem:s11+$0x3D18] =	vst v0  }
0x32: {  	[tilespmem:s11+$0x3D28] =	vst v0  }
0x33: {  	[tilespmem:s11+$0x3D38] =	vst v0;
	s11 =	sshra.s32 s16, $0x2;
	s16 =	sadd.s32 $0x240, s16  }
0x34: {  	[tilespmem:s11+$0x3D48] =	vst v0  }
0x35: {  	[tilespmem:s11+$0x3CC8] =	vst v0  }
0x36: {  	[tilespmem:s11+$0x3CD8] =	vst v0  }
0x37: {  	[tilespmem:s11+$0x3CE8] =	vst v0  }
0x38: {  	[tilespmem:s11+$0x3CF8] =	vst v0  }
0x39: {  	[tilespmem:s11+$0x3D08] =	vst v0  }
0x3a: {  	[tilespmem:s11+$0x3D18] =	vst v0  }
0x3b: {  	[tilespmem:s11+$0x3D28] =	vst v0  }
0x3c: {  	[tilespmem:s11+$0x3D38] =	vst v0  }
0x3d: {  	[spmem:s9] =	stream.linear.scatter [tilespmem:s13], [sflag:$0x6], $0x1680, $0x38;
	[tilespmem:$0x1B2D8] =	vst v63  }
0x3e: {  	_ = 	snop  }
0x3f: {  	[spmem:s10] =	stream.linear.scatter [tilespmem:s13], [sflag:$0x6], $0x1680, $0x38;
	[tilespmem:$0x1B2D8] =	vst v63  }
0x40: {  	s17 =	rddreg [dreg:$0x4]  }
0x41: {  	[spmem:s17] =	stream.linear.scatter [tilespmem:s13], [sflag:$0x6], $0x1680, $0x38;
	[tilespmem:$0x1B2D8] =	vst v63  }
0x42: {  	s18 =	rddreg [dreg:$0x7]  }
0x43: {  	[spmem:s18] =	stream.linear.scatter [tilespmem:s13], [sflag:$0x6], $0x1680, $0x38;
	[tilespmem:$0x1B2D8] =	vst v63  }
0x44: {  	s19 =	rddreg [dreg:$0x8]  }
0x45: {  	[spmem:s19] =	stream.linear.scatter [tilespmem:s13], [sflag:$0x6], $0x1680, $0x38;
	[tilespmem:$0x1B2D8] =	vst v63  }
0x46: {  	s20 =	rddreg [dreg:$0xc]  }
0x47: {  	[spmem:s20] =	stream.linear.scatter [tilespmem:s13], [sflag:$0x6], $0x1680, $0x38;
	[tilespmem:$0x1B2D8] =	vst v63  }
0x48: {  	s21 =	rddreg [dreg:$0xd]  }
0x49: {  	[spmem:s21] =	stream.linear.scatter [tilespmem:s13], [sflag:$0x6], $0x1680, $0x38;
	[tilespmem:$0x1B2D8] =	vst v63  }
0x4a: {  	s22 =	rddreg [dreg:$0xe]  }
0x4b: {  	[spmem:s22] =	stream.linear.scatter [tilespmem:s13], [sflag:$0x6], $0x1680, $0x38;
	[tilespmem:$0x1B2D8] =	vst v63  }
0x4c: {  	s23 =	rddreg [dreg:$0xf]  }
0x4d: {  	[spmem:s23] =	stream.linear.scatter [tilespmem:s13], [sflag:$0x6], $0x1680, $0x38;
	[tilespmem:$0x1B2D8] =	vst v63  }
0x4e: {  	s24 =	rddreg [dreg:$0x10]  }
0x4f: {  	[spmem:s24] =	stream.linear.scatter [tilespmem:s13], [sflag:$0x6], $0x1680, $0x38;
	[tilespmem:$0x1B2D8] =	vst v63  }
0x50: {  	s26 =	rddreg [dreg:$0x12]  }
0x51: {  	[spmem:s26] =	stream.linear.scatter [tilespmem:s13], [sflag:$0x6], $0x1680, $0x38;
	[tilespmem:$0x1B2D8] =	vst v63  }
0x52: {  	_ = 	snop  }
0x53: {  	[spmem:s28] =	stream.linear.scatter [tilespmem:s13], [sflag:$0x6], $0x1680, $0x38;
	[tilespmem:$0x1B2D8] =	vst v63  }
0x54: {  	_ = 	snop  }
0x55: {  	[spmem:s29] =	stream.linear.scatter [tilespmem:s13], [sflag:$0x6], $0x1680, $0x38;
	[tilespmem:$0x1B2D8] =	vst v63  }
0x56: {  	_ = 	snop  }
0x57: {  	[spmem:s30] =	stream.linear.scatter [tilespmem:s13], [sflag:$0x6], $0x1680, $0x38;
	[tilespmem:$0x1B2D8] =	vst v63  }
0x58: {  	_ = 	snop  }
0x59: {  	[spmem:s31] =	stream.linear.scatter [tilespmem:s13], [sflag:$0x6], $0x1680, $0x38;
	[tilespmem:$0x1B2D8] =	vst v63  }
0x5a: {  	s11 =	simm.s32 @!p0 $0x3CC8;
	s16 =	rddreg [dreg:$0x11]  }
0x5b: {  	[spmem:s16] =	stream.linear.scatter @!p0 [tilespmem:s11], [sflag:$0x6], $0x1680, $0x38;
	[tilespmem:$0x1B2D8] =	vst v63  }
0x5c: {  	_ =	swait.ge [sflag:s14], $0x1680  }
0x5d: {  	[sflag:s14] =	ssyncset.done $0x0  }
0x5e: {  	[sflag:s14] =	ssyncadd.s32 $0xFFFFE980  }
0x5f: {  	_ =	swait.ge [sflag:s14], $0x1680  }
0x60: {  	[sflag:s14] =	ssyncset.done $0x0  }
0x61: {  	[sflag:s14] =	ssyncadd.s32 $0xFFFFE980  }
0x62: {  	_ =	swait.ge [sflag:s14], $0x1680  }
0x63: {  	[sflag:s14] =	ssyncset.done $0x0  }
0x64: {  	[sflag:s14] =	ssyncadd.s32 $0xFFFFE980  }
0x65: {  	_ =	swait.ge [sflag:s14], $0x1680  }
0x66: {  	[sflag:s14] =	ssyncset.done $0x0  }
0x67: {  	[sflag:s14] =	ssyncadd.s32 $0xFFFFE980  }
0x68: {  	_ =	swait.ge [sflag:s14], $0x1680  }
0x69: {  	[sflag:s14] =	ssyncset.done $0x0  }
0x6a: {  	[sflag:s14] =	ssyncadd.s32 $0xFFFFE980  }
0x6b: {  	_ =	swait.ge [sflag:s14], $0x1680  }
0x6c: {  	[sflag:s14] =	ssyncset.done $0x0  }
0x6d: {  	[sflag:s14] =	ssyncadd.s32 $0xFFFFE980  }
0x6e: {  	_ =	swait.ge [sflag:s14], $0x1680  }
0x6f: {  	[sflag:s14] =	ssyncset.done $0x0  }
0x70: {  	[sflag:s14] =	ssyncadd.s32 $0xFFFFE980  }
0x71: {  	_ =	swait.ge [sflag:s14], $0x1680  }
0x72: {  	[sflag:s14] =	ssyncset.done $0x0  }
0x73: {  	[sflag:s14] =	ssyncadd.s32 $0xFFFFE980  }
0x74: {  	_ =	swait.ge [sflag:s14], $0x1680  }
0x75: {  	[sflag:s14] =	ssyncset.done $0x0  }
0x76: {  	[sflag:s14] =	ssyncadd.s32 $0xFFFFE980  }
0x77: {  	_ =	swait.ge [sflag:s14], $0x1680  }
0x78: {  	[sflag:s14] =	ssyncset.done $0x0  }
0x79: {  	[sflag:s14] =	ssyncadd.s32 $0xFFFFE980  }
0x7a: {  	_ =	swait.ge [sflag:s14], $0x1680  }
0x7b: {  	[sflag:s14] =	ssyncset.done $0x0  }
0x7c: {  	[sflag:s14] =	ssyncadd.s32 $0xFFFFE980  }
0x7d: {  	_ =	swait.ge [sflag:s14], $0x1680  }
0x7e: {  	[sflag:s14] =	ssyncset.done $0x0  }
0x7f: {  	[sflag:s14] =	ssyncadd.s32 $0xFFFFE980  }
0x80: {  	_ =	swait.ge [sflag:s14], $0x1680  }
0x81: {  	[sflag:s14] =	ssyncset.done $0x0  }
0x82: {  	[sflag:s14] =	ssyncadd.s32 $0xFFFFE980  }
0x83: {  	_ =	swait.ge [sflag:s14], $0x1680  }
0x84: {  	[sflag:s14] =	ssyncset.done $0x0  }
0x85: {  	[sflag:s14] =	ssyncadd.s32 $0xFFFFE980  }
0x86: {  	_ =	swait.ge [sflag:s14], $0x1680  }
0x87: {  	[sflag:s14] =	ssyncset.done $0x0  }
0x88: {  	s11 =	simm.s32 @!p1 $0x6;
	[sflag:s14] =	ssyncadd.s32 $0xFFFFE980  }
0x89: {  	_ =	swait.ge @!p1 [sflag:s11], $0x1680  }
0x8a: {  	[sflag:s11] =	ssyncset.done @!p1 $0x0  }
0x8b: {  	[sflag:s11] =	ssyncadd.s32 @!p1 $0xFFFFE980  }
0x8c: {  	p2 =	por $0x0, $0x0;
	s16 =	simm.s32 $0x0;
	[bflag:$0x0] =	sbarrier.arrive $0xFFFF  }
.LBB2_4:
0x8d: {  	s18 =	sadd.s32 $0x1, s16;
	p3 =	seq.s32 s16, $0xF9  }
0x8e: {  	s17 =	sand.u32 @!p3 $0xFF, s18  }
0x8f: {  	s11 =	sand.u32 $0x1, s16;
	s17 =	smul.u32 @!p3 $0xAB, s17  }
0x90: {  	s19 =	sor.u32 $0x4, s11  }
0x91: {  	_ =	swait.ge [sflag:s19], $0xA00;
	s17 =	sshrl.u32 @!p3 s17, $0x9  }
0x92: {  	[sflag:s19] =	ssyncset.done $0x0;
	s17 =	smul.u32 @!p3 $0x3, s17  }
0x93: {  	[sflag:s19] =	ssyncadd.s32 $0xFFFFF600  }
0x94: {  	_ =	swait.ge [sflag:s19], $0x1400;
	s17 =	ssub.s32 @!p3 s18, s17  }
0x95: {  	[sflag:s19] =	ssyncset.done $0x0;
	s17 =	sand.u32 @!p3 $0xFF, s17  }
0x96: {  	[sflag:s19] =	ssyncadd.s32 $0xFFFFEC00;
	s19 =	sadd.s32 @!p3 $0x1, s17  }
0x97: {  	_ =	swait.ge @!p3 [sflag:s19], $0x28  }
0x98: {  	s20 =	sxor.u32 @!p3 $0x1, s11;
	[sflag:s19] =	ssyncset.done @!p3 $0x0  }
0x99: {  	s21 =	smul.u32 @!p3 $0x2800, s20;
	[sflag:s19] =	ssyncadd.s32 @!p3 $0xFFFFFFD8  }
0x9a: {  	s17 =	smul.u32 @!p3 $0xA0, s17;
	_ =	swait.ge @!p3 [sflag:s19], $0x28  }
0x9b: {  	s23 =	simm.s32 @!p3 $0x28;
	s22 =	smul.u32 @!p3 $0xA0, s20;
	[sflag:s19] =	ssyncset.done @!p3 $0x0  }
0x9c: {  	s21 =	sshrl.u32 @!p3 s21, $0x2;
	s17 =	sshrl.u32 @!p3 s17, $0x2;
	[sflag:s19] =	ssyncadd.s32 @!p3 $0xFFFFFFD8  }
0x9d: {  	s19 =	sor.u32 @!p3 $0xC8, s21;
	s21 =	sor.u32 @!p3 $0x4, s20;
	s20 =	smul.u32 @!p3 $0x5000, s20  }
0x9e: {  	[tilespmem:s19], [sflag:s21] =	stream.indirect.gather @!p3 [hbm4b:s5+s23], $0x40, s17, s23, $0xb8;
	[tilespmem:$0x1B2D8] =	vst v63  }
0x9f: {  	s17 =	sshrl.u32 @!p3 s22, $0x2;
	s19 =	sshrl.u32 @!p3 s20, $0x2  }
0xa0: {  	p4 =	seq.s32 @!p3 s16, $0x0;
	s17 =	sadd.s32 @!p3 $0x78, s17;
	s19 =	sadd.s32 @!p3 $0x14C8, s19  }
0xa1: {  	[tilespmem:s19], [sflag:s21] =	stream.indirect.gather @!p3 [hbm4b:s1+s23], $0x80, s17, s23, $0xb8;
	[tilespmem:$0x1B2D8] =	vst v63  }
0xa2: {  	p3 =	por p3, !p4  }
0xa3: {  	s17 =	simm.s32 @p3 $0x6  }
0xa4: {  	p4 =	sgt.u32 @p3 s16, $0xF7;
	_ =	swait.ge @p3 [sflag:s17], $0x1680  }
0xa5: {  	p4 =	por !p3, !p4;
	[sflag:s17] =	ssyncset.done @p3 $0x0  }
0xa6: {  	[sflag:s17] =	ssyncadd.s32 @p3 $0xFFFFE980;
	s17 =	sadd.s32 @p4 $0x2, s16  }
0xa7: {  	s19 =	smul.u32 @p4 $0xAB, s17;
	_ =	sdelay $0x1  }
0xa8: {  	s19 =	sshrl.u32 @p4 s19, $0x9  }
0xa9: {  	s19 =	sand.u32 @p4 $0x7F, s19  }
0xaa: {  	s19 =	smul.u32 @p4 $0x3, s19;
	_ =	sdelay $0x1  }
0xab: {  	s19 =	ssub.s32 @p4 s17, s19;
	s17 =	smul.u32 @p4 $0x28, s17  }
0xac: {  	s11 =	smul.u32 @p4 $0xA0, s11;
	s19 =	sand.u32 @p4 $0xFF, s19  }
0xad: {  	s20 =	smul.u32 @p4 $0xA0, s19;
	s17 =	sadd.s32 @p4 s8, s17  }
0xae: {  	s11 =	sshrl.u32 @p4 s11, $0x2;
	s17 =	sshrl.u32 @p4 s17, $0x3  }
0xaf: {  	s19 =	sadd.s32 @p4 $0x1, s19;
	s20 =	sshrl.u32 @p4 s20, $0x2;
	s21 =	sadd.s32 @p4 s6, s17  }
0xb0: {  	[tilespmem:s20], [sflag:s19] =	stream.linear.gather @p4 [hbm4b:s21+s4], $0x28, $0x38;
	[tilespmem:$0x1B2D8] =	vst v63  }
0xb1: {  	s11 =	sadd.s32 @p4 $0x78, s11;
	s17 =	sadd.s32 @p4 s7, s17  }
0xb2: {  	[tilespmem:s11], [sflag:s19] =	stream.linear.gather @p4 [hbm4b:s17+s4], $0x28, $0x38;
	[tilespmem:$0x1B2D8] =	vst v63  }
0xb3: {  	s11 =	simm.s32 $0x1  }
0xb4: {  	s11 =	simm.s32 @!p2 $0x0  }
0xb5: {  	s21 =	smul.u32 $0x2800, s11  }
0xb6: {  	s11 =	smul.u32 $0x5000, s11  }
0xb7: {  	s17 =	sshrl.u32 s21, $0x2  }
0xb8: {  	s11 =	sshrl.u32 s11, $0x2;
	s22 =	sor.u32 $0x148, s17  }
0xb9: {  	s23 =	sadd.s32 $0x15C8, s11;
	v5 =	vld [tilespmem:s22+$0x40]  }
0xba: {  	v6 =	vld [tilespmem:s23+$0x80];
	_ =	sdelay $0x3  }
0xbb: {  	v7 =	vunpack.i.u.bf16.f32 v5  }
0xbc: {  	v5 =	vunpack.i.l.bf16.f32 v5;
	v8 =	vunpack.i.u.bf16.f32 v6;
	v6 =	vunpack.i.l.bf16.f32 v6  }
0xbd: {  	v5 =	vmul.f32 v6, v5;
	v6 =	vmul.f32 v8, v7;
	_ =	sdelay $0x1  }
0xbe: {  	v5 =	vadd.f32 v5, v6;
	_ =	sdelay $0x1  }
0xbf: {  	v6 =	vperm.xlane v5, v1;
	_ =	sdelay $0x1  }
0xc0: {  	v5 =	vadd.f32 v5, v6;
	_ =	sdelay $0x1  }
0xc1: {  	v7 =	vld [tilespmem:s23+$0xFFFFFF00];
	v6 =	vperm.xlane v5, v2  }
0xc2: {  	v8 =	vld [tilespmem:s22+$0xFFFFFFC0]  }
0xc3: {  	v5 =	vadd.f32 v5, v6;
	v6 =	vld [tilespmem:s23+$0xFFFFFF80];
	_ =	sdelay $0x1  }
0xc4: {  	v10 =	vld [tilespmem:s22+$0xFFFFFF80];
	v9 =	vperm.xlane v5, v3;
	_ =	sdelay $0x1  }
0xc5: {  	v11 =	vunpack.i.u.bf16.f32 v8;
	v8 =	vunpack.i.l.bf16.f32 v8;
	v5 =	vadd.f32 v5, v9  }
0xc6: {  	v14 =	vld [tilespmem:s22+$0x0];
	v9 =	vunpack.i.u.bf16.f32 v7;
	v12 =	vunpack.i.u.bf16.f32 v6;
	v6 =	vunpack.i.l.bf16.f32 v6  }
0xc7: {  	v7 =	vunpack.i.l.bf16.f32 v7;
	v13 =	vperm.xlane v5, v4;
	v6 =	vmul.f32 v6, v8  }
0xc8: {  	v8 =	vmul.f32 v12, v11;
	v11 =	vld [tilespmem:s23+$0x0];
	v12 =	vunpack.i.u.bf16.f32 v10;
	v10 =	vunpack.i.l.bf16.f32 v10  }
0xc9: {  	v7 =	vmul.f32 v7, v10;
	v9 =	vmul.f32 v9, v12;
	v5 =	vadd.f32 v5, v13;
	_ =	sdelay $0x1  }
0xca: {  	v10 =	vunpack.i.l.bf16.f32 v14;
	v7 =	vadd.f32 v7, v9;
	v5 =	vmax.f32 v5, $-1.000000000e+01  }
0xcb: {  	v6 =	vadd.f32 v6, v8;
	v8 =	vunpack.i.u.bf16.f32 v14;
	v5 =	vmin.f32 v5, $1.000000000e+01  }
0xcc: {  	v12 =	vunpack.i.u.bf16.f32 v11;
	v13 =	vperm.xlane v7, v1;
	v5 =	vmul.f32 $1.442695020e+00, v5  }
0xcd: {  	v9 =	vperm.xlane v6, v1;
	v11 =	vunpack.i.l.bf16.f32 v11;
	v8 =	vmul.f32 v12, v8  }
0xce: {  	v7 =	vadd.f32 v7, v13;
	(erf) = vpow2.f32 v5;
	v5 =	vmul.f32 v11, v10  }
0xcf: {  	v6 =	vadd.f32 v6, v9  }
0xd0: {  	v5 =	vadd.f32 v5, v8;
	v8 =	vperm.xlane v7, v2  }
0xd1: {  	v9 =	vperm.xlane v6, v2  }
0xd2: {  	v10 =	vperm.xlane v5, v1;
	v7 =	vadd.f32 v7, v8  }
0xd3: {  	v6 =	vadd.f32 v6, v9;
	v9 =	vld [tilespmem:s23+$0xC0]  }
0xd4: {  	v10 =	vadd.f32 v5, v10;
	v5 =	vperm.xlane v7, v3  }
0xd5: {  	v8 =	vperm.xlane v6, v3;
	_ =	sdelay $0x1  }
0xd6: {  	v6 =	vadd.f32 v6, v8  }
0xd7: {  	v11 =	vunpack.i.l.bf16.f32 v9;
	v8 =	vperm.xlane v10, v2;
	v7 =	vadd.f32 v7, v5;
	v5 =	vpop (erf)  }
0xd8: {  	v9 =	vunpack.i.u.bf16.f32 v9;
	v12 =	vperm.xlane v6, v4;
	v11 =	vmul.f32 v5, v11  }
0xd9: {  	s17 =	simm.s32 $0x3DE8;
	v8 =	vadd.f32 v10, v8;
	v10 =	vperm.xlane v7, v4;
	v9 =	vmul.f32 v5, v9  }
0xda: {  	v6 =	vadd.f32 v6, v12;
	[tilespmem:s17+$0x90] =	vst v11  }
0xdb: {  	v7 =	vadd.f32 v7, v10;
	v11 =	vperm.xlane v8, v3;
	[tilespmem:s17+$0xA0] =	vst v9  }
0xdc: {  	v6 =	vmax.f32 v6, $-1.000000000e+01;
	v9 =	vld [tilespmem:s22+$0x50]  }
0xdd: {  	v6 =	vmin.f32 v6, $1.000000000e+01;
	v7 =	vmax.f32 v7, $-1.000000000e+01;
	v10 =	vld [tilespmem:s23+$0x90];
	v8 =	vadd.f32 v8, v11  }
0xde: {  	v6 =	vmul.f32 $1.442695020e+00, v6;
	v7 =	vmin.f32 v7, $1.000000000e+01  }
0xdf: {  	v7 =	vmul.f32 $1.442695020e+00, v7;
	v11 =	vperm.xlane v8, v4  }
0xe0: {  	(erf) = vpow2.f32 v6  }
0xe1: {  	(erf) = vpow2.f32 v7;
	v6 =	vadd.f32 v8, v11;
	v7 =	vunpack.i.u.bf16.f32 v9  }
0xe2: {  	v8 =	vunpack.i.l.bf16.f32 v9;
	v9 =	vunpack.i.u.bf16.f32 v10;
	v10 =	vunpack.i.l.bf16.f32 v10  }
0xe3: {  	v8 =	vmul.f32 v10, v8;
	v7 =	vmul.f32 v9, v7;
	v6 =	vmax.f32 v6, $-1.000000000e+01  }
0xe4: {  	v6 =	vmin.f32 v6, $1.000000000e+01  }
0xe5: {  	v7 =	vadd.f32 v8, v7;
	v6 =	vmul.f32 $1.442695020e+00, v6  }
0xe6: {  	v9 =	vld [tilespmem:s23+$0xFFFFFF40]  }
0xe7: {  	(erf) = vpow2.f32 v6;
	v6 =	vperm.xlane v7, v1  }
0xe8: {  	v10 =	vld [tilespmem:s23+$0xFFFFFFC0]  }
0xe9: {  	v6 =	vadd.f32 v7, v6  }
0xea: {  	v7 =	vpop (erf)  }
0xeb: {  	v11 =	vld [tilespmem:s23+$0x40];
	v12 =	vunpack.i.l.bf16.f32 v9;
	v8 =	vpop (erf);
	v13 =	vperm.xlane v6, v2  }
0xec: {  	v9 =	vunpack.i.u.bf16.f32 v9;
	v12 =	vmul.f32 v8, v12  }
0xed: {  	v9 =	vmul.f32 v8, v9;
	v13 =	vadd.f32 v6, v13;
	v6 =	vunpack.i.l.bf16.f32 v10  }
0xee: {  	[tilespmem:s17+$0xFFFFFEE0] =	vst v12  }
0xef: {  	v10 =	vunpack.i.u.bf16.f32 v10;
	[tilespmem:s17+$0xFFFFFEF0] =	vst v9;
	v12 =	vmul.f32 v7, v6;
	v9 =	vperm.xlane v13, v3  }
0xf0: {  	v14 =	vunpack.i.l.bf16.f32 v11;
	v10 =	vmul.f32 v7, v10;
	v15 =	vld [tilespmem:s22+$0xFFFFFF90];
	v6 =	vpop (erf)  }
0xf1: {  	v11 =	vunpack.i.u.bf16.f32 v11;
	[tilespmem:s17+$0xFFFFFF70] =	vst v12;
	v12 =	vmul.f32 v6, v14;
	v14 =	vld [tilespmem:s23+$0xFFFFFF10];
	v9 =	vadd.f32 v13, v9  }
0xf2: {  	[tilespmem:s17+$0xFFFFFF80] =	vst v10;
	v11 =	vmul.f32 v6, v11  }
0xf3: {  	v10 =	vld [tilespmem:s22+$0xFFFFFFD0];
	[tilespmem:s17+$0x0] =	vst v12;
	v12 =	vperm.xlane v9, v4  }
0xf4: {  	[tilespmem:s17+$0x10] =	vst v11;
	v11 =	vld [tilespmem:s23+$0xFFFFFF90]  }
0xf5: {  	v13 =	vld [tilespmem:s22+$0x10];
	v9 =	vadd.f32 v9, v12  }
0xf6: {  	v16 =	vld [tilespmem:s23+$0x10];
	v12 =	vunpack.i.u.bf16.f32 v15;
	v15 =	vunpack.i.l.bf16.f32 v15;
	v17 =	vunpack.i.l.bf16.f32 v14  }
0xf7: {  	v14 =	vunpack.i.u.bf16.f32 v14;
	v15 =	vmul.f32 v17, v15  }
0xf8: {  	v9 =	vmax.f32 v9, $-1.000000000e+01;
	v17 =	vunpack.i.u.bf16.f32 v10;
	v10 =	vunpack.i.l.bf16.f32 v10  }
0xf9: {  	v12 =	vmul.f32 v14, v12;
	v9 =	vmin.f32 v9, $1.000000000e+01;
	v18 =	vunpack.i.u.bf16.f32 v11  }
0xfa: {  	v11 =	vunpack.i.l.bf16.f32 v11;
	v9 =	vmul.f32 $1.442695020e+00, v9;
	v14 =	vunpack.i.u.bf16.f32 v13  }
0xfb: {  	v13 =	vunpack.i.l.bf16.f32 v13;
	v19 =	vunpack.i.u.bf16.f32 v16;
	v16 =	vunpack.i.l.bf16.f32 v16  }
0xfc: {  	v10 =	vmul.f32 v11, v10;
	(erf) = vpow2.f32 v9;
	v9 =	vadd.f32 v15, v12  }
0xfd: {  	v11 =	vmul.f32 v18, v17;
	v12 =	vmul.f32 v16, v13  }
0xfe: {  	v13 =	vmul.f32 v19, v14;
	v14 =	vperm.xlane v9, v1;
	_ =	sdelay $0x1  }
0xff: {  	v10 =	vadd.f32 v10, v11;
	v9 =	vadd.f32 v9, v14  }
0x100: {  	v11 =	vadd.f32 v12, v13;
	v12 =	vld [tilespmem:s23+$0xD0]  }
0x101: {  	v13 =	vperm.xlane v10, v1;
	v15 =	vperm.xlane v9, v2  }
0x102: {  	v14 =	vperm.xlane v11, v1  }
0x103: {  	v10 =	vadd.f32 v10, v13  }
0x104: {  	v11 =	vadd.f32 v11, v14  }
0x105: {  	v13 =	vperm.xlane v10, v2;
	v14 =	vunpack.i.l.bf16.f32 v12;
	v9 =	vadd.f32 v9, v15;
	v15 =	vpop (erf)  }
0x106: {  	v12 =	vunpack.i.u.bf16.f32 v12;
	v14 =	vmul.f32 v15, v14  }
0x107: {  	v16 =	vperm.xlane v11, v2;
	v10 =	vadd.f32 v10, v13;
	v12 =	vmul.f32 v15, v12  }
0x108: {  	v17 =	vperm.xlane v9, v3;
	[tilespmem:s17+$0xB0] =	vst v14  }
0x109: {  	v11 =	vadd.f32 v11, v16;
	v13 =	vperm.xlane v10, v3;
	[tilespmem:s17+$0xC0] =	vst v12  }
0x10a: {  	v9 =	vadd.f32 v9, v17;
	v14 =	vld [tilespmem:s22+$0x60]  }
0x10b: {  	v10 =	vadd.f32 v10, v13;
	v12 =	vperm.xlane v11, v3;
	v13 =	vld [tilespmem:s23+$0xA0]  }
0x10c: {  	v16 =	vperm.xlane v9, v4  }
0x10d: {  	v11 =	vadd.f32 v11, v12;
	v12 =	vperm.xlane v10, v4  }
0x10e: {  	v9 =	vadd.f32 v9, v16  }
0x10f: {  	v16 =	vperm.xlane v11, v4;
	v10 =	vadd.f32 v10, v12;
	v12 =	vunpack.i.u.bf16.f32 v14  }
0x110: {  	v14 =	vunpack.i.l.bf16.f32 v14;
	v17 =	vunpack.i.u.bf16.f32 v13;
	v13 =	vunpack.i.l.bf16.f32 v13  }
0x111: {  	v9 =	vmax.f32 v9, $-1.000000000e+01;
	v13 =	vmul.f32 v13, v14;
	v12 =	vmul.f32 v17, v12  }
0x112: {  	v9 =	vmin.f32 v9, $1.000000000e+01;
	v11 =	vadd.f32 v11, v16;
	v10 =	vmax.f32 v10, $-1.000000000e+01  }
0x113: {  	v9 =	vmul.f32 $1.442695020e+00, v9;
	v10 =	vmin.f32 v10, $1.000000000e+01;
	v12 =	vadd.f32 v13, v12  }
0x114: {  	v11 =	vmax.f32 v11, $-1.000000000e+01;
	v10 =	vmul.f32 $1.442695020e+00, v10  }
0x115: {  	(erf) = vpow2.f32 v9;
	v9 =	vmin.f32 v11, $1.000000000e+01;
	v11 =	vperm.xlane v12, v1;
	_ =	sdelay $0x1  }
0x116: {  	v9 =	vmul.f32 $1.442695020e+00, v9;
	(erf) = vpow2.f32 v10;
	v10 =	vadd.f32 v12, v11;
	_ =	sdelay $0x1  }
0x117: {  	(erf) = vpow2.f32 v9;
	v11 =	vld [tilespmem:s23+$0xFFFFFF50];
	v9 =	vperm.xlane v10, v2;
	_ =	sdelay $0x1  }
0x118: {  	v12 =	vld [tilespmem:s23+$0xFFFFFFD0];
	v9 =	vadd.f32 v10, v9;
	_ =	sdelay $0x1  }
0x119: {  	v16 =	vperm.xlane v9, v3  }
0x11a: {  	v13 =	vunpack.i.l.bf16.f32 v11;
	v14 =	vpop (erf);
	v11 =	vunpack.i.u.bf16.f32 v11  }
0x11b: {  	v10 =	vld [tilespmem:s23+$0x50];
	v11 =	vmul.f32 v14, v11;
	v9 =	vadd.f32 v9, v16  }
0x11c: {  	s24 =	sadd.s32 $0x100, s22;
	v17 =	vunpack.i.l.bf16.f32 v12  }
0x11d: {  	s26 =	sadd.s32 $0x200, s23;
	v24 =	vld [tilespmem:s24+$0xFFFFFFC0];
	v12 =	vunpack.i.u.bf16.f32 v12;
	v13 =	vmul.f32 v14, v13;
	v18 =	vpop (erf);
	[tilespmem:s17+$0xFFFFFF10] =	vst v11;
	v11 =	vperm.xlane v9, v4  }
0x11e: {  	v26 =	vld [tilespmem:s26+$0xFFFFFF80];
	v12 =	vmul.f32 v18, v12  }
0x11f: {  	v16 =	vmul.f32 v18, v17;
	[tilespmem:s17+$0xFFFFFF00] =	vst v13;
	v9 =	vadd.f32 v9, v11  }
0x120: {  	v17 =	vpop (erf);
	v13 =	vunpack.i.l.bf16.f32 v10;
	v19 =	vld [tilespmem:s22+$0xFFFFFFA0];
	[tilespmem:s17+$0xFFFFFFA0] =	vst v12  }
0x121: {  	v10 =	vunpack.i.u.bf16.f32 v10;
	v13 =	vmul.f32 v17, v13;
	[tilespmem:s17+$0xFFFFFF90] =	vst v16;
	v16 =	vld [tilespmem:s23+$0xFFFFFF20];
	v9 =	vmax.f32 v9, $-1.000000000e+01  }
0x122: {  	v29 =	vunpack.i.u.bf16.f32 v24;
	v10 =	vmul.f32 v17, v10;
	v11 =	vld [tilespmem:s22+$0xFFFFFFE0];
	v9 =	vmin.f32 v9, $1.000000000e+01  }
0x123: {  	v24 =	vunpack.i.l.bf16.f32 v24;
	v31 =	vunpack.i.l.bf16.f32 v26;
	v12 =	vld [tilespmem:s23+$0xFFFFFFA0];
	[tilespmem:s17+$0x20] =	vst v13;
	v9 =	vmul.f32 $1.442695020e+00, v9  }
0x124: {  	v26 =	vunpack.i.u.bf16.f32 v26;
	v24 =	vmul.f32 v31, v24;
	v20 =	vnsel vm0, $0x0, v8;
	[tilespmem:s17+$0x30] =	vst v10  }
0x125: {  	v13 =	vnsel vm0, $0x0, v7;
	v10 =	vld [tilespmem:s22+$0x20];
	v8 =	vunpack.i.u.bf16.f32 v19;
	(erf) = vpow2.f32 v9  }
0x126: {  	v7 =	vld [tilespmem:s23+$0x20];
	v19 =	vunpack.i.l.bf16.f32 v19;
	v21 =	vunpack.i.u.bf16.f32 v16;
	v16 =	vunpack.i.l.bf16.f32 v16  }
0x127: {  	v26 =	vmul.f32 v26, v29;
	v9 =	vmul.f32 v16, v19;
	v16 =	vunpack.i.u.bf16.f32 v11  }
0x128: {  	v11 =	vunpack.i.l.bf16.f32 v11;
	v19 =	vunpack.i.u.bf16.f32 v12;
	v12 =	vunpack.i.l.bf16.f32 v12  }
0x129: {  	v5 =	vnsel vm0, $0x0, v5;
	v11 =	vmul.f32 v12, v11;
	v12 =	vmul.f32 v19, v16;
	v16 =	vld [tilespmem:s23+$0xE0]  }
0x12a: {  	v21 =	vmul.f32 v21, v8;
	v8 =	vunpack.i.u.bf16.f32 v10;
	v10 =	vunpack.i.l.bf16.f32 v10  }
0x12b: {  	v23 =	vld [tilespmem:s24+$0x40];
	v22 =	vunpack.i.u.bf16.f32 v7;
	v7 =	vunpack.i.l.bf16.f32 v7;
	v19 =	vnsel vm0, $0x0, v6  }
0x12c: {  	v10 =	vmul.f32 v7, v10;
	v22 =	vmul.f32 v22, v8;
	v8 =	vsel vm1, v5, v15;
	v15 =	vld [tilespmem:s26+$0x80]  }
0x12d: {  	v7 =	vsel vm1, v20, v14;
	v6 =	vsel vm1, v13, v18;
	v9 =	vadd.f32 v9, v21  }
0x12e: {  	v5 =	vsel vm1, v19, v17;
	v11 =	vadd.f32 v11, v12;
	v20 =	vunpack.i.l.bf16.f32 v16;
	v12 =	vpop (erf)  }
0x12f: {  	v14 =	vld [tilespmem:s23+$0xFFFFFF60];
	v10 =	vadd.f32 v10, v22;
	v16 =	vunpack.i.u.bf16.f32 v16;
	v20 =	vmul.f32 v12, v20  }
0x130: {  	v22 =	vunpack.i.u.bf16.f32 v23;
	v23 =	vunpack.i.l.bf16.f32 v23;
	v16 =	vmul.f32 v12, v16  }
0x131: {  	v13 =	vld [tilespmem:s23+$0xFFFFFFE0];
	v17 =	vperm.xlane v9, v1;
	v25 =	vunpack.i.u.bf16.f32 v15;
	v15 =	vunpack.i.l.bf16.f32 v15;
	[tilespmem:s17+$0xD0] =	vst v20  }
0x132: {  	v21 =	vld [tilespmem:s26+$0xFFFFFF00];
	v15 =	vmul.f32 v15, v23;
	v20 =	vmul.f32 v25, v22;
	[tilespmem:s17+$0xE0] =	vst v16  }
0x133: {  	v24 =	vadd.f32 v24, v26;
	v18 =	vperm.xlane v11, v1;
	v19 =	vperm.xlane v10, v1;
	v16 =	vld [tilespmem:s22+$0x70]  }
0x134: {  	v17 =	vadd.f32 v9, v17;
	v9 =	vunpack.i.u.bf16.f32 v14;
	v25 =	vld [tilespmem:s23+$0xB0];
	v15 =	vadd.f32 v15, v20  }
0x135: {  	v18 =	vadd.f32 v11, v18;
	v19 =	vadd.f32 v10, v19;
	v11 =	vunpack.i.l.bf16.f32 v14  }
0x136: {  	v10 =	vunpack.i.u.bf16.f32 v13;
	v14 =	vperm.xlane v17, v2;
	v28 =	vperm.xlane v15, v1  }
0x137: {  	v30 =	vld [tilespmem:s24+$0xFFFFFF80];
	v27 =	vunpack.i.u.bf16.f32 v21;
	v21 =	vunpack.i.l.bf16.f32 v21;
	v23 =	vperm.xlane v19, v2  }
0x138: {  	v14 =	vadd.f32 v17, v14;
	v17 =	vperm.xlane v24, v1;
	v15 =	vadd.f32 v15, v28  }
0x139: {  	v19 =	vadd.f32 v19, v23;
	v22 =	vld [tilespmem:s24+$0x0];
	v29 =	vunpack.i.l.bf16.f32 v16;
	v31 =	vunpack.i.l.bf16.f32 v25  }
0x13a: {  	v32 =	vld [tilespmem:s26+$0x0];
	v16 =	vunpack.i.u.bf16.f32 v16;
	v25 =	vunpack.i.u.bf16.f32 v25;
	v33 =	vperm.xlane v15, v2  }
0x13b: {  	v17 =	vadd.f32 v24, v17;
	v29 =	vmul.f32 v31, v29;
	v16 =	vmul.f32 v25, v16  }
0x13c: {  	v20 =	vperm.xlane v18, v2;
	v25 =	vunpack.i.l.bf16.f32 v30;
	v15 =	vadd.f32 v15, v33  }
0x13d: {  	v30 =	vunpack.i.u.bf16.f32 v30;
	v21 =	vmul.f32 v21, v25;
	v16 =	vadd.f32 v29, v16  }
0x13e: {  	v28 =	vunpack.i.u.bf16.f32 v22;
	v25 =	vmul.f32 v27, v30;
	v27 =	vperm.xlane v15, v3  }
0x13f: {  	v22 =	vunpack.i.l.bf16.f32 v22;
	v31 =	vunpack.i.l.bf16.f32 v32;
	v26 =	vperm.xlane v16, v1  }
0x140: {  	v29 =	vunpack.i.u.bf16.f32 v32;
	v21 =	vadd.f32 v21, v25;
	v15 =	vadd.f32 v15, v27  }
0x141: {  	v22 =	vmul.f32 v31, v22;
	v25 =	vmul.f32 v29, v28;
	v16 =	vadd.f32 v16, v26  }
0x142: {  	v18 =	vadd.f32 v18, v20;
	v26 =	vperm.xlane v21, v1;
	v27 =	vperm.xlane v15, v4  }
0x143: {  	v20 =	vperm.xlane v17, v2;
	v22 =	vadd.f32 v22, v25;
	v24 =	vperm.xlane v16, v2  }
0x144: {  	v28 =	vperm.xlane v14, v3;
	v21 =	vadd.f32 v21, v26;
	v15 =	vadd.f32 v15, v27  }
0x145: {  	v17 =	vadd.f32 v17, v20;
	v25 =	vperm.xlane v22, v1;
	v16 =	vadd.f32 v16, v24  }
0x146: {  	v14 =	vadd.f32 v14, v28;
	v24 =	vperm.xlane v21, v2;
	v15 =	vmax.f32 v15, $-1.000000000e+01  }
0x147: {  	v20 =	vadd.f32 v22, v25;
	v22 =	vperm.xlane v16, v3;
	v15 =	vmin.f32 v15, $1.000000000e+01  }
0x148: {  	v21 =	vadd.f32 v21, v24;
	v24 =	vperm.xlane v17, v3;
	v15 =	vmul.f32 $1.442695020e+00, v15  }
0x149: {  	v26 =	vperm.xlane v19, v3;
	v25 =	vperm.xlane v20, v2;
	v16 =	vadd.f32 v16, v22  }
0x14a: {  	v22 =	vperm.xlane v21, v3;
	v17 =	vadd.f32 v17, v24;
	(erf) = vpow2.f32 v15  }
0x14b: {  	v20 =	vadd.f32 v20, v25;
	v24 =	vperm.xlane v14, v4;
	v25 =	vperm.xlane v16, v4  }
0x14c: {  	v21 =	vadd.f32 v21, v22;
	v23 =	vperm.xlane v17, v4;
	v15 =	vperm.xlane v18, v3  }
0x14d: {  	v22 =	vperm.xlane v20, v3;
	v14 =	vadd.f32 v14, v24;
	v16 =	vadd.f32 v16, v25;
	v25 =	vld [tilespmem:s26+$0xC0]  }
0x14e: {  	v17 =	vadd.f32 v17, v23;
	v15 =	vadd.f32 v18, v15;
	v18 =	vperm.xlane v21, v4  }
0x14f: {  	v20 =	vadd.f32 v20, v22;
	v14 =	vmax.f32 v14, $-1.000000000e+01;
	v16 =	vmax.f32 v16, $-1.000000000e+01  }
0x150: {  	v17 =	vmax.f32 v17, $-1.000000000e+01;
	v18 =	vadd.f32 v21, v18;
	v16 =	vmin.f32 v16, $1.000000000e+01  }
0x151: {  	v21 =	vperm.xlane v20, v4;
	v17 =	vmin.f32 v17, $1.000000000e+01;
	v16 =	vmul.f32 $1.442695020e+00, v16  }
0x152: {  	v17 =	vmul.f32 $1.442695020e+00, v17;
	v18 =	vmax.f32 v18, $-1.000000000e+01;
	v22 =	vunpack.i.l.bf16.f32 v25  }
0x153: {  	v20 =	vadd.f32 v20, v21;
	v18 =	vmin.f32 v18, $1.000000000e+01;
	(erf) = vpow2.f32 v16;
	v23 =	vpop (erf)  }
0x154: {  	v16 =	vunpack.i.u.bf16.f32 v25;
	v18 =	vmul.f32 $1.442695020e+00, v18;
	v22 =	vmul.f32 v23, v22  }
0x155: {  	s11 =	simm.s32 $0x4028;
	v14 =	vmin.f32 v14, $1.000000000e+01;
	(erf) = vpow2.f32 v17;
	v16 =	vmul.f32 v23, v16  }
0x156: {  	v21 =	vperm.xlane v15, v4;
	v25 =	vld [tilespmem:s26+$0xFFFFFFC0];
	v20 =	vmax.f32 v20, $-1.000000000e+01;
	(erf) = vpow2.f32 v18;
	[tilespmem:s11+$0x90] =	vst v22  }
0x157: {  	v14 =	vmul.f32 $1.442695020e+00, v14;
	v17 =	vld [tilespmem:s26+$0xFFFFFF40];
	v18 =	vmin.f32 v20, $1.000000000e+01;
	[tilespmem:s11+$0xA0] =	vst v16;
	v16 =	vadd.f32 v19, v26  }
0x158: {  	v22 =	vunpack.i.l.bf16.f32 v13;
	v13 =	vadd.f32 v15, v21;
	v15 =	vmul.f32 $1.442695020e+00, v18;
	v19 =	vld [tilespmem:s24+$0x50]  }
0x159: {  	(erf) = vpow2.f32 v14;
	v18 =	vld [tilespmem:s26+$0x90]  }
0x15a: {  	v8 =	vsel vm2, v8, v12;
	v13 =	vmax.f32 v13, $-1.000000000e+01;
	(erf) = vpow2.f32 v15  }
0x15b: {  	v28 =	vunpack.i.u.bf16.f32 v25;
	v20 =	vperm.xlane v16, v4;
	v13 =	vmin.f32 v13, $1.000000000e+01  }
0x15c: {  	v15 =	vunpack.i.u.bf16.f32 v17;
	v17 =	vunpack.i.l.bf16.f32 v17;
	v13 =	vmul.f32 $1.442695020e+00, v13  }
0x15d: {  	v14 =	vadd.f32 v16, v20;
	v26 =	vpop (erf);
	v20 =	vunpack.i.u.bf16.f32 v19;
	v19 =	vunpack.i.l.bf16.f32 v19  }
0x15e: {  	v16 =	vld [tilespmem:s26+$0x40];
	v29 =	vpop (erf);
	v27 =	vunpack.i.u.bf16.f32 v18;
	v18 =	vunpack.i.l.bf16.f32 v18;
	(erf) = vpow2.f32 v13  }
0x15f: {  	v18 =	vmul.f32 v18, v19;
	v19 =	vmul.f32 v27, v20;
	v20 =	vunpack.i.l.bf16.f32 v25;
	v25 =	vpop (erf)  }
0x160: {  	v14 =	vmax.f32 v14, $-1.000000000e+01;
	v12 =	vmul.f32 v29, v28;
	v17 =	vmul.f32 v25, v17  }
0x161: {  	v24 =	vld [tilespmem:s23+$0x60];
	v13 =	vmin.f32 v14, $1.000000000e+01;
	v15 =	vmul.f32 v25, v15;
	v18 =	vadd.f32 v18, v19  }
0x162: {  	v14 =	vld [tilespmem:s23+$0xF0];
	v27 =	vmul.f32 $1.442695020e+00, v13;
	v20 =	vmul.f32 v29, v20;
	v30 =	vpop (erf);
	v13 =	vnsel vm0, $0x0, v23;
	[tilespmem:s11+$0xFFFFFEE0] =	vst v17  }
0x163: {  	v19 =	vunpack.i.u.bf16.f32 v16;
	v16 =	vunpack.i.l.bf16.f32 v16;
	[tilespmem:s11+$0xFFFFFEF0] =	vst v15;
	v17 =	vperm.xlane v18, v1;
	v23 =	vpop (erf)  }
0x164: {  	[tilespmem:s11+$0xFFFFFF80] =	vst v12;
	v12 =	vld [tilespmem:s26+$0xFFFFFF10];
	v15 =	vmul.f32 v23, v16  }
0x165: {  	(erf) = vpow2.f32 v27;
	[tilespmem:s11+$0xFFFFFF70] =	vst v20;
	v27 =	vld [tilespmem:s24+$0xFFFFFF90];
	v19 =	vmul.f32 v23, v19;
	v17 =	vadd.f32 v18, v17  }
0x166: {  	v21 =	vunpack.i.u.bf16.f32 v24;
	v11 =	vmul.f32 v30, v11;
	v20 =	vsel vm3, v8, v26;
	v8 =	vld [tilespmem:s24+$0xFFFFFFD0];
	[tilespmem:s11+$0x0] =	vst v15  }
0x167: {  	v16 =	vunpack.i.u.bf16.f32 v14;
	v14 =	vunpack.i.l.bf16.f32 v14;
	[tilespmem:s11+$0x10] =	vst v19;
	v19 =	vld [tilespmem:s26+$0xFFFFFF90];
	v28 =	vperm.xlane v17, v2  }
0x168: {  	v18 =	vmul.f32 v26, v16;
	v16 =	vmul.f32 v26, v14;
	v14 =	vnsel vm0, $0x0, v29;
	v26 =	vld [tilespmem:s24+$0x10]  }
0x169: {  	v15 =	vnsel vm0, $0x0, v25;
	v25 =	vpop (erf);
	v29 =	vld [tilespmem:s26+$0x10];
	v31 =	vunpack.i.l.bf16.f32 v12;
	v17 =	vadd.f32 v17, v28  }
0x16a: {  	v28 =	vmul.f32 v25, v10;
	v10 =	vunpack.i.u.bf16.f32 v27;
	v27 =	vunpack.i.l.bf16.f32 v27  }
0x16b: {  	v9 =	vmul.f32 v30, v9;
	v12 =	vunpack.i.u.bf16.f32 v12;
	v27 =	vmul.f32 v31, v27  }
0x16c: {  	v31 =	vunpack.i.u.bf16.f32 v8;
	v8 =	vunpack.i.l.bf16.f32 v8;
	v10 =	vmul.f32 v12, v10  }
0x16d: {  	v47 =	vperm.xlane v17, v3;
	v48 =	vunpack.i.u.bf16.f32 v19;
	v19 =	vunpack.i.l.bf16.f32 v19  }
0x16e: {  	v12 =	vunpack.i.u.bf16.f32 v26;
	v26 =	vunpack.i.l.bf16.f32 v26;
	v49 =	vunpack.i.u.bf16.f32 v29  }
0x16f: {  	v29 =	vunpack.i.l.bf16.f32 v29;
	v8 =	vmul.f32 v19, v8;
	v17 =	vadd.f32 v17, v47  }
0x170: {  	v10 =	vadd.f32 v27, v10;
	v27 =	vmul.f32 v48, v31;
	v26 =	vmul.f32 v29, v26  }
0x171: {  	v24 =	vunpack.i.l.bf16.f32 v24;
	v12 =	vmul.f32 v49, v12;
	v34 =	vperm.xlane v17, v4  }
0x172: {  	v19 =	vnsel vm0, $0x0, v23;
	v23 =	vperm.xlane v10, v1;
	v8 =	vadd.f32 v8, v27  }
0x173: {  	v22 =	vmul.f32 v25, v22;
	v29 =	vpop (erf);
	v12 =	vadd.f32 v26, v12;
	v17 =	vadd.f32 v17, v34  }
0x174: {  	v24 =	vmul.f32 v29, v24;
	v26 =	vadd.f32 v10, v23;
	v10 =	vsel vm2, v7, v30  }
0x175: {  	[tilespmem:s17+$0xFFFFFF20] =	vst v11;
	v27 =	vld [tilespmem:s26+$0xFFFFFF50];
	v30 =	vperm.xlane v8, v1;
	v23 =	vsel vm2, v6, v25;
	v17 =	vmax.f32 v17, $-1.000000000e+01  }
0x176: {  	[tilespmem:s17+$0xFFFFFF30] =	vst v9;
	v7 =	vld [tilespmem:s26+$0xFFFFFFD0];
	v9 =	vmul.f32 v29, v21;
	v11 =	vperm.xlane v12, v1;
	v17 =	vmin.f32 v17, $1.000000000e+01  }
0x177: {  	[tilespmem:s17+$0xFFFFFFB0] =	vst v22;
	v21 =	vld [tilespmem:s23+$0xFFFFFF30];
	v25 =	vperm.xlane v26, v2;
	v8 =	vadd.f32 v8, v30;
	v17 =	vmul.f32 $1.442695020e+00, v17  }
0x178: {  	[tilespmem:s17+$0xFFFFFFC0] =	vst v28;
	v5 =	vsel vm2, v5, v29;
	v11 =	vadd.f32 v12, v11  }
0x179: {  	[tilespmem:s17+$0x40] =	vst v24;
	v24 =	vld [tilespmem:s23+$0xFFFFFFB0];
	v12 =	vadd.f32 v26, v25;
	v26 =	vperm.xlane v8, v2;
	(erf) = vpow2.f32 v17  }
0x17a: {  	[tilespmem:s17+$0x50] =	vst v9;
	v22 =	vunpack.i.u.bf16.f32 v27;
	v25 =	vunpack.i.l.bf16.f32 v27;
	v27 =	vld [tilespmem:s22+$0xFFFFFFF0];
	v29 =	vperm.xlane v11, v2  }
0x17b: {  	v55 =	vld [tilespmem:s23+$0x30];
	v28 =	vunpack.i.u.bf16.f32 v7;
	v30 =	vperm.xlane v12, v3;
	v8 =	vadd.f32 v8, v26  }
0x17c: {  	v7 =	vunpack.i.l.bf16.f32 v7;
	v50 =	vunpack.i.u.bf16.f32 v21;
	v11 =	vadd.f32 v11, v29  }
0x17d: {  	v9 =	vunpack.i.l.bf16.f32 v21;
	v26 =	vld [tilespmem:s26+$0xD0];
	v12 =	vadd.f32 v12, v30;
	v30 =	vperm.xlane v8, v3  }
0x17e: {  	v37 =	vunpack.i.u.bf16.f32 v24;
	v24 =	vunpack.i.l.bf16.f32 v24;
	v51 =	vperm.xlane v11, v3  }
0x17f: {  	v17 =	vld [tilespmem:s22+$0xFFFFFFB0];
	v21 =	vunpack.i.u.bf16.f32 v27;
	v27 =	vunpack.i.l.bf16.f32 v27;
	v8 =	vadd.f32 v8, v30  }
0x180: {  	v58 =	vunpack.i.u.bf16.f32 v55;
	v52 =	vperm.xlane v12, v4;
	v24 =	vmul.f32 v24, v27  }
0x181: {  	v21 =	vmul.f32 v37, v21;
	v11 =	vadd.f32 v11, v51;
	v35 =	vperm.xlane v8, v4  }
0x182: {  	v53 =	vunpack.i.l.bf16.f32 v26;
	v26 =	vunpack.i.u.bf16.f32 v26;
	v12 =	vadd.f32 v12, v52;
	v54 =	vpop (erf)  }
0x183: {  	v36 =	vperm.xlane v11, v4;
	v8 =	vadd.f32 v8, v35;
	v33 =	vmul.f32 v54, v53  }
0x184: {  	v30 =	vld [tilespmem:s22+$0x30];
	v29 =	vunpack.i.u.bf16.f32 v17;
	v12 =	vmax.f32 v12, $-1.000000000e+01;
	v26 =	vmul.f32 v54, v26  }
0x185: {  	v12 =	vmin.f32 v12, $1.000000000e+01;
	v11 =	vadd.f32 v11, v36;
	v8 =	vmax.f32 v8, $-1.000000000e+01;
	[tilespmem:s11+$0xB0] =	vst v33  }
0x186: {  	v17 =	vunpack.i.l.bf16.f32 v17;
	v12 =	vmul.f32 $1.442695020e+00, v12;
	v8 =	vmin.f32 v8, $1.000000000e+01;
	[tilespmem:s11+$0xC0] =	vst v26  }
0x187: {  	v9 =	vmul.f32 v9, v17;
	v11 =	vmax.f32 v11, $-1.000000000e+01;
	v8 =	vmul.f32 $1.442695020e+00, v8;
	v56 =	vld [tilespmem:s24+$0x60]  }
0x188: {  	v11 =	vmin.f32 v11, $1.000000000e+01;
	(erf) = vpow2.f32 v12;
	v12 =	vmul.f32 v50, v29;
	v17 =	vld [tilespmem:s26+$0xA0]  }
0x189: {  	v6 =	vld [tilespmem:s26+$0x50];
	v26 =	vunpack.i.u.bf16.f32 v30;
	v30 =	vunpack.i.l.bf16.f32 v30;
	v11 =	vmul.f32 $1.442695020e+00, v11  }
0x18a: {  	v33 =	vunpack.i.l.bf16.f32 v55;
	(erf) = vpow2.f32 v8;
	v38 =	vadd.f32 v9, v12  }
0x18b: {  	v57 =	vld [tilespmem:s23+$0xFFFFFF70];
	v21 =	vadd.f32 v24, v21;
	v30 =	vmul.f32 v33, v30;
	v24 =	vmul.f32 v58, v26  }
0x18c: {  	v29 =	vld [tilespmem:s23+$0xFFFFFFF0];
	(erf) = vpow2.f32 v11;
	v59 =	vperm.xlane v38, v1;
	v9 =	vunpack.i.u.bf16.f32 v56  }
0x18d: {  	v27 =	vld [tilespmem:s23+$0x70];
	v11 =	vunpack.i.l.bf16.f32 v56;
	v12 =	vunpack.i.u.bf16.f32 v17;
	v17 =	vunpack.i.l.bf16.f32 v17  }
0x18e: {  	v31 =	vunpack.i.u.bf16.f32 v6;
	v52 =	vld [tilespmem:s26+$0xE0];
	v11 =	vmul.f32 v17, v11;
	v17 =	vmul.f32 v12, v9  }
0x18f: {  	v6 =	vunpack.i.l.bf16.f32 v6;
	v61 =	vperm.xlane v21, v1;
	v30 =	vadd.f32 v30, v24  }
0x190: {  	v8 =	vunpack.i.u.bf16.f32 v57;
	v26 =	vadd.f32 v38, v59;
	v17 =	vadd.f32 v11, v17  }
0x191: {  	v63 =	vperm.xlane v30, v1;
	v9 =	vunpack.i.u.bf16.f32 v29;
	v11 =	vunpack.i.l.bf16.f32 v29;
	v29 =	vpop (erf)  }
0x192: {  	v24 =	vunpack.i.u.bf16.f32 v27;
	v25 =	vmul.f32 v29, v25;
	v60 =	vperm.xlane v17, v1  }
0x193: {  	v37 =	vunpack.i.u.bf16.f32 v52;
	v35 =	vperm.xlane v26, v2;
	v22 =	vmul.f32 v29, v22;
	v62 =	vpop (erf)  }
0x194: {  	v12 =	vunpack.i.l.bf16.f32 v57;
	v7 =	vmul.f32 v62, v7;
	[tilespmem:s11+$0xFFFFFF00] =	vst v25;
	v32 =	vadd.f32 v17, v60  }
0x195: {  	v26 =	vadd.f32 v26, v35;
	v25 =	vmul.f32 v62, v28;
	[tilespmem:s11+$0xFFFFFF10] =	vst v22;
	v17 =	vunpack.i.l.bf16.f32 v27;
	v27 =	vpop (erf)  }
0x196: {  	v28 =	vadd.f32 v21, v61;
	v38 =	vld [tilespmem:s24+$0xFFFFFFA0];
	[tilespmem:s11+$0xFFFFFF90] =	vst v7;
	v6 =	vmul.f32 v27, v6;
	v22 =	vperm.xlane v32, v2  }
0x197: {  	v30 =	vadd.f32 v30, v63;
	v40 =	vperm.xlane v26, v3;
	v39 =	vld [tilespmem:s26+$0xFFFFFF20];
	v31 =	vmul.f32 v27, v31;
	[tilespmem:s11+$0xFFFFFFA0] =	vst v25  }
0x198: {  	v21 =	vsel vm1, v13, v54;
	v25 =	vperm.xlane v28, v2;
	v41 =	vld [tilespmem:s24+$0xFFFFFFE0];
	[tilespmem:s11+$0x20] =	vst v6;
	v22 =	vadd.f32 v32, v22  }
0x199: {  	v7 =	vsel vm1, v15, v29;
	v13 =	vsel vm1, v19, v27;
	v29 =	vld [tilespmem:s26+$0xFFFFFFA0];
	[tilespmem:s11+$0x30] =	vst v31;
	v6 =	vsel vm1, v14, v62  }
0x19a: {  	v14 =	vadd.f32 v28, v25;
	v25 =	vadd.f32 v26, v40;
	v19 =	vld [tilespmem:s24+$0x20];
	v31 =	vperm.xlane v22, v3  }
0x19b: {  	v15 =	vperm.xlane v30, v2;
	v27 =	vld [tilespmem:s26+$0x20];
	v26 =	vunpack.i.u.bf16.f32 v38;
	v28 =	vunpack.i.l.bf16.f32 v38  }
0x19c: {  	v42 =	vunpack.i.l.bf16.f32 v39;
	v48 =	vperm.xlane v25, v4;
	v22 =	vadd.f32 v22, v31  }
0x19d: {  	v28 =	vmul.f32 v42, v28;
	v43 =	vunpack.i.u.bf16.f32 v41;
	v34 =	vunpack.i.l.bf16.f32 v41  }
0x19e: {  	s20 =	sadd.s32 $0x200, s26;
	v45 =	vunpack.i.u.bf16.f32 v29;
	v31 =	vunpack.i.u.bf16.f32 v39;
	v44 =	vperm.xlane v22, v4  }
0x19f: {  	v56 =	vld [tilespmem:s20+$0x80];
	v26 =	vmul.f32 v31, v26;
	v31 =	vunpack.i.u.bf16.f32 v19;
	v19 =	vunpack.i.l.bf16.f32 v19  }
0x1a0: {  	v40 =	vld [tilespmem:s20+$0xFFFFFF00];
	v46 =	vunpack.i.u.bf16.f32 v27;
	v27 =	vunpack.i.l.bf16.f32 v27;
	v22 =	vadd.f32 v22, v44  }
0x1a1: {  	v29 =	vunpack.i.l.bf16.f32 v29;
	v32 =	vmul.f32 v45, v43;
	v19 =	vmul.f32 v27, v19  }
0x1a2: {  	s19 =	sadd.s32 $0x100, s24;
	v27 =	vadd.f32 v30, v15;
	v15 =	vmul.f32 v46, v31;
	v22 =	vmax.f32 v22, $-1.000000000e+01  }
0x1a3: {  	v39 =	vld [tilespmem:s19+$0x40];
	v30 =	vperm.xlane v14, v3;
	v26 =	vadd.f32 v28, v26;
	v22 =	vmin.f32 v22, $1.000000000e+01  }
0x1a4: {  	v60 =	vunpack.i.u.bf16.f32 v56;
	v28 =	vmul.f32 v29, v34;
	v22 =	vmul.f32 $1.442695020e+00, v22  }
0x1a5: {  	v45 =	vld [tilespmem:s19+$0x0];
	v38 =	vunpack.i.u.bf16.f32 v40;
	v19 =	vadd.f32 v19, v15;
	v47 =	vperm.xlane v26, v1  }
0x1a6: {  	v42 =	vld [tilespmem:s19+$0xFFFFFFC0];
	v30 =	vadd.f32 v14, v30;
	v28 =	vadd.f32 v28, v32;
	(erf) = vpow2.f32 v22  }
0x1a7: {  	v31 =	vld [tilespmem:s26+$0xFFFFFFE0];
	v50 =	vperm.xlane v27, v3;
	v32 =	vadd.f32 v25, v48;
	v26 =	vadd.f32 v26, v47  }
0x1a8: {  	v49 =	vld [tilespmem:s26+$0x60];
	v59 =	vunpack.i.l.bf16.f32 v39;
	v14 =	vperm.xlane v19, v1;
	v54 =	vperm.xlane v30, v4  }
0x1a9: {  	v29 =	vld [tilespmem:s26+$0xFFFFFF60];
	v27 =	vadd.f32 v27, v50;
	v15 =	vperm.xlane v28, v1;
	v33 =	vperm.xlane v26, v2  }
0x1aa: {  	v32 =	vmax.f32 v32, $-1.000000000e+01;
	v47 =	vunpack.i.u.bf16.f32 v45;
	v45 =	vunpack.i.l.bf16.f32 v45  }
0x1ab: {  	v30 =	vadd.f32 v30, v54;
	v57 =	vperm.xlane v27, v4;
	v26 =	vadd.f32 v26, v33  }
0x1ac: {  	v54 =	vunpack.i.l.bf16.f32 v42;
	v51 =	vadd.f32 v28, v15;
	v15 =	vunpack.i.u.bf16.f32 v31  }
0x1ad: {  	v44 =	vld [tilespmem:s20+$0xFFFFFF80];
	v28 =	vunpack.i.l.bf16.f32 v31;
	v31 =	vadd.f32 v19, v14;
	v55 =	vperm.xlane v26, v3  }
0x1ae: {  	v14 =	vunpack.i.u.bf16.f32 v49;
	v22 =	vunpack.i.u.bf16.f32 v29;
	v29 =	vunpack.i.l.bf16.f32 v29  }
0x1af: {  	v30 =	vmax.f32 v30, $-1.000000000e+01;
	v35 =	vadd.f32 v26, v55;
	v26 =	vunpack.i.l.bf16.f32 v52;
	v25 =	vpop (erf)  }
0x1b0: {  	v27 =	vadd.f32 v27, v57;
	v19 =	vperm.xlane v51, v2;
	v26 =	vmul.f32 v25, v26  }
0x1b1: {  	v53 =	vperm.xlane v31, v2;
	v33 =	vunpack.i.l.bf16.f32 v56;
	v37 =	vmul.f32 v25, v37  }
0x1b2: {  	v56 =	vunpack.i.l.bf16.f32 v44;
	v44 =	vunpack.i.u.bf16.f32 v44;
	v30 =	vmin.f32 v30, $1.000000000e+01;
	v55 =	vld [tilespmem:s19+$0xFFFFFF80];
	[tilespmem:s11+$0xD0] =	vst v26  }
0x1b3: {  	v36 =	vadd.f32 v51, v19;
	v31 =	vadd.f32 v31, v53;
	v26 =	vunpack.i.u.bf16.f32 v39;
	[tilespmem:s11+$0xE0] =	vst v37  }
0x1b4: {  	v33 =	vmul.f32 v33, v59;
	v53 =	vunpack.i.u.bf16.f32 v42;
	v61 =	vld [tilespmem:s24+$0x70];
	v62 =	vmul.f32 v60, v26  }
0x1b5: {  	v58 =	vperm.xlane v36, v3;
	v41 =	vperm.xlane v31, v3;
	v52 =	vunpack.i.l.bf16.f32 v40;
	v63 =	vld [tilespmem:s26+$0xB0]  }
0x1b6: {  	v40 =	vmul.f32 v56, v54;
	v43 =	vperm.xlane v35, v4;
	v33 =	vadd.f32 v33, v62  }
0x1b7: {  	v31 =	vadd.f32 v31, v41;
	v41 =	vunpack.i.l.bf16.f32 v55;
	v37 =	vmul.f32 v44, v53  }
0x1b8: {  	v36 =	vadd.f32 v36, v58;
	v39 =	vmul.f32 v52, v41;
	v57 =	vperm.xlane v33, v1  }
0x1b9: {  	v26 =	vmin.f32 v32, $1.000000000e+01;
	v48 =	vunpack.i.u.bf16.f32 v61;
	v34 =	vunpack.i.l.bf16.f32 v61  }
0x1ba: {  	v46 =	vld [tilespmem:s20+$0x0];
	v58 =	vunpack.i.u.bf16.f32 v63;
	v32 =	vunpack.i.l.bf16.f32 v63;
	v33 =	vadd.f32 v33, v57  }
0x1bb: {  	v60 =	vunpack.i.u.bf16.f32 v55;
	v32 =	vmul.f32 v32, v34;
	v59 =	vmul.f32 v58, v48  }
0x1bc: {  	v38 =	vmul.f32 v38, v60;
	v37 =	vadd.f32 v40, v37;
	v62 =	vperm.xlane v33, v2  }
0x1bd: {  	v19 =	vunpack.i.l.bf16.f32 v49;
	v35 =	vadd.f32 v35, v43;
	v32 =	vadd.f32 v32, v59  }
0x1be: {  	v38 =	vadd.f32 v39, v38;
	v49 =	vperm.xlane v37, v1;
	v33 =	vadd.f32 v33, v62  }
0x1bf: {  	v61 =	vunpack.i.u.bf16.f32 v46;
	v63 =	vunpack.i.l.bf16.f32 v46;
	v46 =	vperm.xlane v32, v1  }
0x1c0: {  	v51 =	vperm.xlane v38, v1;
	v37 =	vadd.f32 v37, v49;
	v50 =	vperm.xlane v33, v3  }
0x1c1: {  	v34 =	vmul.f32 v63, v45;
	v48 =	vmul.f32 v61, v47;
	v32 =	vadd.f32 v32, v46  }
0x1c2: {  	v38 =	vadd.f32 v38, v51;
	v41 =	vperm.xlane v37, v2;
	v33 =	vadd.f32 v33, v50  }
0x1c3: {  	v56 =	vperm.xlane v36, v4;
	v34 =	vadd.f32 v34, v48;
	v52 =	vperm.xlane v32, v2  }
0x1c4: {  	v54 =	vperm.xlane v38, v2;
	v37 =	vadd.f32 v37, v41;
	v42 =	vperm.xlane v33, v4  }
0x1c5: {  	v35 =	vmax.f32 v35, $-1.000000000e+01;
	v53 =	vperm.xlane v34, v1;
	v32 =	vadd.f32 v32, v52  }
0x1c6: {  	v38 =	vadd.f32 v38, v54;
	v58 =	vperm.xlane v37, v3;
	v33 =	vadd.f32 v33, v42  }
0x1c7: {  	v44 =	vadd.f32 v36, v56;
	v34 =	vadd.f32 v34, v53;
	v55 =	vperm.xlane v32, v3  }
0x1c8: {  	v59 =	vperm.xlane v38, v3;
	v37 =	vadd.f32 v37, v58;
	v33 =	vmax.f32 v33, $-1.000000000e+01  }
0x1c9: {  	v57 =	vperm.xlane v34, v2;
	v32 =	vadd.f32 v32, v55;
	v33 =	vmin.f32 v33, $1.000000000e+01  }
0x1ca: {  	v60 =	vperm.xlane v31, v4;
	v38 =	vadd.f32 v38, v59;
	v33 =	vmul.f32 $1.442695020e+00, v33  }
0x1cb: {  	v63 =	vperm.xlane v37, v4;
	v34 =	vadd.f32 v34, v57;
	v61 =	vperm.xlane v32, v4  }
0x1cc: {  	v35 =	vmin.f32 v35, $1.000000000e+01;
	v45 =	vperm.xlane v38, v4;
	(erf) = vpow2.f32 v33  }
0x1cd: {  	v37 =	vadd.f32 v37, v63;
	v62 =	vperm.xlane v34, v3;
	v32 =	vadd.f32 v32, v61  }
0x1ce: {  	v35 =	vmul.f32 $1.442695020e+00, v35;
	v31 =	vadd.f32 v31, v60;
	v36 =	vadd.f32 v38, v45  }
0x1cf: {  	v47 =	vld [tilespmem:s20+$0xC0];
	v37 =	vmax.f32 v37, $-1.000000000e+01;
	v34 =	vadd.f32 v34, v62;
	v32 =	vmax.f32 v32, $-1.000000000e+01  }
0x1d0: {  	v31 =	vmax.f32 v31, $-1.000000000e+01;
	v37 =	vmin.f32 v37, $1.000000000e+01;
	v32 =	vmin.f32 v32, $1.000000000e+01  }
0x1d1: {  	v36 =	vmax.f32 v36, $-1.000000000e+01;
	v46 =	vperm.xlane v34, v4;
	v32 =	vmul.f32 $1.442695020e+00, v32  }
0x1d2: {  	v31 =	vmin.f32 v31, $1.000000000e+01;
	v37 =	vmul.f32 $1.442695020e+00, v37;
	v36 =	vmin.f32 v36, $1.000000000e+01  }
0x1d3: {  	v49 =	vmul.f32 $1.442695020e+00, v36;
	v34 =	vadd.f32 v34, v46;
	(erf) = vpow2.f32 v32  }
0x1d4: {  	v31 =	vmul.f32 $1.442695020e+00, v31;
	v51 =	vunpack.i.l.bf16.f32 v47;
	(erf) = vpow2.f32 v37  }
0x1d5: {  	v48 =	vld [tilespmem:s20+$0xFFFFFF40];
	v39 =	vunpack.i.u.bf16.f32 v47;
	v34 =	vmax.f32 v34, $-1.000000000e+01;
	(erf) = vpow2.f32 v49;
	v52 =	vpop (erf)  }
0x1d6: {  	v53 =	vld [tilespmem:s20+$0x40];
	v33 =	vmax.f32 v44, $-1.000000000e+01;
	v34 =	vmin.f32 v34, $1.000000000e+01;
	v37 =	vmul.f32 v52, v51  }
0x1d7: {  	s21 =	simm.s32 $0x4268;
	v50 =	vld [tilespmem:s20+$0xFFFFFFC0];
	v33 =	vmin.f32 v33, $1.000000000e+01;
	v34 =	vmul.f32 $1.442695020e+00, v34;
	v39 =	vmul.f32 v52, v39  }
0x1d8: {  	v27 =	vmax.f32 v27, $-1.000000000e+01;
	v33 =	vmul.f32 $1.442695020e+00, v33;
	(erf) = vpow2.f32 v35;
	[tilespmem:s21+$0x90] =	vst v37  }
0x1d9: {  	v30 =	vmul.f32 $1.442695020e+00, v30;
	v27 =	vmin.f32 v27, $1.000000000e+01;
	v59 =	vld [tilespmem:s26+$0xF0];
	(erf) = vpow2.f32 v34;
	[tilespmem:s21+$0xA0] =	vst v39  }
0x1da: {  	v21 =	vsel vm2, v21, v25;
	v26 =	vmul.f32 $1.442695020e+00, v26;
	(erf) = vpow2.f32 v33;
	v37 =	vld [tilespmem:s19+$0x50]  }
0x1db: {  	v60 =	vmul.f32 $1.442695020e+00, v27;
	v54 =	vunpack.i.u.bf16.f32 v48;
	(erf) = vpow2.f32 v31;
	v58 =	vld [tilespmem:s20+$0x90]  }
0x1dc: {  	v56 =	vunpack.i.u.bf16.f32 v50;
	v38 =	vunpack.i.l.bf16.f32 v53;
	v31 =	vpop (erf);
	(erf) = vpow2.f32 v26  }
0x1dd: {  	v55 =	vunpack.i.l.bf16.f32 v48;
	v36 =	vunpack.i.l.bf16.f32 v50;
	v61 =	vpop (erf);
	(erf) = vpow2.f32 v30  }
0x1de: {  	v49 =	vunpack.i.u.bf16.f32 v59;
	v26 =	vmul.f32 v61, v36;
	v62 =	vpop (erf);
	v30 =	vmul.f32 v61, v56  }
0x1df: {  	v51 =	vunpack.i.l.bf16.f32 v59;
	v25 =	vmul.f32 v62, v55;
	v27 =	vmul.f32 v62, v54  }
0x1e0: {  	v63 =	vunpack.i.u.bf16.f32 v37;
	v37 =	vunpack.i.l.bf16.f32 v37;
	v33 =	vunpack.i.l.bf16.f32 v58;
	[tilespmem:s21+$0xFFFFFF70] =	vst v26  }
0x1e1: {  	v48 =	vunpack.i.u.bf16.f32 v58;
	v50 =	vpop (erf);
	(erf) = vpow2.f32 v60;
	v33 =	vmul.f32 v33, v37;
	[tilespmem:s21+$0xFFFFFF80] =	vst v30  }
0x1e2: {  	v32 =	vnsel vm0, $0x0, v52;
	v34 =	vmul.f32 v48, v63;
	v26 =	vmul.f32 v31, v51;
	[tilespmem:s21+$0xFFFFFEE0] =	vst v25  }
0x1e3: {  	v52 =	vpop (erf);
	v36 =	vmul.f32 v50, v29;
	[tilespmem:s21+$0xFFFFFEF0] =	vst v27;
	v25 =	vmul.f32 v31, v49;
	v27 =	vsel vm3, v21, v31;
	v31 =	vld [tilespmem:s19+$0xFFFFFFD0]  }
0x1e4: {  	v57 =	vunpack.i.u.bf16.f32 v53;
	v22 =	vmul.f32 v50, v22;
	v38 =	vmul.f32 v52, v38;
	v29 =	vld [tilespmem:s20+$0xFFFFFF90]  }
0x1e5: {  	v7 =	vsel vm2, v7, v50;
	v39 =	vmul.f32 v52, v57;
	v55 =	vpop (erf);
	v53 =	vld [tilespmem:s19+$0xFFFFFF90];
	v41 =	vadd.f32 v33, v34  }
0x1e6: {  	v21 =	vnsel vm0, $0x0, v61;
	v30 =	vld [tilespmem:s20+$0xFFFFFF10];
	v34 =	vnsel vm0, $0x0, v62;
	v15 =	vmul.f32 v55, v15;
	[tilespmem:s21+$0x0] =	vst v38  }
0x1e7: {  	v33 =	vnsel vm0, $0x0, v52;
	v49 =	vpop (erf);
	[tilespmem:s21+$0x10] =	vst v39;
	v39 =	vmul.f32 v55, v28;
	v54 =	vperm.xlane v41, v1  }
0x1e8: {  	v6 =	vsel vm2, v6, v55;
	v19 =	vmul.f32 v49, v19;
	v14 =	vmul.f32 v49, v14;
	v38 =	vld [tilespmem:s19+$0x10]  }
0x1e9: {  	v56 =	vld [tilespmem:s20+$0x10];
	v37 =	vadd.f32 v41, v54;
	v59 =	vunpack.i.u.bf16.f32 v31;
	v31 =	vunpack.i.l.bf16.f32 v31  }
0x1ea: {  	v60 =	vunpack.i.u.bf16.f32 v29;
	v29 =	vunpack.i.l.bf16.f32 v29;
	v40 =	vunpack.i.l.bf16.f32 v53  }
0x1eb: {  	v55 =	vld [tilespmem:s20+$0xFFFFFFD0];
	[tilespmem:s11+$0xFFFFFFC0] =	vst v15;
	v57 =	vunpack.i.u.bf16.f32 v30;
	v30 =	vunpack.i.l.bf16.f32 v30;
	v58 =	vperm.xlane v37, v2  }
0x1ec: {  	[tilespmem:s11+$0xFFFFFFB0] =	vst v39;
	v28 =	vunpack.i.u.bf16.f32 v53;
	v29 =	vmul.f32 v29, v31;
	v30 =	vmul.f32 v30, v40  }
0x1ed: {  	[tilespmem:s11+$0xFFFFFF20] =	vst v36;
	v15 =	vld [tilespmem:s24+$0xFFFFFFF0];
	v28 =	vmul.f32 v57, v28;
	v61 =	vunpack.i.u.bf16.f32 v38;
	v37 =	vadd.f32 v37, v58  }
0x1ee: {  	[tilespmem:s11+$0xFFFFFF30] =	vst v22;
	v38 =	vunpack.i.l.bf16.f32 v38;
	v62 =	vunpack.i.u.bf16.f32 v56;
	v41 =	vunpack.i.l.bf16.f32 v56  }
0x1ef: {  	v22 =	vld [tilespmem:s24+$0xFFFFFFB0];
	v28 =	vadd.f32 v30, v28;
	v30 =	vmul.f32 v60, v59;
	v63 =	vperm.xlane v37, v3  }
0x1f0: {  	v43 =	vunpack.i.u.bf16.f32 v55;
	v31 =	vmul.f32 v41, v38;
	v47 =	vmul.f32 v62, v61  }
0x1f1: {  	v48 =	vperm.xlane v28, v1;
	v30 =	vadd.f32 v29, v30;
	v37 =	vadd.f32 v37, v63  }
0x1f2: {  	v36 =	vunpack.i.l.bf16.f32 v55;
	v55 =	vunpack.i.u.bf16.f32 v15;
	v31 =	vadd.f32 v31, v47  }
0x1f3: {  	v50 =	vadd.f32 v28, v48;
	v28 =	vperm.xlane v30, v1;
	v29 =	vperm.xlane v37, v4  }
0x1f4: {  	v40 =	vpop (erf);
	v15 =	vunpack.i.l.bf16.f32 v15;
	v51 =	vperm.xlane v31, v1;
	v63 =	vunpack.i.u.bf16.f32 v22  }
0x1f5: {  	v35 =	vpop (erf);
	v52 =	vperm.xlane v50, v2;
	v53 =	vadd.f32 v30, v28;
	v37 =	vadd.f32 v37, v29  }
0x1f6: {  	v28 =	vmul.f32 v40, v8;
	v54 =	vadd.f32 v31, v51;
	v30 =	vmul.f32 v35, v11  }
0x1f7: {  	v29 =	vmul.f32 v40, v12;
	v12 =	vld [tilespmem:s20+$0xFFFFFF50];
	v56 =	vadd.f32 v50, v52;
	v8 =	vmax.f32 v37, $-1.000000000e+01  }
0x1f8: {  	v31 =	vperm.xlane v53, v2;
	v58 =	vperm.xlane v54, v2;
	v52 =	vld [tilespmem:s20+$0xD0];
	v57 =	vmin.f32 v8, $1.000000000e+01  }
0x1f9: {  	[tilespmem:s11+$0x40] =	vst v19;
	v19 =	vld [tilespmem:s26+$0xFFFFFFB0];
	v22 =	vunpack.i.l.bf16.f32 v22;
	v59 =	vperm.xlane v56, v3;
	v11 =	vmul.f32 $1.442695020e+00, v57  }
0x1fa: {  	v60 =	vadd.f32 v53, v31;
	v31 =	vmul.f32 v35, v9;
	v8 =	vsel vm2, v13, v49  }
0x1fb: {  	v9 =	vld [tilespmem:s26+$0xFFFFFF30];
	v37 =	vadd.f32 v56, v59;
	(erf) = vpow2.f32 v11;
	v11 =	vadd.f32 v54, v58  }
0x1fc: {  	v13 =	vld [tilespmem:s20+$0x50];
	v61 =	vperm.xlane v60, v3;
	v42 =	vunpack.i.u.bf16.f32 v12;
	v39 =	vunpack.i.l.bf16.f32 v12  }
0x1fd: {  	v57 =	vunpack.i.l.bf16.f32 v52;
	v62 =	vperm.xlane v37, v4;
	v12 =	vperm.xlane v11, v3  }
0x1fe: {  	v46 =	vunpack.i.u.bf16.f32 v52;
	v38 =	vadd.f32 v60, v61;
	v61 =	vunpack.i.l.bf16.f32 v19  }
0x1ff: {  	v19 =	vunpack.i.u.bf16.f32 v19;
	v12 =	vadd.f32 v11, v12;
	v11 =	vadd.f32 v37, v62  }
0x200: {  	v54 =	vunpack.i.u.bf16.f32 v9;
	v9 =	vunpack.i.l.bf16.f32 v9;
	v53 =	vperm.xlane v38, v4  }
0x201: {  	[tilespmem:s11+$0x50] =	vst v14;
	v15 =	vmul.f32 v61, v15;
	v19 =	vmul.f32 v19, v55;
	v41 =	vunpack.i.u.bf16.f32 v13  }
0x202: {  	v60 =	vld [tilespmem:s26+$0x30];
	v9 =	vmul.f32 v9, v22;
	v14 =	vmul.f32 v54, v63;
	v37 =	vadd.f32 v38, v53  }
0x203: {  	v59 =	vld [tilespmem:s24+$0x30];
	v50 =	vunpack.i.l.bf16.f32 v13;
	v19 =	vadd.f32 v15, v19;
	v49 =	vmax.f32 v11, $-1.000000000e+01;
	v11 =	vpop (erf)  }
0x204: {  	v9 =	vadd.f32 v9, v14;
	v56 =	vperm.xlane v12, v4;
	v37 =	vmax.f32 v37, $-1.000000000e+01;
	v58 =	vpop (erf)  }
0x205: {  	v22 =	vmin.f32 v49, $1.000000000e+01;
	v37 =	vmin.f32 v37, $1.000000000e+01;
	v38 =	vmul.f32 v58, v57  }
0x206: {  	v12 =	vadd.f32 v12, v56;
	v22 =	vmul.f32 $1.442695020e+00, v22;
	v46 =	vmul.f32 v58, v46  }
0x207: {  	v53 =	vunpack.i.u.bf16.f32 v60;
	v54 =	vperm.xlane v9, v1;
	v37 =	vmul.f32 $1.442695020e+00, v37;
	[tilespmem:s21+$0xB0] =	vst v38  }
0x208: {  	v12 =	vmax.f32 v12, $-1.000000000e+01;
	(erf) = vpow2.f32 v22;
	v22 =	vunpack.i.u.bf16.f32 v59;
	[tilespmem:s21+$0xC0] =	vst v46  }
0x209: {  	v12 =	vmin.f32 v12, $1.000000000e+01;
	(erf) = vpow2.f32 v37;
	v13 =	vmul.f32 v53, v22;
	v62 =	vld [tilespmem:s19+$0x60]  }
0x20a: {  	v22 =	vsel vm1, v32, v58;
	v58 =	vperm.xlane v19, v1;
	v12 =	vmul.f32 $1.442695020e+00, v12;
	v63 =	vld [tilespmem:s20+$0xA0]  }
0x20b: {  	v52 =	vld [tilespmem:s26+$0xFFFFFFF0];
	v45 =	vunpack.i.l.bf16.f32 v59;
	v56 =	vadd.f32 v9, v54  }
0x20c: {  	v14 =	vld [tilespmem:s26+$0xFFFFFF70];
	v59 =	vadd.f32 v19, v58;
	(erf) = vpow2.f32 v12;
	v12 =	vunpack.i.l.bf16.f32 v60  }
0x20d: {  	v40 =	vsel vm3, v10, v40;
	v44 =	vmul.f32 v11, v17;
	v45 =	vmul.f32 v12, v45  }
0x20e: {  	v35 =	vsel vm3, v23, v35;
	v60 =	vperm.xlane v56, v2;
	v53 =	vperm.xlane v59, v2  }
0x20f: {  	v55 =	vld [tilespmem:s26+$0x70];
	v45 =	vadd.f32 v45, v13;
	v9 =	vunpack.i.l.bf16.f32 v62;
	v15 =	vunpack.i.l.bf16.f32 v63  }
0x210: {  	v37 =	vunpack.i.u.bf16.f32 v63;
	v57 =	vmul.f32 v15, v9;
	v9 =	vunpack.i.u.bf16.f32 v62  }
0x211: {  	v12 =	vunpack.i.u.bf16.f32 v14;
	v13 =	vunpack.i.u.bf16.f32 v52;
	v19 =	vpop (erf);
	v37 =	vmul.f32 v37, v9  }
0x212: {  	v58 =	vadd.f32 v59, v53;
	v10 =	vperm.xlane v45, v1;
	v39 =	vmul.f32 v19, v39  }
0x213: {  	v15 =	vunpack.i.l.bf16.f32 v52;
	v17 =	vmul.f32 v19, v42;
	v61 =	vpop (erf);
	v32 =	vadd.f32 v57, v37  }
0x214: {  	v9 =	vunpack.i.u.bf16.f32 v55;
	v42 =	vadd.f32 v45, v10;
	v36 =	vmul.f32 v61, v36;
	[tilespmem:s21+$0xFFFFFF00] =	vst v39  }
0x215: {  	v43 =	vmul.f32 v61, v43;
	v37 =	vadd.f32 v56, v60;
	[tilespmem:s21+$0xFFFFFF10] =	vst v17;
	v63 =	vperm.xlane v32, v1  }
0x216: {  	v10 =	vunpack.i.l.bf16.f32 v55;
	v17 =	vsel vm1, v34, v19;
	v62 =	vpop (erf);
	v54 =	vld [tilespmem:s19+$0xFFFFFFA0];
	[tilespmem:s21+$0xFFFFFF90] =	vst v36;
	v56 =	vperm.xlane v42, v2  }
0x217: {  	v57 =	vld [tilespmem:s20+$0xFFFFFF20];
	[tilespmem:s21+$0xFFFFFFA0] =	vst v43;
	v52 =	vmul.f32 v62, v50;
	v55 =	vperm.xlane v37, v3;
	v32 =	vadd.f32 v32, v63  }
0x218: {  	v41 =	vmul.f32 v62, v41;
	v19 =	vsel vm1, v33, v62;
	v59 =	vld [tilespmem:s19+$0xFFFFFFE0];
	v62 =	vperm.xlane v58, v3  }
0x219: {  	v21 =	vsel vm1, v21, v61;
	v61 =	vld [tilespmem:s20+$0xFFFFFFA0];
	v36 =	vadd.f32 v37, v55;
	v60 =	vperm.xlane v32, v2  }
0x21a: {  	[tilespmem:s21+$0x20] =	vst v52;
	v37 =	vadd.f32 v42, v56;
	v42 =	vmul.f32 v11, v24;
	v33 =	vadd.f32 v58, v62  }
0x21b: {  	[tilespmem:s21+$0x30] =	vst v41;
	v63 =	vunpack.i.u.bf16.f32 v54;
	v49 =	vunpack.i.l.bf16.f32 v54;
	v24 =	vadd.f32 v32, v60  }
0x21c: {  	[tilespmem:s17+$0xFFFFFFD0] =	vst v30;
	v23 =	vld [tilespmem:s19+$0x20];
	v51 =	vunpack.i.l.bf16.f32 v57;
	v45 =	vunpack.i.u.bf16.f32 v57;
	v30 =	vperm.xlane v33, v4  }
0x21d: {  	v50 =	vld [tilespmem:s20+$0x20];
	v41 =	vmul.f32 v51, v49;
	v53 =	vunpack.i.u.bf16.f32 v59;
	v52 =	vperm.xlane v24, v3  }
0x21e: {  	v34 =	vunpack.i.l.bf16.f32 v59;
	v38 =	vmul.f32 v45, v63;
	v39 =	vunpack.i.l.bf16.f32 v61  }
0x21f: {  	v55 =	vunpack.i.u.bf16.f32 v61;
	v34 =	vmul.f32 v39, v34;
	v24 =	vadd.f32 v24, v52  }
0x220: {  	v14 =	vunpack.i.l.bf16.f32 v14;
	v43 =	vmul.f32 v55, v53;
	v60 =	vperm.xlane v37, v3  }
0x221: {  	v38 =	vadd.f32 v41, v38;
	v56 =	vunpack.i.l.bf16.f32 v23;
	v58 =	vperm.xlane v24, v4  }
0x222: {  	v57 =	vunpack.i.l.bf16.f32 v50;
	v23 =	vunpack.i.u.bf16.f32 v23;
	v46 =	vunpack.i.u.bf16.f32 v50  }
0x223: {  	[tilespmem:s17+$0x110] =	vst v20;
	v54 =	vld [tilespmem:s20+$0xFFFFFF60];
	v39 =	vmul.f32 v57, v56;
	v20 =	vmul.f32 v46, v23;
	v23 =	vadd.f32 v24, v58  }
0x224: {  	[tilespmem:s17+$0x100] =	vst v18;
	v32 =	vperm.xlane v36, v4;
	v34 =	vadd.f32 v34, v43;
	v24 =	vperm.xlane v38, v1  }
0x225: {  	[tilespmem:s17+$0xF0] =	vst v16;
	v59 =	vld [tilespmem:s20+$0xFFFFFFE0];
	v37 =	vadd.f32 v37, v60;
	v39 =	vadd.f32 v39, v20;
	v20 =	vmax.f32 v23, $-1.000000000e+01  }
0x226: {  	[tilespmem:s11+$0x110] =	vst v27;
	v61 =	vld [tilespmem:s20+$0x60];
	v27 =	vadd.f32 v38, v24;
	v23 =	vperm.xlane v34, v1;
	v24 =	vmin.f32 v20, $1.000000000e+01  }
0x227: {  	[tilespmem:s11+$0x100] =	vst v25;
	v32 =	vadd.f32 v36, v32;
	v25 =	vperm.xlane v39, v1;
	v62 =	vmul.f32 $1.442695020e+00, v24  }
0x228: {  	[tilespmem:s11+$0xF0] =	vst v26;
	v18 =	vunpack.i.u.bf16.f32 v54;
	v26 =	vperm.xlane v27, v2;
	v34 =	vadd.f32 v34, v23  }
0x229: {  	[tilespmem:s17+$0xFFFFFF40] =	vst v29;
	s24 =	smul.u32 $0xAB, s16;
	v16 =	vunpack.i.l.bf16.f32 v54;
	v29 =	vadd.f32 v39, v25;
	(erf) = vpow2.f32 v62  }
0x22a: {  	v36 =	vmax.f32 v32, $-1.000000000e+01;
	v26 =	vadd.f32 v27, v26;
	v27 =	vperm.xlane v34, v2  }
0x22b: {  	[tilespmem:s17+$0xFFFFFF50] =	vst v28;
	s22 =	sshrl.u32 s24, $0x9;
	v25 =	vunpack.i.l.bf16.f32 v61;
	v20 =	vunpack.i.u.bf16.f32 v59;
	v28 =	vperm.xlane v29, v2  }
0x22c: {  	[tilespmem:s17+$0xFFFFFFE0] =	vst v31;
	s22 =	sand.u32 $0x7F, s22;
	v24 =	vunpack.i.l.bf16.f32 v59;
	v31 =	vperm.xlane v26, v3;
	v63 =	vadd.f32 v34, v27  }
0x22d: {  	[tilespmem:s17+$0xFFFFFF60] =	vst v40;
	s22 =	smul.u32 $0x3, s22;
	v27 =	vadd.f32 v29, v28;
	v29 =	vadd.f32 v33, v30;
	v30 =	vperm.xlane v37, v4;
	v34 =	vld [tilespmem:s20+$0xE0]  }
0x22e: {  	[tilespmem:s17+$0xFFFFFFF0] =	vst v35;
	v23 =	vunpack.i.u.bf16.f32 v61;
	v31 =	vadd.f32 v26, v31;
	v26 =	vperm.xlane v63, v3  }
0x22f: {  	s23 =	smov.u32 s20;
	s24 =	simm.s32 $0x8;
	s26 =	ssub.s32 s16, s22;
	[tilespmem:s17+$0x60] =	vst v44;
	v28 =	vperm.xlane v27, v3;
	v29 =	vmax.f32 v29, $-1.000000000e+01;
	v30 =	vadd.f32 v37, v30  }
0x230: {  	s22 =	simm.s32 $0x4268;
	s16 =	sand.u32 $0xFF, s26;
	s26 =	sadd.s32 $0x100, s19;
	[tilespmem:s17+$0x70] =	vst v42;
	v33 =	vperm.xlane v31, v4;
	v32 =	vadd.f32 v63, v26;
	v26 =	vmin.f32 v36, $1.000000000e+01  }
.LBB2_5:
0x231: {  	v35 =	vld [tilespmem:s26+$0x40];
	v27 =	vadd.f32 v27, v28;
	s20 =	sadd.s32 $0x200, s20;
	v28 =	vmin.f32 v29, $1.000000000e+01;
	v30 =	vmax.f32 v30, $-1.000000000e+01  }
0x232: {  	v36 =	vld [tilespmem:s20+$0x80];
	v31 =	vadd.f32 v31, v33;
	v33 =	vperm.xlane v32, v4;
	v37 =	vunpack.i.l.bf16.f32 v34;
	v29 =	vpop (erf)  }
0x233: {  	v34 =	vunpack.i.u.bf16.f32 v34;
	v38 =	vld [tilespmem:s20+$0xFFFFFF00];
	v39 =	vperm.xlane v27, v4;
	v37 =	vmul.f32 v29, v37  }
0x234: {  	v40 =	vld [tilespmem:s26+$0xFFFFFFC0];
	v31 =	vmax.f32 v31, $-1.000000000e+01;
	v32 =	vadd.f32 v32, v33;
	v33 =	vmul.f32 v29, v34  }
0x235: {  	v30 =	vmin.f32 v30, $1.000000000e+01;
	v34 =	vld [tilespmem:s20+$0xFFFFFF80];
	v31 =	vmin.f32 v31, $1.000000000e+01;
	v39 =	vadd.f32 v27, v39;
	[tilespmem:s21+$0xD0] =	vst v37  }
0x236: {  	v37 =	vld [tilespmem:s26+$0x0];
	v41 =	vunpack.i.u.bf16.f32 v35;
	v27 =	vmul.f32 $1.442695020e+00, v31;
	v42 =	vmax.f32 v32, $-1.000000000e+01;
	[tilespmem:s21+$0xE0] =	vst v33  }
0x237: {  	v31 =	vunpack.i.l.bf16.f32 v35;
	v32 =	vunpack.i.u.bf16.f32 v36;
	v33 =	vunpack.i.l.bf16.f32 v36;
	v35 =	vld [tilespmem:s19+$0x70]  }
0x238: {  	s24 =	sadd.s32 $0x4, s24;
	v36 =	vunpack.i.u.bf16.f32 v38;
	v31 =	vmul.f32 v33, v31;
	v32 =	vmul.f32 v32, v41;
	v33 =	vld [tilespmem:s23+$0xB0]  }
0x239: {  	p3 =	slt.u32 s24, $0x24;
	v38 =	vunpack.i.l.bf16.f32 v38;
	v41 =	vunpack.i.u.bf16.f32 v40;
	v40 =	vunpack.i.l.bf16.f32 v40;
	v43 =	vld [tilespmem:s20+$0x0]  }
0x23a: {  	v44 =	vld [tilespmem:s26+$0xFFFFFF80];
	v45 =	vunpack.i.u.bf16.f32 v34;
	v34 =	vunpack.i.l.bf16.f32 v34;
	v31 =	vadd.f32 v31, v32  }
0x23b: {  	v32 =	vld [tilespmem:s20+$0xFFFFFF40];
	v34 =	vmul.f32 v34, v40;
	v40 =	vunpack.i.u.bf16.f32 v37;
	v37 =	vunpack.i.l.bf16.f32 v37  }
0x23c: {  	v41 =	vmul.f32 v45, v41;
	v45 =	vld [tilespmem:s20+$0xFFFFFFC0];
	v46 =	vperm.xlane v31, v1;
	v47 =	vunpack.i.u.bf16.f32 v35  }
0x23d: {  	v35 =	vunpack.i.l.bf16.f32 v35;
	v48 =	vld [tilespmem:s20+$0x40];
	v49 =	vunpack.i.u.bf16.f32 v33;
	v33 =	vunpack.i.l.bf16.f32 v33  }
0x23e: {  	v31 =	vadd.f32 v31, v46;
	v33 =	vmul.f32 v33, v35;
	v35 =	vmul.f32 v49, v47  }
0x23f: {  	v47 =	vunpack.i.u.bf16.f32 v43;
	v46 =	vunpack.i.u.bf16.f32 v44;
	v44 =	vunpack.i.l.bf16.f32 v44  }
0x240: {  	v43 =	vunpack.i.l.bf16.f32 v43;
	v49 =	vperm.xlane v31, v2;
	v33 =	vadd.f32 v33, v35  }
0x241: {  	v34 =	vadd.f32 v34, v41;
	v35 =	vmul.f32 v38, v44;
	v36 =	vmul.f32 v36, v46  }
0x242: {  	v37 =	vmul.f32 v43, v37;
	v38 =	vadd.f32 v31, v49;
	v41 =	vperm.xlane v33, v1  }
0x243: {  	v40 =	vmul.f32 v47, v40;
	v35 =	vadd.f32 v35, v36;
	v36 =	vperm.xlane v34, v1  }
0x244: {  	v31 =	vunpack.i.u.bf16.f32 v32;
	v43 =	vperm.xlane v38, v3;
	v33 =	vadd.f32 v33, v41  }
0x245: {  	v41 =	vperm.xlane v35, v1;
	v34 =	vadd.f32 v34, v36;
	v36 =	vadd.f32 v37, v40  }
0x246: {  	v32 =	vunpack.i.l.bf16.f32 v32;
	v37 =	vadd.f32 v38, v43;
	v38 =	vperm.xlane v33, v2  }
0x247: {  	v35 =	vadd.f32 v35, v41;
	v40 =	vperm.xlane v34, v2;
	v41 =	vperm.xlane v36, v1  }
0x248: {  	v43 =	vunpack.i.u.bf16.f32 v45;
	v44 =	vperm.xlane v37, v4;
	v33 =	vadd.f32 v33, v38  }
0x249: {  	v38 =	vperm.xlane v35, v2;
	v34 =	vadd.f32 v34, v40;
	v36 =	vadd.f32 v36, v41  }
0x24a: {  	v40 =	vunpack.i.l.bf16.f32 v45;
	v37 =	vadd.f32 v37, v44;
	v41 =	vperm.xlane v33, v3  }
0x24b: {  	v35 =	vadd.f32 v35, v38;
	v38 =	vperm.xlane v34, v3;
	v44 =	vperm.xlane v36, v2  }
0x24c: {  	v45 =	vunpack.i.u.bf16.f32 v48;
	v37 =	vmax.f32 v37, $-1.000000000e+01;
	v33 =	vadd.f32 v33, v41  }
0x24d: {  	v41 =	vperm.xlane v35, v3;
	v36 =	vadd.f32 v36, v44;
	v37 =	vmin.f32 v37, $1.000000000e+01  }
0x24e: {  	v34 =	vadd.f32 v34, v38;
	v37 =	vmul.f32 $1.442695020e+00, v37;
	v38 =	vperm.xlane v33, v4  }
0x24f: {  	v44 =	vunpack.i.l.bf16.f32 v48;
	v35 =	vadd.f32 v35, v41;
	v41 =	vperm.xlane v36, v3  }
0x250: {  	v46 =	vperm.xlane v34, v4;
	(erf) = vpow2.f32 v37;
	v33 =	vadd.f32 v33, v38  }
0x251: {  	v37 =	vperm.xlane v35, v4;
	v36 =	vadd.f32 v36, v41;
	v38 =	vmax.f32 v39, $-1.000000000e+01  }
0x252: {  	v34 =	vadd.f32 v34, v46;
	v39 =	vmin.f32 v42, $1.000000000e+01;
	v33 =	vmax.f32 v33, $-1.000000000e+01  }
0x253: {  	v35 =	vadd.f32 v35, v37;
	v37 =	vperm.xlane v36, v4;
	v33 =	vmin.f32 v33, $1.000000000e+01  }
0x254: {  	v38 =	vmin.f32 v38, $1.000000000e+01;
	v34 =	vmax.f32 v34, $-1.000000000e+01;
	v41 =	vld [tilespmem:s20+$0xC0];
	v33 =	vmul.f32 $1.442695020e+00, v33  }
0x255: {  	v34 =	vmin.f32 v34, $1.000000000e+01;
	v35 =	vmax.f32 v35, $-1.000000000e+01;
	v36 =	vadd.f32 v36, v37  }
0x256: {  	v34 =	vmul.f32 $1.442695020e+00, v34;
	v35 =	vmin.f32 v35, $1.000000000e+01;
	(erf) = vpow2.f32 v33  }
0x257: {  	v42 =	vmul.f32 $1.442695020e+00, v35;
	v35 =	vmax.f32 v36, $-1.000000000e+01;
	v36 =	vmul.f32 $1.442695020e+00, v39  }
0x258: {  	v35 =	vmin.f32 v35, $1.000000000e+01;
	(erf) = vpow2.f32 v34;
	v34 =	vmul.f32 $1.442695020e+00, v38  }
0x259: {  	v35 =	vmul.f32 $1.442695020e+00, v35;
	v37 =	vunpack.i.l.bf16.f32 v41;
	(erf) = vpow2.f32 v42;
	v33 =	vpop (erf)  }
0x25a: {  	v38 =	vunpack.i.u.bf16.f32 v41;
	v37 =	vmul.f32 v33, v37;
	v39 =	vld [tilespmem:s23+$0xF0];
	(erf) = vpow2.f32 v27  }
0x25b: {  	s21 =	sadd.s32 $0x240, s21;
	v27 =	vnsel vm0, $0x0, v33;
	v33 =	vmul.f32 v33, v38;
	(erf) = vpow2.f32 v35  }
0x25c: {  	v26 =	vmul.f32 $1.442695020e+00, v26;
	v22 =	vsel vm2, v22, v29;
	[tilespmem:s21+$0x90] =	vst v37;
	(erf) = vpow2.f32 v36  }
0x25d: {  	v11 =	vsel vm3, v5, v11;
	v5 =	vmovc v8;
	v28 =	vmul.f32 $1.442695020e+00, v28;
	[tilespmem:s21+$0xA0] =	vst v33;
	(erf) = vpow2.f32 v34  }
0x25e: {  	v34 =	vmul.f32 $1.442695020e+00, v30;
	v8 =	vld [tilespmem:s26+$0x50];
	(erf) = vpow2.f32 v26;
	[tilespmem:s17+$0x80] =	vst v11;
	s17 =	smov.u32 s11;
	s11 =	smov.u32 s22;
	s22 =	smov.u32 s21  }
0x25f: {  	v11 =	vld [tilespmem:s20+$0x90];
	v26 =	vunpack.i.u.bf16.f32 v39;
	v30 =	vunpack.i.l.bf16.f32 v39;
	v33 =	vpop (erf);
	(erf) = vpow2.f32 v28  }
0x260: {  	v22 =	vsel vm3, v22, v33;
	v28 =	vmul.f32 v33, v26;
	(erf) = vpow2.f32 v34  }
0x261: {  	v35 =	vmul.f32 v33, v30;
	v29 =	vpop (erf);
	[tilespmem:s11+$0x110] =	vst v22  }
0x262: {  	v26 =	vnsel vm0, $0x0, v29;
	v36 =	vmul.f32 v29, v40;
	v33 =	vmul.f32 v29, v43;
	v29 =	vpop (erf);
	[tilespmem:s11+$0x100] =	vst v28  }
0x263: {  	v28 =	vmul.f32 v29, v32;
	v31 =	vmul.f32 v29, v31;
	v32 =	vunpack.i.u.bf16.f32 v8;
	[tilespmem:s11+$0xF0] =	vst v35;
	v34 =	vpop (erf)  }
0x264: {  	v8 =	vunpack.i.l.bf16.f32 v8;
	[tilespmem:s21+$0xFFFFFF70] =	vst v36;
	v36 =	vunpack.i.u.bf16.f32 v11;
	v11 =	vunpack.i.l.bf16.f32 v11;
	v30 =	vpop (erf)  }
0x265: {  	v29 =	vnsel vm0, $0x0, v29;
	[tilespmem:s21+$0xFFFFFEE0] =	vst v28;
	v8 =	vmul.f32 v11, v8;
	v11 =	vmul.f32 v36, v32;
	v22 =	vpop (erf)  }
0x266: {  	v28 =	vnsel vm0, $0x0, v30;
	v32 =	vmul.f32 v30, v45;
	[tilespmem:s21+$0xFFFFFEF0] =	vst v31;
	v31 =	vmul.f32 v30, v44;
	v35 =	vpop (erf)  }
0x267: {  	v37 =	vmul.f32 v34, v18;
	v36 =	vld [tilespmem:s26+$0xFFFFFF90];
	[tilespmem:s21+$0xFFFFFF80] =	vst v33;
	v33 =	vadd.f32 v8, v11;
	v8 =	vmul.f32 v34, v16;
	v30 =	vpop (erf)  }
0x268: {  	v16 =	vsel vm2, v17, v34;
	v17 =	vmul.f32 v22, v24;
	v24 =	vmul.f32 v22, v20;
	v38 =	vld [tilespmem:s20+$0xFFFFFF10];
	[tilespmem:s21+$0x0] =	vst v31;
	v20 =	vpop (erf)  }
0x269: {  	v18 =	vsel vm2, v21, v22;
	v21 =	vmul.f32 v35, v25;
	v31 =	vld [tilespmem:s26+$0xFFFFFFD0];
	[tilespmem:s21+$0x10] =	vst v32;
	v32 =	vperm.xlane v33, v1;
	v11 =	vpop (erf)  }
0x26a: {  	v14 =	vmul.f32 v30, v14;
	v22 =	vld [tilespmem:s20+$0xFFFFFF90];
	[tilespmem:s11+$0xFFFFFF20] =	vst v8;
	v8 =	vsel vm2, v19, v35;
	v19 =	vmul.f32 v35, v23  }
0x26b: {  	v12 =	vmul.f32 v30, v12;
	v15 =	vmul.f32 v20, v15;
	v23 =	vld [tilespmem:s26+$0x10];
	v25 =	vadd.f32 v33, v32;
	[tilespmem:s11+$0xFFFFFF30] =	vst v37  }
0x26c: {  	v13 =	vmul.f32 v20, v13;
	v32 =	vunpack.i.u.bf16.f32 v36;
	v33 =	vunpack.i.l.bf16.f32 v36;
	v34 =	vld [tilespmem:s20+$0x10];
	[tilespmem:s11+$0xFFFFFFB0] =	vst v17  }
0x26d: {  	v17 =	vunpack.i.u.bf16.f32 v38;
	v35 =	vunpack.i.l.bf16.f32 v38;
	v36 =	vld [tilespmem:s20+$0xFFFFFF50];
	v37 =	vperm.xlane v25, v2;
	[tilespmem:s11+$0xFFFFFFC0] =	vst v24  }
0x26e: {  	v24 =	vmul.f32 v35, v33;
	v33 =	vunpack.i.u.bf16.f32 v31;
	v31 =	vunpack.i.l.bf16.f32 v31;
	v35 =	vld [tilespmem:s20+$0xFFFFFFD0];
	[tilespmem:s11+$0x40] =	vst v21  }
0x26f: {  	v21 =	vunpack.i.u.bf16.f32 v22;
	v22 =	vunpack.i.l.bf16.f32 v22;
	v38 =	vld [tilespmem:s20+$0x50];
	v25 =	vadd.f32 v25, v37;
	[tilespmem:s11+$0x50] =	vst v19  }
0x270: {  	v17 =	vmul.f32 v17, v32;
	v19 =	vunpack.i.u.bf16.f32 v23;
	v23 =	vunpack.i.l.bf16.f32 v23;
	v32 =	vld [tilespmem:s19+$0xFFFFFFB0];
	[tilespmem:s17+$0xFFFFFF40] =	vst v14  }
0x271: {  	v14 =	vunpack.i.u.bf16.f32 v34;
	v34 =	vunpack.i.l.bf16.f32 v34;
	v37 =	vperm.xlane v25, v3;
	v39 =	vld [tilespmem:s23+$0xFFFFFF30];
	[tilespmem:s17+$0xFFFFFF50] =	vst v12  }
0x272: {  	v22 =	vmul.f32 v22, v31;
	v21 =	vmul.f32 v21, v33;
	v12 =	vadd.f32 v24, v17;
	v31 =	vld [tilespmem:s19+$0xFFFFFFF0];
	[tilespmem:s17+$0xFFFFFFD0] =	vst v15  }
0x273: {  	v15 =	vmul.f32 v34, v23;
	v14 =	vmul.f32 v14, v19;
	v19 =	vadd.f32 v25, v37;
	v25 =	vld [tilespmem:s23+$0xFFFFFFB0];
	[tilespmem:s17+$0xFFFFFFE0] =	vst v13  }
0x274: {  	v17 =	vunpack.i.u.bf16.f32 v36;
	v22 =	vadd.f32 v22, v21;
	v13 =	vperm.xlane v12, v1;
	v33 =	vld [tilespmem:s19+$0x30];
	s19 =	smov.u32 s26  }
0x275: {  	v21 =	vunpack.i.l.bf16.f32 v36;
	v14 =	vadd.f32 v15, v14;
	v15 =	vperm.xlane v19, v4;
	v34 =	vld [tilespmem:s23+$0x30]  }
0x276: {  	v23 =	vunpack.i.u.bf16.f32 v35;
	v12 =	vadd.f32 v12, v13;
	v13 =	vperm.xlane v22, v1;
	v36 =	vld [tilespmem:s23+$0xFFFFFF70]  }
0x277: {  	v24 =	vunpack.i.l.bf16.f32 v35;
	v35 =	vperm.xlane v14, v1;
	v15 =	vadd.f32 v19, v15;
	v37 =	vld [tilespmem:s23+$0xFFFFFFF0]  }
0x278: {  	v40 =	vperm.xlane v12, v2;
	v13 =	vadd.f32 v22, v13;
	v19 =	vunpack.i.u.bf16.f32 v38;
	v22 =	vld [tilespmem:s23+$0x70];
	s23 =	smov.u32 s20  }
0x279: {  	v14 =	vadd.f32 v14, v35;
	v35 =	vunpack.i.l.bf16.f32 v38;
	v15 =	vmax.f32 v15, $-1.000000000e+01  }
0x27a: {  	v12 =	vadd.f32 v12, v40;
	v38 =	vperm.xlane v13, v2;
	v15 =	vmin.f32 v15, $1.000000000e+01  }
0x27b: {  	v41 =	vunpack.i.u.bf16.f32 v32;
	v40 =	vperm.xlane v14, v2;
	v15 =	vmul.f32 $1.442695020e+00, v15  }
0x27c: {  	v32 =	vunpack.i.l.bf16.f32 v32;
	v42 =	vperm.xlane v12, v3;
	v13 =	vadd.f32 v13, v38  }
0x27d: {  	v14 =	vadd.f32 v14, v40;
	(erf) = vpow2.f32 v15;
	v15 =	vunpack.i.u.bf16.f32 v39  }
0x27e: {  	v12 =	vadd.f32 v12, v42;
	v38 =	vperm.xlane v13, v3;
	v39 =	vunpack.i.l.bf16.f32 v39  }
0x27f: {  	v42 =	vunpack.i.u.bf16.f32 v31;
	v31 =	vunpack.i.l.bf16.f32 v31;
	v40 =	vperm.xlane v14, v3  }
0x280: {  	v43 =	vperm.xlane v12, v4;
	v13 =	vadd.f32 v13, v38;
	v38 =	vunpack.i.u.bf16.f32 v25  }
0x281: {  	v44 =	vunpack.i.u.bf16.f32 v33;
	v25 =	vunpack.i.l.bf16.f32 v25;
	v14 =	vadd.f32 v14, v40;
	v40 =	vld [tilespmem:s20+$0xD0]  }
0x282: {  	v33 =	vunpack.i.l.bf16.f32 v33;
	v12 =	vadd.f32 v12, v43;
	v43 =	vperm.xlane v13, v4  }
0x283: {  	v46 =	vunpack.i.u.bf16.f32 v34;
	v34 =	vunpack.i.l.bf16.f32 v34;
	v45 =	vperm.xlane v14, v4  }
0x284: {  	v32 =	vmul.f32 v39, v32;
	v12 =	vmax.f32 v12, $-1.000000000e+01;
	v13 =	vadd.f32 v13, v43  }
0x285: {  	v15 =	vmul.f32 v15, v41;
	v12 =	vmin.f32 v12, $1.000000000e+01;
	v14 =	vadd.f32 v14, v45  }
0x286: {  	v12 =	vmul.f32 $1.442695020e+00, v12;
	v13 =	vmax.f32 v13, $-1.000000000e+01;
	v39 =	vunpack.i.l.bf16.f32 v40;
	v41 =	vpop (erf)  }
0x287: {  	v14 =	vmax.f32 v14, $-1.000000000e+01;
	v40 =	vunpack.i.u.bf16.f32 v40;
	v39 =	vmul.f32 v41, v39  }
0x288: {  	v13 =	vmin.f32 v13, $1.000000000e+01;
	v14 =	vmin.f32 v14, $1.000000000e+01;
	v40 =	vmul.f32 v41, v40  }
0x289: {  	v32 =	vadd.f32 v32, v15;
	v13 =	vmul.f32 $1.442695020e+00, v13;
	v43 =	vmul.f32 $1.442695020e+00, v14;
	[tilespmem:s21+$0xB0] =	vst v39  }
0x28a: {  	v15 =	vmul.f32 v25, v31;
	[tilespmem:s21+$0xC0] =	vst v40;
	(erf) = vpow2.f32 v12;
	v12 =	vunpack.i.u.bf16.f32 v36  }
0x28b: {  	v31 =	vmul.f32 v38, v42;
	v14 =	vunpack.i.l.bf16.f32 v36;
	v25 =	vld [tilespmem:s26+$0x60];
	(erf) = vpow2.f32 v13  }
0x28c: {  	v33 =	vmul.f32 v34, v33;
	v13 =	vunpack.i.u.bf16.f32 v37;
	v36 =	vld [tilespmem:s20+$0xA0];
	(erf) = vpow2.f32 v43  }
0x28d: {  	v38 =	vmul.f32 v46, v44;
	v34 =	vperm.xlane v32, v1;
	v31 =	vadd.f32 v15, v31  }
0x28e: {  	v15 =	vunpack.i.l.bf16.f32 v37;
	v39 =	vunpack.i.l.bf16.f32 v22;
	v37 =	vunpack.i.u.bf16.f32 v22  }
0x28f: {  	v33 =	vadd.f32 v33, v38;
	v32 =	vadd.f32 v32, v34;
	v34 =	vperm.xlane v31, v1  }
0x290: {  	v38 =	vmul.f32 v11, v10;
	v10 =	vmovc v39;
	v22 =	vsel vm1, v27, v41;
	v27 =	vunpack.i.u.bf16.f32 v25  }
0x291: {  	v25 =	vunpack.i.l.bf16.f32 v25;
	v39 =	vunpack.i.u.bf16.f32 v36;
	v36 =	vunpack.i.l.bf16.f32 v36  }
0x292: {  	v31 =	vadd.f32 v31, v34;
	v25 =	vmul.f32 v36, v25;
	v39 =	vmul.f32 v39, v27;
	[tilespmem:s17+$0x60] =	vst v38  }
0x293: {  	v7 =	vsel vm3, v7, v30;
	v36 =	vperm.xlane v32, v2;
	v38 =	vperm.xlane v33, v1;
	v34 =	vpop (erf)  }
0x294: {  	v21 =	vmul.f32 v34, v21;
	v30 =	vmul.f32 v34, v17;
	v25 =	vadd.f32 v25, v39;
	v27 =	vpop (erf);
	[tilespmem:s17+$0xFFFFFF60] =	vst v7  }
0x295: {  	v33 =	vadd.f32 v33, v38;
	v7 =	vmul.f32 v27, v24;
	v23 =	vmul.f32 v27, v23;
	v24 =	vpop (erf)  }
0x296: {  	v32 =	vadd.f32 v32, v36;
	[tilespmem:s21+$0xFFFFFF00] =	vst v21;
	v35 =	vmul.f32 v24, v35;
	v21 =	vperm.xlane v25, v1  }
0x297: {  	v17 =	vsel vm1, v29, v34;
	v29 =	vmul.f32 v24, v19;
	[tilespmem:s21+$0xFFFFFF10] =	vst v30;
	v30 =	vperm.xlane v31, v2  }
0x298: {  	v36 =	vperm.xlane v33, v2;
	v34 =	vld [tilespmem:s26+$0xFFFFFFA0];
	[tilespmem:s21+$0xFFFFFF90] =	vst v7;
	v7 =	vadd.f32 v25, v21;
	v25 =	vperm.xlane v32, v3  }
0x299: {  	v19 =	vsel vm1, v28, v24;
	v21 =	vsel vm1, v26, v27;
	v38 =	vld [tilespmem:s20+$0xFFFFFF20];
	[tilespmem:s21+$0xFFFFFFA0] =	vst v23;
	v23 =	vadd.f32 v31, v30  }
0x29a: {  	v28 =	vadd.f32 v33, v36;
	v24 =	vld [tilespmem:s26+$0xFFFFFFE0];
	[tilespmem:s21+$0x20] =	vst v35;
	v26 =	vperm.xlane v7, v2;
	v27 =	vadd.f32 v32, v25  }
0x29b: {  	v36 =	vmul.f32 v11, v9;
	v35 =	vsel vm3, v6, v20;
	v25 =	vld [tilespmem:s20+$0xFFFFFFA0];
	[tilespmem:s21+$0x30] =	vst v29;
	v29 =	vperm.xlane v23, v3  }
0x29c: {  	v31 =	vperm.xlane v28, v3;
	v20 =	vld [tilespmem:s26+$0x20];
	v26 =	vadd.f32 v7, v26;
	v30 =	vperm.xlane v27, v4;
	[tilespmem:s17+$0xFFFFFFF0] =	vst v35  }
0x29d: {  	v6 =	vmovc v18;
	v7 =	vmovc v16;
	v32 =	vunpack.i.u.bf16.f32 v34;
	v33 =	vunpack.i.l.bf16.f32 v34;
	v34 =	vld [tilespmem:s20+$0x20];
	v29 =	vadd.f32 v23, v29;
	[tilespmem:s17+$0x70] =	vst v36  }
0x29e: {  	v9 =	vmovc v37;
	v16 =	vunpack.i.u.bf16.f32 v38;
	v18 =	vunpack.i.l.bf16.f32 v38;
	v23 =	vld [tilespmem:s20+$0xFFFFFF60];
	v35 =	vperm.xlane v26, v3  }
0x29f: {  	v18 =	vmul.f32 v18, v33;
	v33 =	vunpack.i.u.bf16.f32 v24;
	v24 =	vunpack.i.l.bf16.f32 v24;
	v36 =	vld [tilespmem:s20+$0xFFFFFFE0]  }
0x2a0: {  	v37 =	vunpack.i.u.bf16.f32 v25;
	v25 =	vunpack.i.l.bf16.f32 v25;
	v38 =	vld [tilespmem:s20+$0x60];
	v26 =	vadd.f32 v26, v35  }
0x2a1: {  	v16 =	vmul.f32 v16, v32;
	v32 =	vunpack.i.u.bf16.f32 v20;
	v20 =	vunpack.i.l.bf16.f32 v20  }
0x2a2: {  	v35 =	vunpack.i.u.bf16.f32 v34;
	v34 =	vunpack.i.l.bf16.f32 v34;
	v39 =	vperm.xlane v26, v4  }
0x2a3: {  	v40 =	vadd.f32 v18, v16;
	v16 =	vmul.f32 v25, v24;
	v24 =	vmul.f32 v37, v33  }
0x2a4: {  	v20 =	vmul.f32 v34, v20;
	v25 =	vmul.f32 v35, v32;
	v26 =	vadd.f32 v26, v39  }
0x2a5: {  	v32 =	vperm.xlane v40, v1;
	v18 =	vunpack.i.u.bf16.f32 v23;
	v24 =	vadd.f32 v16, v24  }
0x2a6: {  	v16 =	vunpack.i.l.bf16.f32 v23;
	v23 =	vadd.f32 v20, v25;
	v20 =	vmax.f32 v26, $-1.000000000e+01  }
0x2a7: {  	v25 =	vadd.f32 v40, v32;
	v26 =	vperm.xlane v24, v1;
	v32 =	vmin.f32 v20, $1.000000000e+01  }
0x2a8: {  	v20 =	vunpack.i.u.bf16.f32 v36;
	v33 =	vperm.xlane v23, v1;
	v32 =	vmul.f32 $1.442695020e+00, v32  }
0x2a9: {  	v34 =	vperm.xlane v25, v2;
	v26 =	vadd.f32 v24, v26;
	v24 =	vunpack.i.l.bf16.f32 v36  }
0x2aa: {  	v33 =	vadd.f32 v23, v33;
	v23 =	vunpack.i.u.bf16.f32 v38;
	(erf) = vpow2.f32 v32  }
0x2ab: {  	v32 =	vadd.f32 v25, v34;
	v34 =	vperm.xlane v26, v2;
	v25 =	vunpack.i.l.bf16.f32 v38  }
0x2ac: {  	v37 =	vadd.f32 v28, v31;
	v36 =	vperm.xlane v29, v4;
	v35 =	vperm.xlane v33, v2  }
.Ltmp1:
0x2ad: {  	v30 =	vadd.f32 v27, v30;
	v28 =	vperm.xlane v32, v3;
	v26 =	vadd.f32 v26, v34;
	(pc) =	sbr.rel @p3 .LBB2_5-.Ltmp1, $4  }
0x2ae: {  	v29 =	vadd.f32 v29, v36;
	v27 =	vadd.f32 v33, v35;
	v33 =	vperm.xlane v37, v4;
	v34 =	vld [tilespmem:s20+$0xE0]  }
0x2af: {  	v35 =	vmax.f32 v30, $-1.000000000e+01;
	v31 =	vadd.f32 v32, v28;
	v32 =	vperm.xlane v26, v3  }
0x2b0: {  	v29 =	vmax.f32 v29, $-1.000000000e+01;
	v28 =	vperm.xlane v27, v3;
	v30 =	vadd.f32 v37, v33  }
0x2b1: {  	s26 =	sadd.s32 $0x100, s26;
	v33 =	vperm.xlane v31, v4;
	v32 =	vadd.f32 v26, v32;
	v26 =	vmin.f32 v35, $1.000000000e+01  }
0x2b2: {  	_ = 	snop  }
0x2b3: {  	v35 =	vunpack.i.l.bf16.f32 v34;
	v36 =	vpop (erf)  }
0x2b4: {  	v37 =	vunpack.i.u.bf16.f32 v34;
	v35 =	vmul.f32 v36, v35  }
0x2b5: {  	v34 =	vmul.f32 v36, v37  }
0x2b6: {  	[tilespmem:s21+$0xD0] =	vst v35  }
0x2b7: {  	[tilespmem:s21+$0xE0] =	vst v34  }
0x2b8: {  	v34 =	vld [tilespmem:s19+$0x70]  }
0x2b9: {  	v35 =	vld [tilespmem:s23+$0xB0];
	_ =	sdelay $0x3  }
0x2ba: {  	v37 =	vunpack.i.u.bf16.f32 v34  }
0x2bb: {  	v34 =	vunpack.i.l.bf16.f32 v34;
	v38 =	vunpack.i.u.bf16.f32 v35;
	v35 =	vunpack.i.l.bf16.f32 v35  }
0x2bc: {  	v34 =	vmul.f32 v35, v34;
	v38 =	vmul.f32 v38, v37;
	_ =	sdelay $0x1  }
0x2bd: {  	v34 =	vadd.f32 v34, v38;
	_ =	sdelay $0x1  }
0x2be: {  	v35 =	vperm.xlane v34, v1;
	_ =	sdelay $0x1  }
0x2bf: {  	v34 =	vadd.f32 v34, v35;
	_ =	sdelay $0x1  }
0x2c0: {  	v35 =	vperm.xlane v34, v2;
	_ =	sdelay $0x1  }
0x2c1: {  	v34 =	vadd.f32 v34, v35;
	_ =	sdelay $0x1  }
0x2c2: {  	v35 =	vperm.xlane v34, v3;
	_ =	sdelay $0x1  }
0x2c3: {  	v34 =	vadd.f32 v34, v35;
	_ =	sdelay $0x1  }
0x2c4: {  	v35 =	vperm.xlane v34, v4;
	_ =	sdelay $0x1  }
0x2c5: {  	v39 =	vadd.f32 v34, v35  }
0x2c6: {  	v27 =	vadd.f32 v27, v28;
	v31 =	vadd.f32 v31, v33  }
0x2c7: {  	v40 =	vperm.xlane v32, v4;
	v28 =	vmax.f32 v39, $-1.000000000e+01  }
0x2c8: {  	v41 =	vperm.xlane v27, v4;
	v31 =	vmax.f32 v31, $-1.000000000e+01;
	v28 =	vmin.f32 v28, $1.000000000e+01  }
0x2c9: {  	v32 =	vadd.f32 v32, v40;
	v31 =	vmin.f32 v31, $1.000000000e+01;
	v28 =	vmul.f32 $1.442695020e+00, v28  }
0x2ca: {  	v31 =	vmul.f32 $1.442695020e+00, v31  }
0x2cb: {  	v27 =	vadd.f32 v27, v41;
	v32 =	vmax.f32 v32, $-1.000000000e+01;
	(erf) = vpow2.f32 v28  }
0x2cc: {  	v32 =	vmin.f32 v32, $1.000000000e+01;
	(erf) = vpow2.f32 v31  }
0x2cd: {  	v27 =	vmax.f32 v27, $-1.000000000e+01;
	v42 =	vmul.f32 $1.442695020e+00, v32  }
0x2ce: {  	v27 =	vmin.f32 v27, $1.000000000e+01  }
0x2cf: {  	v27 =	vmul.f32 $1.442695020e+00, v27;
	(erf) = vpow2.f32 v42;
	_ =	sdelay $0x1  }
0x2d0: {  	(erf) = vpow2.f32 v27;
	_ =	sdelay $0x2  }
0x2d1: {  	v31 =	vpop (erf)  }
0x2d2: {  	v27 =	vpop (erf)  }
0x2d3: {  	v16 =	vmul.f32 v27, v16;
	_ =	sdelay $0x1  }
0x2d4: {  	v28 =	vpop (erf);
	v18 =	vmul.f32 v27, v18  }
0x2d5: {  	v24 =	vmul.f32 v28, v24;
	[tilespmem:s22+$0xFFFFFF20] =	vst v16  }
0x2d6: {  	v20 =	vmul.f32 v28, v20;
	[tilespmem:s22+$0xFFFFFF30] =	vst v18;
	v16 =	vpop (erf)  }
0x2d7: {  	[tilespmem:s22+$0xFFFFFFB0] =	vst v24;
	v44 =	vld [tilespmem:s19+$0xFFFFFFB0];
	v43 =	vmul.f32 v16, v25  }
0x2d8: {  	[tilespmem:s22+$0xFFFFFFC0] =	vst v20;
	v45 =	vld [tilespmem:s23+$0xFFFFFF30];
	v23 =	vmul.f32 v16, v23  }
0x2d9: {  	v46 =	vld [tilespmem:s19+$0xFFFFFFF0];
	[tilespmem:s22+$0x40] =	vst v43  }
0x2da: {  	v47 =	vld [tilespmem:s23+$0xFFFFFFB0];
	[tilespmem:s22+$0x50] =	vst v23  }
0x2db: {  	v48 =	vld [tilespmem:s19+$0x30]  }
0x2dc: {  	v49 =	vld [tilespmem:s23+$0x30];
	v50 =	vunpack.i.u.bf16.f32 v44  }
0x2dd: {  	v24 =	vunpack.i.l.bf16.f32 v44;
	v51 =	vunpack.i.u.bf16.f32 v45;
	v20 =	vunpack.i.l.bf16.f32 v45  }
0x2de: {  	v20 =	vmul.f32 v20, v24;
	v52 =	vmul.f32 v51, v50  }
0x2df: {  	v53 =	vunpack.i.u.bf16.f32 v46;
	v18 =	vunpack.i.l.bf16.f32 v46;
	v23 =	vunpack.i.l.bf16.f32 v47  }
0x2e0: {  	v54 =	vunpack.i.u.bf16.f32 v47;
	v18 =	vmul.f32 v23, v18;
	v20 =	vadd.f32 v20, v52  }
0x2e1: {  	v57 =	vmul.f32 v54, v53;
	v55 =	vunpack.i.l.bf16.f32 v48;
	v56 =	vunpack.i.l.bf16.f32 v49  }
0x2e2: {  	v25 =	vunpack.i.u.bf16.f32 v48;
	v32 =	vunpack.i.u.bf16.f32 v49;
	v58 =	vperm.xlane v20, v1  }
0x2e3: {  	v18 =	vadd.f32 v18, v57;
	v24 =	vmul.f32 v56, v55;
	v59 =	vmul.f32 v32, v25  }
0x2e4: {  	v20 =	vadd.f32 v20, v58  }
0x2e5: {  	v60 =	vperm.xlane v18, v1;
	v23 =	vadd.f32 v24, v59  }
0x2e6: {  	v61 =	vperm.xlane v20, v2  }
0x2e7: {  	v18 =	vadd.f32 v18, v60;
	v62 =	vperm.xlane v23, v1  }
0x2e8: {  	v26 =	vmul.f32 $1.442695020e+00, v26;
	v20 =	vadd.f32 v20, v61  }
0x2e9: {  	v63 =	vperm.xlane v18, v2;
	v23 =	vadd.f32 v23, v62  }
0x2ea: {  	(erf) = vpow2.f32 v26;
	v37 =	vperm.xlane v20, v3  }
0x2eb: {  	v18 =	vadd.f32 v18, v63;
	v38 =	vperm.xlane v23, v2  }
0x2ec: {  	v5 =	vsel vm3, v5, v11;
	v22 =	vsel vm2, v22, v36;
	v41 =	vld [tilespmem:s23+$0xF0];
	v20 =	vadd.f32 v20, v37  }
0x2ed: {  	v39 =	vmin.f32 v29, $1.000000000e+01;
	v42 =	vperm.xlane v18, v3;
	v23 =	vadd.f32 v23, v38  }
0x2ee: {  	v40 =	vmax.f32 v30, $-1.000000000e+01;
	v24 =	vmul.f32 $1.442695020e+00, v39;
	v43 =	vperm.xlane v20, v4  }
0x2ef: {  	v29 =	vmin.f32 v40, $1.000000000e+01;
	v18 =	vadd.f32 v18, v42;
	v32 =	vperm.xlane v23, v3  }
0x2f0: {  	v44 =	vmul.f32 $1.442695020e+00, v29;
	(erf) = vpow2.f32 v24;
	v20 =	vadd.f32 v20, v43  }
0x2f1: {  	v46 =	vunpack.i.u.bf16.f32 v41;
	v45 =	vperm.xlane v18, v4;
	v23 =	vadd.f32 v23, v32  }
0x2f2: {  	[tilespmem:s17+$0x80] =	vst v5;
	v5 =	vmul.f32 v31, v46;
	(erf) = vpow2.f32 v44;
	v20 =	vmax.f32 v20, $-1.000000000e+01  }
0x2f3: {  	v50 =	vpop (erf);
	v18 =	vadd.f32 v18, v45;
	v47 =	vperm.xlane v23, v4;
	v20 =	vmin.f32 v20, $1.000000000e+01  }
0x2f4: {  	v22 =	vsel vm3, v22, v31;
	[tilespmem:s22+$0x100] =	vst v5;
	v5 =	vmul.f32 v50, v14;
	v20 =	vmul.f32 $1.442695020e+00, v20  }
0x2f5: {  	v12 =	vmul.f32 v50, v12;
	v18 =	vmax.f32 v18, $-1.000000000e+01;
	v23 =	vadd.f32 v23, v47  }
0x2f6: {  	[tilespmem:s22+$0x110] =	vst v22;
	v7 =	vsel vm3, v7, v50;
	v18 =	vmin.f32 v18, $1.000000000e+01;
	(erf) = vpow2.f32 v20  }
0x2f7: {  	v48 =	vunpack.i.l.bf16.f32 v41;
	[tilespmem:s11+$0xFFFFFF60] =	vst v7;
	v18 =	vmul.f32 $1.442695020e+00, v18;
	v23 =	vmax.f32 v23, $-1.000000000e+01  }
0x2f8: {  	v49 =	vmul.f32 v31, v48;
	[tilespmem:s11+$0xFFFFFF40] =	vst v5;
	v51 =	vmin.f32 v23, $1.000000000e+01  }
0x2f9: {  	[tilespmem:s11+$0xFFFFFF50] =	vst v12;
	v52 =	vpop (erf);
	(erf) = vpow2.f32 v18;
	v14 =	vmul.f32 $1.442695020e+00, v51  }
0x2fa: {  	v53 =	vld [tilespmem:s23+$0xFFFFFF70];
	[tilespmem:s22+$0xF0] =	vst v49;
	v15 =	vmul.f32 v52, v15;
	v6 =	vsel vm3, v6, v52  }
0x2fb: {  	v5 =	vpop (erf);
	v13 =	vmul.f32 v52, v13;
	[tilespmem:s11+$0xFFFFFFF0] =	vst v6;
	(erf) = vpow2.f32 v14  }
0x2fc: {  	[tilespmem:s11+$0xFFFFFFD0] =	vst v15  }
0x2fd: {  	v54 =	vld [tilespmem:s23+$0xFFFFFFF0];
	v10 =	vmul.f32 v5, v10;
	v7 =	vmul.f32 v5, v9;
	v5 =	vsel vm3, v8, v5;
	[tilespmem:s11+$0xFFFFFFE0] =	vst v13  }
0x2fe: {  	[tilespmem:s11+$0x80] =	vst v5  }
0x2ff: {  	v55 =	vld [tilespmem:s23+$0x70];
	v56 =	vunpack.i.l.bf16.f32 v53;
	v57 =	vunpack.i.u.bf16.f32 v53;
	v62 =	vsel vm2, v17, v27;
	[tilespmem:s11+$0x60] =	vst v10;
	v6 =	vpop (erf)  }
0x300: {  	[tilespmem:s11+$0x70] =	vst v7;
	v7 =	vmul.f32 v6, v56;
	v59 =	vmul.f32 v6, v57;
	v6 =	vsel vm3, v62, v6  }
0x301: {  	[tilespmem:s22+$0xFFFFFF60] =	vst v6  }
0x302: {  	v58 =	vunpack.i.l.bf16.f32 v54;
	v60 =	vunpack.i.u.bf16.f32 v54;
	v63 =	vsel vm2, v21, v28;
	v5 =	vpop (erf);
	[tilespmem:s22+$0xFFFFFF40] =	vst v7  }
0x303: {  	v8 =	vmul.f32 v5, v58;
	v11 =	vmul.f32 v5, v60;
	v5 =	vsel vm3, v63, v5;
	[tilespmem:s22+$0xFFFFFF50] =	vst v59  }
0x304: {  	v7 =	vunpack.i.l.bf16.f32 v55;
	[tilespmem:s22+$0xFFFFFFF0] =	vst v5;
	v61 =	vpop (erf)  }
0x305: {  	p3 =	sne.s32 s18, $0xFA;
	v10 =	vunpack.i.u.bf16.f32 v55;
	[tilespmem:s22+$0xFFFFFFD0] =	vst v8;
	v7 =	vmul.f32 v61, v7  }
.Ltmp2:
0x306: {  	[tilespmem:s22+$0xFFFFFFE0] =	vst v11;
	v6 =	vmul.f32 v61, v10;
	(pc) =	sbr.rel @p3 .LBB2_4-.Ltmp2, $4  }
0x307: {  	s26 =	smul.u32 $0xA0, s16;
	[tilespmem:s22+$0x60] =	vst v7;
	v7 =	vsel vm2, v19, v16  }
0x308: {  	[tilespmem:s22+$0x70] =	vst v6;
	v5 =	vsel vm3, v7, v61  }
0x309: {  	p2 =	por !p2, !p2;
	s16 =	smov.u32 s18;
	s11 =	sshrl.u32 s26, $0x2;
	[tilespmem:s22+$0x80] =	vst v5  }
0x30a: {  	[spmem:s2] =	stream.indirect.scatter.add.f32 [tilespmem:s13], [sflag:$0x6], $0x90, s11, s12, $0xb8;
	[tilespmem:$0x1B2D8] =	vst v63  }
0x30b: {  	_ =	swait.ge [sflag:s14], $0x1680  }
0x30c: {  	s11 =	sadd.s32 $0x0, s3;
	s16 =	sadd.s32 $0x2D00, s25;
	s18 =	smov.u32 s25  }
0x30d: {  	[sflag:s14] =	ssyncset.done $0x0;
	p2 =	sgt.u32 s11, $0xF9;
	s11 =	simm.s32 $0x10  }
0x30e: {  	[sflag:s14] =	ssyncadd.s32 $0xFFFFE980;
	s17 =	sshll.u32 @!p2 s3, $0x6;
	s20 =	sshrl.u32 @!p2 s9, $0x3  }
0x30f: {  	[bflag:$0x0] =	sbarrier.arrive $0xFFFF;
	s19 =	sor.u32 @!p2 $0x1C06, s17;
	s17 =	smov.u32 s10  }
.LBB2_8:
0x310: {  	[hbm:s18], [sflag:s19] =	dma.local @!p2 [spmem:s20], $0x2D0  }
0x311: {  	s18 =	smov.u32 s11;
	s11 =	sadd.s32 $0x10, s11  }
0x312: {  	p3 =	sne.s32 s11, $0x100  }
.Ltmp3:
0x313: {  	(pc) =	sbr.rel @p3 .LBB2_8-.Ltmp3, $4  }
0x314: {  	s19 =	sadd.s32 s18, s3;
	s18 =	smov.u32 s16  }
0x315: {  	p2 =	sgt.u32 s19, $0xF9  }
0x316: {  	s16 =	sadd.s32 $0x2D00, s16;
	s19 =	sshll.u32 @!p2 s3, $0x6  }
0x317: {  	s20 =	sshrl.u32 @!p2 s17, $0x3;
	s17 =	sadd.s32 $0x16800, s17;
	s19 =	sor.u32 @!p2 $0x1C06, s19  }
0x318: {  	[hbm:s18], [sflag:s19] =	dma.local @!p2 [spmem:s20], $0x2D0  }
0x319: {  	_ =	swait.ge [sflag:s14], $0x2D0  }
0x31a: {  	[sflag:s14] =	ssyncset.done $0x0  }
0x31b: {  	[sflag:s14] =	ssyncadd.s32 $0xFFFFFD30  }
0x31c: {  	_ =	swait.ge [sflag:s14], $0x2D0  }
0x31d: {  	[sflag:s14] =	ssyncset.done $0x0  }
0x31e: {  	[sflag:s14] =	ssyncadd.s32 $0xFFFFFD30  }
0x31f: {  	_ =	swait.ge [sflag:s14], $0x2D0  }
0x320: {  	[sflag:s14] =	ssyncset.done $0x0  }
0x321: {  	[sflag:s14] =	ssyncadd.s32 $0xFFFFFD30  }
0x322: {  	_ =	swait.ge [sflag:s14], $0x2D0  }
0x323: {  	[sflag:s14] =	ssyncset.done $0x0  }
0x324: {  	[sflag:s14] =	ssyncadd.s32 $0xFFFFFD30  }
0x325: {  	_ =	swait.ge [sflag:s14], $0x2D0  }
0x326: {  	[sflag:s14] =	ssyncset.done $0x0  }
0x327: {  	[sflag:s14] =	ssyncadd.s32 $0xFFFFFD30  }
0x328: {  	_ =	swait.ge [sflag:s14], $0x2D0  }
0x329: {  	[sflag:s14] =	ssyncset.done $0x0  }
0x32a: {  	[sflag:s14] =	ssyncadd.s32 $0xFFFFFD30  }
0x32b: {  	_ =	swait.ge [sflag:s14], $0x2D0  }
0x32c: {  	[sflag:s14] =	ssyncset.done $0x0  }
0x32d: {  	[sflag:s14] =	ssyncadd.s32 $0xFFFFFD30  }
0x32e: {  	_ =	swait.ge [sflag:s14], $0x2D0  }
0x32f: {  	[sflag:s14] =	ssyncset.done $0x0  }
0x330: {  	[sflag:s14] =	ssyncadd.s32 $0xFFFFFD30  }
0x331: {  	_ =	swait.ge [sflag:s14], $0x2D0  }
0x332: {  	[sflag:s14] =	ssyncset.done $0x0  }
0x333: {  	[sflag:s14] =	ssyncadd.s32 $0xFFFFFD30  }
0x334: {  	_ =	swait.ge [sflag:s14], $0x2D0  }
0x335: {  	[sflag:s14] =	ssyncset.done $0x0  }
0x336: {  	[sflag:s14] =	ssyncadd.s32 $0xFFFFFD30  }
0x337: {  	_ =	swait.ge [sflag:s14], $0x2D0  }
0x338: {  	[sflag:s14] =	ssyncset.done $0x0  }
0x339: {  	[sflag:s14] =	ssyncadd.s32 $0xFFFFFD30  }
0x33a: {  	_ =	swait.ge [sflag:s14], $0x2D0  }
0x33b: {  	[sflag:s14] =	ssyncset.done $0x0  }
0x33c: {  	[sflag:s14] =	ssyncadd.s32 $0xFFFFFD30  }
0x33d: {  	_ =	swait.ge [sflag:s14], $0x2D0  }
0x33e: {  	[sflag:s14] =	ssyncset.done $0x0  }
0x33f: {  	[sflag:s14] =	ssyncadd.s32 $0xFFFFFD30  }
0x340: {  	_ =	swait.ge [sflag:s14], $0x2D0  }
0x341: {  	[sflag:s14] =	ssyncset.done $0x0  }
0x342: {  	[sflag:s14] =	ssyncadd.s32 $0xFFFFFD30  }
0x343: {  	_ =	swait.ge [sflag:s14], $0x2D0  }
0x344: {  	[sflag:s14] =	ssyncset.done $0x0  }
0x345: {  	s11 =	simm.s32 @!p1 $0x6;
	[sflag:s14] =	ssyncadd.s32 $0xFFFFFD30  }
0x346: {  	_ =	swait.ge @!p1 [sflag:s11], $0x2D0  }
0x347: {  	s15 =	sadd.s32 $0x1, s15;
	s16 =	rddreg [dreg:$0xb]  }
0x348: {  	p2 =	sne.s32 s15, s16  }
.Ltmp4:
0x349: {  	_ = 	snop;
	(pc) =	sbr.rel @p2 .LBB2_1-.Ltmp4, $3  }
0x34a: {  	_ =	sdelay $0x1  }
0x34b: {  	[sflag:s11] =	ssyncset.done @!p1 $0x0  }
0x34c: {  	[sflag:s11] =	ssyncadd.s32 @!p1 $0xFFFFFD30  }
0x34d: {  	_ =	sfence.sel $0x180000  }
0x34e: {  	[bflag:$0x0] =	sbarrier.arrive $0xFFFF  }
0x34f: {  	_ =	strace $0x90000047  }
0x350: {  	[bflag:$0x2] =	sbarrier.arrive $0xFFFF  }
0x351: {  	p0 =	sne.s32 s3, $0x0;
	s0 =	rddreg [dreg:$0x3]  }
0x352: {  	s0 =	sadd.s32 @!p0 $0x100000, s0  }
0x353: {  	[sflag:s0] =	ssyncadd.tile.s32 @!p0 $0x1;
	_ =	shalt  }
.Lfunc_end2:
_tile_overlayer_lowered:
.L_overlay_start_2:
0x354: {  	(tag) =	ssettag $0x2  }
0x355: {  	s0 =	rddreg [dreg:$0x0];
	s2 =	stileid.u32  }
0x356: {  	s1 =	rddreg [dreg:$0x1];
	p0 =	sne.s32 s2, $0x0  }
0x357: {  	s3 =	rddreg [dreg:$0x2];
	[bflag:$0x3] =	sbarrier.arrive $0xFFFF;
	s2 =	simm.s32 @!p0 $0x1C07  }
0x358: {  	[timem:s3], [sflag:s2] =	dma.local @!p0 [hbm:s0], s1  }
0x359: {  	s0 =	simm.s32 @!p0 $0x7  }
0x35a: {  	_ =	swait.ge @!p0 [sflag:s0], s1  }
0x35b: {  	s1 =	ssub.s32 @!p0 $0x0, s1;
	[sflag:s0] =	ssyncset.done @!p0 $0x0  }
0x35c: {  	[sflag:s0] =	ssyncadd.s32 @!p0 s1  }
0x35d: {  	[bflag:$0x3] =	sbarrier.arrive $0xFFFF  }
0x35e: {  	_ =	shalt  }

</sc_bundles>
